<compile_context>
chip_gen: v7x
topology: tpu7x:2x2x1
jax: 0.10.2.dev20260603
libtpu: 0.0.44.dev20260713+nightly
codegen_flags: <defaults>
</compile_context>

<pallas_src>
import jax
import jax.numpy as jnp
from jax import lax
from jax.experimental import pallas as pl
from jax.experimental.pallas import tpu as pltpu
from jax.experimental.pallas import tpu_sc as plsc

N = 10000
E = 320000
D = 128
H = 128
G = 64

NP = 10240
NC = 2
NS = 16
NW = NC * NS
CH = 100
EPW = E // NW
CPW = EPW // CH
RPS = NP // NS

def _dot_w(a, b):
    return lax.dot_general(a.astype(jnp.bfloat16), b.astype(jnp.bfloat16),
                           (((1,), (1,)), ((), ())),
                           preferred_element_type=jnp.float32)


_mesh = plsc.VectorSubcoreMesh(
    core_axis_name="c", subcore_axis_name="s", num_cores=NC, num_subcores=NS)



def _deg_body(dst4d, out, idxv, onesv, zbuf, accsh):
    c = lax.axis_index("c")
    s = lax.axis_index("s")
    w = c * NS + s

    def fill_ones(i, _):
        onesv[pl.ds(i * 16, 16)] = jnp.full((16,), 1.0, jnp.float32)
        return 0
    lax.fori_loop(0, 128 // 16, fill_ones, 0)

    @pl.when(s == 0)
    def _():
        def zb(i, _):
            zbuf[pl.ds(i * 16, 16)] = jnp.zeros((16,), jnp.float32)
            return 0
        lax.fori_loop(0, NP // 16, zb, 0)
        pltpu.sync_copy(zbuf, accsh)

    pltpu.sync_copy(dst4d.at[w, 0], idxv.at[pl.ds(0, CPH)])
    pltpu.sync_copy(dst4d.at[w, 1], idxv.at[pl.ds(CPH, CPH)])
    plsc.subcore_barrier()

    def body(j, _):
        pltpu.sync_copy(onesv.at[pl.ds(0, CH)], accsh.at[idxv.at[j]], add=True)
        return 0
    lax.fori_loop(0, CPW, body, 0)
    plsc.subcore_barrier()

    @pl.when(s == 0)
    def _():
        pltpu.sync_copy(accsh, out.at[c, 0])


_deg_call = pl.kernel(
    _deg_body,
    out_type=jax.ShapeDtypeStruct((NC, 8, NP), jnp.float32),
    mesh=_mesh,
    scratch_types=[
        pltpu.VMEM((CPW, CH), jnp.int32),
        pltpu.VMEM((128,), jnp.float32),
        pltpu.VMEM((NP,), jnp.float32),
        pltpu.VMEM_SHARED((NP,), jnp.float32),
    ],
)


CPH = CPW // 2
PAIRS = CPH // 2


def _scat_body(y, src4d, dst4d, out, sidx, didx, rows0, rows1, accsh,
               sem0, sem1, isem):
    c = lax.axis_index("c")
    s = lax.axis_index("s")
    w = c * NS + s

    pltpu.async_copy(y.at[pl.ds(s * RPS, RPS)],
                     accsh.at[pl.ds(s * RPS, RPS)], isem)

    for h in range(2):
        pltpu.sync_copy(src4d.at[w, h], sidx)
        pltpu.sync_copy(dst4d.at[w, h], didx)
        pltpu.async_copy(y.at[sidx.at[0]], rows0, sem0)
        if h == 0:
            pltpu.make_async_copy(
                y.at[pl.ds(s * RPS, RPS)],
                accsh.at[pl.ds(s * RPS, RPS)], isem).wait()
            plsc.subcore_barrier()

        def pair(p, _):
            j0 = 2 * p
            pltpu.make_async_copy(y.at[sidx.at[j0]], rows0, sem0).wait()
            pltpu.async_copy(y.at[sidx.at[j0 + 1]], rows1, sem1)
            pltpu.sync_copy(rows0, accsh.at[didx.at[j0]], add=True)
            pltpu.async_copy(y.at[sidx.at[j0 + 2]], rows0, sem0)
            pltpu.make_async_copy(y.at[sidx.at[j0 + 1]], rows1, sem1).wait()
            pltpu.sync_copy(rows1, accsh.at[didx.at[j0 + 1]], add=True)
            return 0
        lax.fori_loop(0, PAIRS - 1, pair, 0)

        jl = CPH - 2
        pltpu.make_async_copy(y.at[sidx.at[jl]], rows0, sem0).wait()
        pltpu.async_copy(y.at[sidx.at[jl + 1]], rows1, sem1)
        pltpu.sync_copy(rows0, accsh.at[didx.at[jl]], add=True)
        pltpu.make_async_copy(y.at[sidx.at[jl + 1]], rows1, sem1).wait()
        pltpu.sync_copy(rows1, accsh.at[didx.at[jl + 1]], add=True)

    plsc.subcore_barrier()
    pltpu.sync_copy(accsh.at[pl.ds(s * RPS, RPS)],
                    out.at[c, pl.ds(s * RPS, RPS)])


_scat_call = pl.kernel(
    _scat_body,
    out_type=jax.ShapeDtypeStruct((NC, NP, D), jnp.float32),
    mesh=_mesh,
    scratch_types=[
        pltpu.VMEM((CPH, CH), jnp.int32),
        pltpu.VMEM((CPH, CH), jnp.int32),
        pltpu.VMEM((CH, D), jnp.float32),
        pltpu.VMEM((CH, D), jnp.float32),
        pltpu.VMEM_SHARED((NP, D), jnp.float32),
        pltpu.SemaphoreType.DMA,
        pltpu.SemaphoreType.DMA,
        pltpu.SemaphoreType.DMA,
    ],
)



def _prep1_body(degp, x, w1, dis_ref, y1_ref):
    dd = degp[...]
    comb = dd[0] + dd[1]
    rid = lax.broadcasted_iota(jnp.int32, (8, NP), 0)
    comb = jnp.where(rid == 0, comb, 0.0)
    ones8 = jnp.ones((8, 8), jnp.bfloat16)
    degt = lax.dot_general(comb.astype(jnp.bfloat16), ones8,
                           (((0,), (0,)), ((), ())),
                           preferred_element_type=jnp.float32)
    deg = degt[:, 0:1] + 1.0
    dis = lax.rsqrt(deg)
    dis_ref[...] = dis
    xw = _dot_w(x[...], w1[...])
    y1_ref[0:N, :] = xw * dis[0:N, :]
    y1_ref[N:NP, :] = jnp.zeros((NP - N, D), jnp.float32)


_prep1_call = pl.pallas_call(
    _prep1_body,
    out_shape=[
        jax.ShapeDtypeStruct((NP, 1), jnp.float32),
        jax.ShapeDtypeStruct((NP, D), jnp.float32),
    ],
)


def _mid_body(acc, y1, dis, b1, w2, y2_ref):
    comb = acc[0] + acc[1] - y1[...]
    h1 = jnp.maximum(comb * dis[...] + b1[...], 0.0)
    xw2 = _dot_w(h1, w2[...])
    y2_ref[...] = xw2 * dis[...]


_mid_call = pl.pallas_call(
    _mid_body,
    out_shape=jax.ShapeDtypeStruct((NP, D), jnp.float32),
)


def _final_body(acc, y2, dis, b2, batch, wih, bih, bhh, wlin, blin, out_ref):
    h2 = (acc[0] + acc[1] - y2[...]) * dis[...] + b2[...]
    b = batch[...]
    gids = lax.broadcasted_iota(jnp.int32, (1, G), 1)
    oh = (b == gids).astype(jnp.float32)
    h2_hi = h2.astype(jnp.bfloat16)
    h2_lo = (h2 - h2_hi.astype(jnp.float32)).astype(jnp.bfloat16)
    ohb = oh.astype(jnp.bfloat16)
    dn = (((0,), (0,)), ((), ()))
    psum = (lax.dot_general(ohb, h2_hi, dn, preferred_element_type=jnp.float32)
            + lax.dot_general(ohb, h2_lo, dn, preferred_element_type=jnp.float32))
    ones = jnp.ones((NP, 1), jnp.bfloat16)
    cnt = lax.dot_general(ohb, ones, dn, preferred_element_type=jnp.float32)
    pooled = psum / jnp.maximum(cnt, 1.0)
    gi = _dot_w(pooled, wih[...]) + bih[...]
    gh = bhh[...]
    r = jax.nn.sigmoid(gi[:, :H] + gh[:, :H])
    z = jax.nn.sigmoid(gi[:, H:2 * H] + gh[:, H:2 * H])
    nn = jnp.tanh(gi[:, 2 * H:] + r * gh[:, 2 * H:])
    g = jnp.maximum((1.0 - z) * nn, 0.0)
    mu = jnp.mean(g, axis=-1, keepdims=True)
    var = jnp.mean((g - mu) ** 2, axis=-1, keepdims=True)
    gn = (g - mu) / jnp.sqrt(var + 1e-5)
    gnb = gn.astype(jnp.bfloat16).astype(jnp.float32)
    wlb = wlin[...].astype(jnp.bfloat16).astype(jnp.float32)
    out_ref[...] = jnp.sum(gnb * wlb, axis=1, keepdims=True) + blin[...]


_final_call = pl.pallas_call(
    _final_body,
    out_shape=jax.ShapeDtypeStruct((G, 1), jnp.float32),
)


def kernel(x, edge_index, batch, W1, b1, W2, b2, W_ih, W_hh, b_ih, b_hh,
           W_lin, b_lin):
    src4d = edge_index[0].reshape(NW, 2, CPH, CH)
    dst4d = edge_index[1].reshape(NW, 2, CPH, CH)
    batchp = jnp.pad(batch, (0, NP - N), constant_values=G).reshape(NP, 1)
    deg_out = _deg_call(dst4d)
    dis, y1 = _prep1_call(deg_out, x, W1)
    acc1 = _scat_call(y1, src4d, dst4d)
    y2 = _mid_call(acc1, y1, dis, b1.reshape(1, H), W2)
    acc2 = _scat_call(y2, src4d, dst4d)
    out = _final_call(acc2, y2, dis, b2.reshape(1, H),
                      batchp, W_ih, b_ih.reshape(1, 3 * H),
                      b_hh.reshape(1, 3 * H), W_lin, b_lin.reshape(1, 1))
    return out

# --- scband reference (transcript-rebuilt; emitter-appended) ---
"""Pipeline reference for scband-gcn2-16329465659966 (READ-ONLY COPY).

The authoritative reference and input builder live on the scoring server;
editing this copy changes nothing except your own understanding.
"""

import jax, jax.numpy as jnp
import numpy as np

N = 10000
E = 320000
D = 128
H = 128
G = 64


def setup_inputs(seed: int = 0) -> dict:
    key = jax.random.key(seed)
    ks = jax.random.split(key, 14)
    x = jax.random.normal(ks[0], (N, D), dtype=jnp.float32)
    edge_index = jax.random.randint(ks[1], (2, E), 0, N, dtype=jnp.int32)
    batch = jnp.sort(jax.random.randint(ks[2], (N,), 0, G, dtype=jnp.int32))
    s1 = 1.0 / np.sqrt(D)
    s2 = 1.0 / np.sqrt(H)
    W1 = jax.random.normal(ks[3], (H, D), dtype=jnp.float32) * s1
    b1 = jnp.zeros((H,), dtype=jnp.float32)
    W2 = jax.random.normal(ks[4], (H, H), dtype=jnp.float32) * s2
    b2 = jnp.zeros((H,), dtype=jnp.float32)
    W_ih = jax.random.normal(ks[5], (3 * H, H), dtype=jnp.float32) * s2
    W_hh = jax.random.normal(ks[6], (3 * H, H), dtype=jnp.float32) * s2
    b_ih = jax.random.normal(ks[7], (3 * H,), dtype=jnp.float32) * s2
    b_hh = jax.random.normal(ks[8], (3 * H,), dtype=jnp.float32) * s2
    W_lin = jax.random.normal(ks[9], (1, H), dtype=jnp.float32) * s2
    b_lin = jnp.zeros((1,), dtype=jnp.float32)
    return {"x": x, "edge_index": edge_index, "batch": batch,
            "W1": W1, "b1": b1, "W2": W2, "b2": b2,
            "W_ih": W_ih, "W_hh": W_hh, "b_ih": b_ih, "b_hh": b_hh,
            "W_lin": W_lin, "b_lin": b_lin}


def gcn_conv(x, src, dst, W, b):
    n = x.shape[0]
    loop = jnp.arange(n, dtype=src.dtype)
    s = jnp.concatenate([src, loop])
    d = jnp.concatenate([dst, loop])
    deg = jnp.zeros((n,), x.dtype).at[d].add(1.0)
    dis = jnp.where(deg > 0, deg ** -0.5, 0.0)
    norm = dis[s] * dis[d]
    xw = x @ W.T
    msg = xw[s] * norm[:, None]
    out = jnp.zeros_like(xw).at[d].add(msg)
    return out + b


def gru_single_step(x, W_ih, W_hh, b_ih, b_hh):
    # GRU with seq_len=1 and h0 = 0 (PyTorch gate ordering: r, z, n)
    gi = x @ W_ih.T + b_ih
    gh = jnp.broadcast_to(b_hh, gi.shape)  # h0 @ W_hh.T + b_hh with h0 = 0
    i_r, i_z, i_n = jnp.split(gi, 3, axis=1)
    h_r, h_z, h_n = jnp.split(gh, 3, axis=1)
    r = jax.nn.sigmoid(i_r + h_r)
    z = jax.nn.sigmoid(i_z + h_z)
    n = jnp.tanh(i_n + r * h_n)
    return (1.0 - z) * n  # + z * h0, h0 = 0


def reference(x, edge_index, batch, W1, b1, W2, b2, W_ih, W_hh, b_ih, b_hh, W_lin, b_lin):
    src = edge_index[0]
    dst = edge_index[1]
    h = gcn_conv(x, src, dst, W1, b1)
    h = jax.nn.relu(h)
    h = gcn_conv(h, src, dst, W2, b2)
    # global mean pool over graphs
    summ = jax.ops.segment_sum(h, batch, num_segments=G)
    cnt = jax.ops.segment_sum(jnp.ones((h.shape[0], 1), h.dtype), batch, num_segments=G)
    pooled = summ / jnp.maximum(cnt, 1.0)
    # dropout is identity in eval mode
    g = gru_single_step(pooled, W_ih, W_hh, b_ih, b_hh)
    g = jax.nn.relu(g)
    mu = jnp.mean(g, axis=-1, keepdims=True)
    var = jnp.var(g, axis=-1, keepdims=True)
    g = (g - mu) / jnp.sqrt(var + 1e-5)
    return g @ W_lin.T + b_lin

if __name__ == "__main__":
    import jax
    _d = setup_inputs()
    print(jax.jit(kernel)(*tuple(_d.values())))

</pallas_src>

<mosaic_0001>
#map = affine_map<(d0, d1) -> (0, 0, 0, 0)>
#map1 = affine_map<(d0, d1) -> (0, 0, 0)>
module attributes {stable_mosaic.version = 14 : i64} {
  func.func @_deg_body(%arg0: i32, %arg1: i32, %arg2: memref<32x2x50x100xi32, #tpu.memory_space<hbm>>, %arg3: memref<2x8x10240xf32, #tpu.memory_space<hbm>>, %arg4: memref<100x100xi32, #tpu.memory_space<vmem>>, %arg5: memref<128xf32, #tpu.memory_space<vmem>>, %arg6: memref<10240xf32, #tpu.memory_space<vmem>>, %arg7: memref<10240xf32, #tpu.memory_space<vmem_shared>>) attributes {dimension_semantics = [#tpu.dimension_semantics<core_parallel>, #tpu.dimension_semantics<subcore_parallel>], iteration_bounds = array<i64: 2, 16>, scalar_prefetch = 0 : i64, scratch_operands = 4 : i64, tpu.core_type = #tpu.core_type<sc_vector_subcore>, window_params = [{transform_indices = #map}, {transform_indices = #map1}]} {
    %mul3A = arith.constant 16 : i32
    %mul3A_0 = arith.muli %arg0, %mul3A : i32
    %add3A = arith.addi %mul3A_0, %arg1 : i32
    %scan3A = arith.constant 0 : i32
    %scan3A_1 = arith.constant 0 : i32
    %scan3A_2 = arith.constant 8 : i32
    %scan3A_3 = arith.addi %scan3A_1, %scan3A_2 : i32
    %scan3A_4 = arith.constant 1 : i32
    %scan3A_5 = scf.for %scan3A_23 = %scan3A_1 to %scan3A_3 step %scan3A_4 iter_args(%scan3A_24 = %scan3A) -> (i32)  : i32 {
      %broadcast_in_dim3A = arith.constant 1.000000e+00 : f32
      %broadcast_in_dim3A_25 = vector.broadcast %broadcast_in_dim3A : f32 to vector<16xf32>
      %mul3A_26 = arith.constant 16 : i32
      %mul3A_27 = arith.muli %scan3A_23, %mul3A_26 : i32
      %swap3A = arith.index_cast %mul3A_27 : i32 to index
      %swap3A_28 = tpu.vector_load %arg5[%swap3A] {strides = array<i32>} : memref<128xf32, #tpu.memory_space<vmem>>, vector<16xf32>,
      %swap3A_29 = vector.shape_cast %swap3A_28 : vector<16xf32> to vector<16xf32>
      %swap3A_30 = vector.shape_cast %broadcast_in_dim3A_25 : vector<16xf32> to vector<16xf32>
      tpu.vector_store %arg5[%swap3A], %swap3A_30 {strides = array<i32>} : memref<128xf32, #tpu.memory_space<vmem>>, vector<16xf32>,
      %scan3A_31 = arith.constant 0 : i32
      scf.yield %scan3A_31 : i32
    }
    %scan3A_6 = arith.constant 8 : i32
    %eq3A = arith.constant 0 : i32
    %eq3A_7 = arith.cmpi eq, %arg1, %eq3A : i32
    %convert_element_type3A = arith.extui %eq3A_7 : i1 to i32
    %cond3A = arith.constant 0 : i32
    %cond3A_8 = arith.cmpi ne, %convert_element_type3A, %cond3A : i32
    scf.if %cond3A_8 {
      %scan3A_23 = arith.constant 0 : i32
      %scan3A_24 = arith.constant 0 : i32
      %scan3A_25 = arith.constant 640 : i32
      %scan3A_26 = arith.addi %scan3A_24, %scan3A_25 : i32
      %scan3A_27 = arith.constant 1 : i32
      %scan3A_28 = scf.for %scan3A_30 = %scan3A_24 to %scan3A_26 step %scan3A_27 iter_args(%scan3A_31 = %scan3A_23) -> (i32)  : i32 {
        %broadcast_in_dim3A = arith.constant 0.000000e+00 : f32
        %broadcast_in_dim3A_32 = vector.broadcast %broadcast_in_dim3A : f32 to vector<16xf32>
        %mul3A_33 = arith.constant 16 : i32
        %mul3A_34 = arith.muli %scan3A_30, %mul3A_33 : i32
        %swap3A = arith.index_cast %mul3A_34 : i32 to index
        %swap3A_35 = tpu.vector_load %arg6[%swap3A] {strides = array<i32>} : memref<10240xf32, #tpu.memory_space<vmem>>, vector<16xf32>,
        %swap3A_36 = vector.shape_cast %swap3A_35 : vector<16xf32> to vector<16xf32>
        %swap3A_37 = vector.shape_cast %broadcast_in_dim3A_32 : vector<16xf32> to vector<16xf32>
        tpu.vector_store %arg6[%swap3A], %swap3A_37 {strides = array<i32>} : memref<10240xf32, #tpu.memory_space<vmem>>, vector<16xf32>,
        %scan3A_38 = arith.constant 0 : i32
        scf.yield %scan3A_38 : i32
      }
      %scan3A_29 = arith.constant 640 : i32
      "tpu.region"() ({
        %run_scoped3A_30 = tpu.sem_alloc : memref<!tpu.dma_semaphore, #tpu.memory_space<semaphore_mem>>
        tpu.enqueue_dma source(%arg6 : memref<10240xf32, #tpu.memory_space<vmem>>) target(%arg7 : memref<10240xf32, #tpu.memory_space<vmem_shared>>) target_semaphore(%run_scoped3A_30 : memref<!tpu.dma_semaphore, #tpu.memory_space<semaphore_mem>>)
        tpu.wait_dma2 semaphore(%run_scoped3A_30 : memref<!tpu.dma_semaphore, #tpu.memory_space<semaphore_mem>>) src(%arg6 : memref<10240xf32, #tpu.memory_space<vmem>>) dst(%arg7 : memref<10240xf32, #tpu.memory_space<vmem_shared>>)
        tpu.yield
      }) : () -> ()
    } else {
    }
    %run_scoped3A = arith.constant 0 : i32
    "tpu.region"() ({
      %run_scoped3A_23 = tpu.sem_alloc : memref<!tpu.dma_semaphore, #tpu.memory_space<semaphore_mem>>
      %dma_start3A = arith.constant 0 : i32
      %dma_start3A_24 = arith.constant 0 : i32
      %dma_start3A_25 = tpu.memref_slice %arg4[%dma_start3A, %dma_start3A_24] : memref<100x100xi32, #tpu.memory_space<vmem>> -> memref<50x100xi32, #tpu.memory_space<vmem>>
      %dma_start3A_26 = arith.constant 0 : i32
      %dma_start3A_27 = arith.constant 0 : i32
      %dma_start3A_28 = tpu.memref_slice %arg2[%add3A, %run_scoped3A, %dma_start3A_26, %dma_start3A_27] : memref<32x2x50x100xi32, #tpu.memory_space<hbm>> -> memref<1x1x50x100xi32, #tpu.memory_space<hbm>>
      %dma_start3A_29 = tpu.memref_squeeze %dma_start3A_28 : memref<1x1x50x100xi32, #tpu.memory_space<hbm>> -> memref<50x100xi32, #tpu.memory_space<hbm>>
      %dma_start3A_30 = arith.constant 0 : i32
      %dma_start3A_31 = arith.constant 0 : i32
      %dma_start3A_32 = tpu.memref_slice %arg4[%dma_start3A_30, %dma_start3A_31] : memref<100x100xi32, #tpu.memory_space<vmem>> -> memref<50x100xi32, #tpu.memory_space<vmem>>
      %dma_start3A_33 = arith.constant 0 : i32
      %dma_start3A_34 = arith.constant 0 : i32
      %dma_start3A_35 = tpu.memref_slice %arg2[%add3A, %run_scoped3A, %dma_start3A_33, %dma_start3A_34] : memref<32x2x50x100xi32, #tpu.memory_space<hbm>> -> memref<1x1x50x100xi32, #tpu.memory_space<hbm>>
      %dma_start3A_36 = tpu.memref_squeeze %dma_start3A_35 : memref<1x1x50x100xi32, #tpu.memory_space<hbm>> -> memref<50x100xi32, #tpu.memory_space<hbm>>
      tpu.enqueue_dma source(%dma_start3A_36 : memref<50x100xi32, #tpu.memory_space<hbm>>) target(%dma_start3A_32 : memref<50x100xi32, #tpu.memory_space<vmem>>) target_semaphore(%run_scoped3A_23 : memref<!tpu.dma_semaphore, #tpu.memory_space<semaphore_mem>>)
      %dma_wait3A = arith.constant 0 : i32
      %dma_wait3A_37 = arith.constant 0 : i32
      %dma_wait3A_38 = tpu.memref_slice %arg4[%dma_wait3A, %dma_wait3A_37] : memref<100x100xi32, #tpu.memory_space<vmem>> -> memref<50x100xi32, #tpu.memory_space<vmem>>
      %dma_wait3A_39 = arith.constant 0 : i32
      %dma_wait3A_40 = arith.constant 0 : i32
      %dma_wait3A_41 = tpu.memref_slice %arg2[%add3A, %run_scoped3A, %dma_wait3A_39, %dma_wait3A_40] : memref<32x2x50x100xi32, #tpu.memory_space<hbm>> -> memref<1x1x50x100xi32, #tpu.memory_space<hbm>>
      %dma_wait3A_42 = tpu.memref_squeeze %dma_wait3A_41 : memref<1x1x50x100xi32, #tpu.memory_space<hbm>> -> memref<50x100xi32, #tpu.memory_space<hbm>>
      %dma_wait3A_43 = arith.constant 0 : i32
      %dma_wait3A_44 = arith.constant 0 : i32
      %dma_wait3A_45 = tpu.memref_slice %arg4[%dma_wait3A_43, %dma_wait3A_44] : memref<100x100xi32, #tpu.memory_space<vmem>> -> memref<50x100xi32, #tpu.memory_space<vmem>>
      %dma_wait3A_46 = arith.constant 0 : i32
      %dma_wait3A_47 = arith.constant 0 : i32
      %dma_wait3A_48 = tpu.memref_slice %arg2[%add3A, %run_scoped3A, %dma_wait3A_46, %dma_wait3A_47] : memref<32x2x50x100xi32, #tpu.memory_space<hbm>> -> memref<1x1x50x100xi32, #tpu.memory_space<hbm>>
      %dma_wait3A_49 = tpu.memref_squeeze %dma_wait3A_48 : memref<1x1x50x100xi32, #tpu.memory_space<hbm>> -> memref<50x100xi32, #tpu.memory_space<hbm>>
      tpu.wait_dma2 semaphore(%run_scoped3A_23 : memref<!tpu.dma_semaphore, #tpu.memory_space<semaphore_mem>>) src(%dma_wait3A_49 : memref<50x100xi32, #tpu.memory_space<hbm>>) dst(%dma_wait3A_45 : memref<50x100xi32, #tpu.memory_space<vmem>>)
      tpu.yield
    }) : () -> ()
    %run_scoped3A_9 = arith.constant 1 : i32
    "tpu.region"() ({
      %run_scoped3A_23 = tpu.sem_alloc : memref<!tpu.dma_semaphore, #tpu.memory_space<semaphore_mem>>
      %dma_start3A = arith.constant 50 : i32
      %dma_start3A_24 = arith.constant 0 : i32
      %dma_start3A_25 = tpu.memref_slice %arg4[%dma_start3A, %dma_start3A_24] : memref<100x100xi32, #tpu.memory_space<vmem>> -> memref<50x100xi32, #tpu.memory_space<vmem>>
      %dma_start3A_26 = arith.constant 0 : i32
      %dma_start3A_27 = arith.constant 0 : i32
      %dma_start3A_28 = tpu.memref_slice %arg2[%add3A, %run_scoped3A_9, %dma_start3A_26, %dma_start3A_27] : memref<32x2x50x100xi32, #tpu.memory_space<hbm>> -> memref<1x1x50x100xi32, #tpu.memory_space<hbm>>
      %dma_start3A_29 = tpu.memref_squeeze %dma_start3A_28 : memref<1x1x50x100xi32, #tpu.memory_space<hbm>> -> memref<50x100xi32, #tpu.memory_space<hbm>>
      %dma_start3A_30 = arith.constant 50 : i32
      %dma_start3A_31 = arith.constant 0 : i32
      %dma_start3A_32 = tpu.memref_slice %arg4[%dma_start3A_30, %dma_start3A_31] : memref<100x100xi32, #tpu.memory_space<vmem>> -> memref<50x100xi32, #tpu.memory_space<vmem>>
      %dma_start3A_33 = arith.constant 0 : i32
      %dma_start3A_34 = arith.constant 0 : i32
      %dma_start3A_35 = tpu.memref_slice %arg2[%add3A, %run_scoped3A_9, %dma_start3A_33, %dma_start3A_34] : memref<32x2x50x100xi32, #tpu.memory_space<hbm>> -> memref<1x1x50x100xi32, #tpu.memory_space<hbm>>
      %dma_start3A_36 = tpu.memref_squeeze %dma_start3A_35 : memref<1x1x50x100xi32, #tpu.memory_space<hbm>> -> memref<50x100xi32, #tpu.memory_space<hbm>>
      tpu.enqueue_dma source(%dma_start3A_36 : memref<50x100xi32, #tpu.memory_space<hbm>>) target(%dma_start3A_32 : memref<50x100xi32, #tpu.memory_space<vmem>>) target_semaphore(%run_scoped3A_23 : memref<!tpu.dma_semaphore, #tpu.memory_space<semaphore_mem>>)
      %dma_wait3A = arith.constant 50 : i32
      %dma_wait3A_37 = arith.constant 0 : i32
      %dma_wait3A_38 = tpu.memref_slice %arg4[%dma_wait3A, %dma_wait3A_37] : memref<100x100xi32, #tpu.memory_space<vmem>> -> memref<50x100xi32, #tpu.memory_space<vmem>>
      %dma_wait3A_39 = arith.constant 0 : i32
      %dma_wait3A_40 = arith.constant 0 : i32
      %dma_wait3A_41 = tpu.memref_slice %arg2[%add3A, %run_scoped3A_9, %dma_wait3A_39, %dma_wait3A_40] : memref<32x2x50x100xi32, #tpu.memory_space<hbm>> -> memref<1x1x50x100xi32, #tpu.memory_space<hbm>>
      %dma_wait3A_42 = tpu.memref_squeeze %dma_wait3A_41 : memref<1x1x50x100xi32, #tpu.memory_space<hbm>> -> memref<50x100xi32, #tpu.memory_space<hbm>>
      %dma_wait3A_43 = arith.constant 50 : i32
      %dma_wait3A_44 = arith.constant 0 : i32
      %dma_wait3A_45 = tpu.memref_slice %arg4[%dma_wait3A_43, %dma_wait3A_44] : memref<100x100xi32, #tpu.memory_space<vmem>> -> memref<50x100xi32, #tpu.memory_space<vmem>>
      %dma_wait3A_46 = arith.constant 0 : i32
      %dma_wait3A_47 = arith.constant 0 : i32
      %dma_wait3A_48 = tpu.memref_slice %arg2[%add3A, %run_scoped3A_9, %dma_wait3A_46, %dma_wait3A_47] : memref<32x2x50x100xi32, #tpu.memory_space<hbm>> -> memref<1x1x50x100xi32, #tpu.memory_space<hbm>>
      %dma_wait3A_49 = tpu.memref_squeeze %dma_wait3A_48 : memref<1x1x50x100xi32, #tpu.memory_space<hbm>> -> memref<50x100xi32, #tpu.memory_space<hbm>>
      tpu.wait_dma2 semaphore(%run_scoped3A_23 : memref<!tpu.dma_semaphore, #tpu.memory_space<semaphore_mem>>) src(%dma_wait3A_49 : memref<50x100xi32, #tpu.memory_space<hbm>>) dst(%dma_wait3A_45 : memref<50x100xi32, #tpu.memory_space<vmem>>)
      tpu.yield
    }) : () -> ()
    %barrier3A = arith.constant 0 : index
    tpu.barrier barrier_id(%barrier3A)
    %scan3A_10 = arith.constant 0 : i32
    %scan3A_11 = arith.constant 0 : i32
    %scan3A_12 = arith.constant 100 : i32
    %scan3A_13 = arith.addi %scan3A_11, %scan3A_12 : i32
    %scan3A_14 = arith.constant 1 : i32
    %scan3A_15 = scf.for %scan3A_23 = %scan3A_11 to %scan3A_13 step %scan3A_14 iter_args(%scan3A_24 = %scan3A_10) -> (i32)  : i32 {
      "tpu.region"() ({
        %run_scoped3A_26 = tpu.sem_alloc : memref<!tpu.dma_semaphore, #tpu.memory_space<semaphore_mem>>
        %dma_start3A = arith.constant 0 : i32
        %dma_start3A_27 = tpu.memref_slice %arg5[%dma_start3A] : memref<128xf32, #tpu.memory_space<vmem>> -> memref<100xf32, #tpu.memory_space<vmem>>
        %dma_start3A_28 = arith.constant 0 : i32
        %dma_start3A_29 = tpu.memref_slice %arg4[%scan3A_23, %dma_start3A_28] : memref<100x100xi32, #tpu.memory_space<vmem>> -> memref<1x100xi32, #tpu.memory_space<vmem>>
        %dma_start3A_30 = tpu.memref_squeeze %dma_start3A_29 : memref<1x100xi32, #tpu.memory_space<vmem>> -> memref<100xi32, #tpu.memory_space<vmem>>
        %dma_start3A_31 = arith.constant 0 : i32
        %dma_start3A_32 = tpu.memref_slice %arg7[%dma_start3A_31] : memref<10240xf32, #tpu.memory_space<vmem_shared>> -> memref<10240xf32, #tpu.memory_space<vmem_shared>>
        tpu.enqueue_indirect_dma source(%dma_start3A_27 : memref<100xf32, #tpu.memory_space<vmem>>) target(%dma_start3A_32 : memref<10240xf32, #tpu.memory_space<vmem_shared>>) offsets(%dma_start3A_30 : memref<100xi32, #tpu.memory_space<vmem>>) semaphore(%run_scoped3A_26 : memref<!tpu.dma_semaphore, #tpu.memory_space<semaphore_mem>>) {add = true}
        %dma_wait3A = arith.constant 0 : i32
        %dma_wait3A_33 = tpu.memref_slice %arg5[%dma_wait3A] : memref<128xf32, #tpu.memory_space<vmem>> -> memref<100xf32, #tpu.memory_space<vmem>>
        %dma_wait3A_34 = arith.constant 0 : i32
        %dma_wait3A_35 = tpu.memref_slice %arg4[%scan3A_23, %dma_wait3A_34] : memref<100x100xi32, #tpu.memory_space<vmem>> -> memref<1x100xi32, #tpu.memory_space<vmem>>
        %dma_wait3A_36 = tpu.memref_squeeze %dma_wait3A_35 : memref<1x100xi32, #tpu.memory_space<vmem>> -> memref<100xi32, #tpu.memory_space<vmem>>
        %dma_wait3A_37 = arith.constant 0 : i32
        %dma_wait3A_38 = tpu.memref_slice %arg7[%dma_wait3A_37] : memref<10240xf32, #tpu.memory_space<vmem_shared>> -> memref<10240xf32, #tpu.memory_space<vmem_shared>>
        tpu.wait_indirect_dma semaphore(%run_scoped3A_26 : memref<!tpu.dma_semaphore, #tpu.memory_space<semaphore_mem>>) src(%dma_wait3A_33 : memref<100xf32, #tpu.memory_space<vmem>>) dst(%dma_wait3A_38 : memref<10240xf32, #tpu.memory_space<vmem_shared>>)
        tpu.yield
      }) : () -> ()
      %scan3A_25 = arith.constant 0 : i32
      scf.yield %scan3A_25 : i32
    }
    %scan3A_16 = arith.constant 100 : i32
    %barrier3A_17 = arith.constant 0 : index
    tpu.barrier barrier_id(%barrier3A_17)
    %eq3A_18 = arith.constant 0 : i32
    %eq3A_19 = arith.cmpi eq, %arg1, %eq3A_18 : i32
    %convert_element_type3A_20 = arith.extui %eq3A_19 : i1 to i32
    %cond3A_21 = arith.constant 0 : i32
    %cond3A_22 = arith.cmpi ne, %convert_element_type3A_20, %cond3A_21 : i32
    scf.if %cond3A_22 {
      %run_scoped3A_23 = arith.constant 0 : i32
      "tpu.region"() ({
        %run_scoped3A_24 = tpu.sem_alloc : memref<!tpu.dma_semaphore, #tpu.memory_space<semaphore_mem>>
        %dma_start3A = arith.constant 0 : i32
        %dma_start3A_25 = tpu.memref_slice %arg3[%arg0, %run_scoped3A_23, %dma_start3A] : memref<2x8x10240xf32, #tpu.memory_space<hbm>> -> memref<1x1x10240xf32, #tpu.memory_space<hbm>>
        %dma_start3A_26 = tpu.memref_squeeze %dma_start3A_25 : memref<1x1x10240xf32, #tpu.memory_space<hbm>> -> memref<10240xf32, #tpu.memory_space<hbm>>
        tpu.enqueue_dma source(%arg7 : memref<10240xf32, #tpu.memory_space<vmem_shared>>) target(%dma_start3A_26 : memref<10240xf32, #tpu.memory_space<hbm>>) target_semaphore(%run_scoped3A_24 : memref<!tpu.dma_semaphore, #tpu.memory_space<semaphore_mem>>)
        %dma_wait3A = arith.constant 0 : i32
        %dma_wait3A_27 = tpu.memref_slice %arg3[%arg0, %run_scoped3A_23, %dma_wait3A] : memref<2x8x10240xf32, #tpu.memory_space<hbm>> -> memref<1x1x10240xf32, #tpu.memory_space<hbm>>
        %dma_wait3A_28 = tpu.memref_squeeze %dma_wait3A_27 : memref<1x1x10240xf32, #tpu.memory_space<hbm>> -> memref<10240xf32, #tpu.memory_space<hbm>>
        tpu.wait_dma2 semaphore(%run_scoped3A_24 : memref<!tpu.dma_semaphore, #tpu.memory_space<semaphore_mem>>) src(%arg7 : memref<10240xf32, #tpu.memory_space<vmem_shared>>) dst(%dma_wait3A_28 : memref<10240xf32, #tpu.memory_space<hbm>>)
        tpu.yield
      }) : () -> ()
    } else {
    }
    return
  }
}

#map = affine_map<(d0, d1) -> (0, 0)>
#map1 = affine_map<(d0, d1) -> (0, 0, 0, 0)>
#map2 = affine_map<(d0, d1) -> (0, 0, 0)>
module attributes {stable_mosaic.version = 14 : i64} {
  func.func @_scat_body(%arg0: i32, %arg1: i32, %arg2: memref<10240x128xf32, #tpu.memory_space<hbm>>, %arg3: memref<32x2x50x100xi32, #tpu.memory_space<hbm>>, %arg4: memref<32x2x50x100xi32, #tpu.memory_space<hbm>>, %arg5: memref<2x10240x128xf32, #tpu.memory_space<hbm>>, %arg6: memref<50x100xi32, #tpu.memory_space<vmem>>, %arg7: memref<50x100xi32, #tpu.memory_space<vmem>>, %arg8: memref<100x128xf32, #tpu.memory_space<vmem>>, %arg9: memref<100x128xf32, #tpu.memory_space<vmem>>, %arg10: memref<10240x128xf32, #tpu.memory_space<vmem_shared>>, %arg11: memref<!tpu.dma_semaphore, #tpu.memory_space<semaphore_mem>>, %arg12: memref<!tpu.dma_semaphore, #tpu.memory_space<semaphore_mem>>, %arg13: memref<!tpu.dma_semaphore, #tpu.memory_space<semaphore_mem>>) attributes {dimension_semantics = [#tpu.dimension_semantics<core_parallel>, #tpu.dimension_semantics<subcore_parallel>], iteration_bounds = array<i64: 2, 16>, scalar_prefetch = 0 : i64, scratch_operands = 8 : i64, tpu.core_type = #tpu.core_type<sc_vector_subcore>, window_params = [{transform_indices = #map}, {transform_indices = #map1}, {transform_indices = #map1}, {transform_indices = #map2}]} {
    %mul3A = arith.constant 16 : i32
    %mul3A_0 = arith.muli %arg0, %mul3A : i32
    %add3A = arith.addi %mul3A_0, %arg1 : i32
    %mul3A_1 = arith.constant 640 : i32
    %mul3A_2 = arith.muli %arg1, %mul3A_1 : i32
    %mul3A_3 = arith.constant 640 : i32
    %mul3A_4 = arith.muli %arg1, %mul3A_3 : i32
    %dma_start3A = arith.constant 0 : i32
    %dma_start3A_5 = tpu.memref_slice %arg10[%mul3A_4, %dma_start3A] : memref<10240x128xf32, #tpu.memory_space<vmem_shared>> -> memref<640x128xf32, #tpu.memory_space<vmem_shared>>
    %dma_start3A_6 = arith.constant 0 : i32
    %dma_start3A_7 = tpu.memref_slice %arg2[%mul3A_2, %dma_start3A_6] : memref<10240x128xf32, #tpu.memory_space<hbm>> -> memref<640x128xf32, #tpu.memory_space<hbm>>
    tpu.enqueue_dma source(%dma_start3A_7 : memref<640x128xf32, #tpu.memory_space<hbm>>) target(%dma_start3A_5 : memref<640x128xf32, #tpu.memory_space<vmem_shared>>) target_semaphore(%arg13 : memref<!tpu.dma_semaphore, #tpu.memory_space<semaphore_mem>>)
    %run_scoped3A = arith.constant 0 : i32
    "tpu.region"() ({
      %run_scoped3A_96 = tpu.sem_alloc : memref<!tpu.dma_semaphore, #tpu.memory_space<semaphore_mem>>
      %dma_start3A_97 = arith.constant 0 : i32
      %dma_start3A_98 = arith.constant 0 : i32
      %dma_start3A_99 = tpu.memref_slice %arg3[%add3A, %run_scoped3A, %dma_start3A_97, %dma_start3A_98] : memref<32x2x50x100xi32, #tpu.memory_space<hbm>> -> memref<1x1x50x100xi32, #tpu.memory_space<hbm>>
      %dma_start3A_100 = tpu.memref_squeeze %dma_start3A_99 : memref<1x1x50x100xi32, #tpu.memory_space<hbm>> -> memref<50x100xi32, #tpu.memory_space<hbm>>
      %dma_start3A_101 = arith.constant 0 : i32
      %dma_start3A_102 = arith.constant 0 : i32
      %dma_start3A_103 = tpu.memref_slice %arg3[%add3A, %run_scoped3A, %dma_start3A_101, %dma_start3A_102] : memref<32x2x50x100xi32, #tpu.memory_space<hbm>> -> memref<1x1x50x100xi32, #tpu.memory_space<hbm>>
      %dma_start3A_104 = tpu.memref_squeeze %dma_start3A_103 : memref<1x1x50x100xi32, #tpu.memory_space<hbm>> -> memref<50x100xi32, #tpu.memory_space<hbm>>
      tpu.enqueue_dma source(%dma_start3A_104 : memref<50x100xi32, #tpu.memory_space<hbm>>) target(%arg6 : memref<50x100xi32, #tpu.memory_space<vmem>>) target_semaphore(%run_scoped3A_96 : memref<!tpu.dma_semaphore, #tpu.memory_space<semaphore_mem>>)
      %dma_wait3A_105 = arith.constant 0 : i32
      %dma_wait3A_106 = arith.constant 0 : i32
      %dma_wait3A_107 = tpu.memref_slice %arg3[%add3A, %run_scoped3A, %dma_wait3A_105, %dma_wait3A_106] : memref<32x2x50x100xi32, #tpu.memory_space<hbm>> -> memref<1x1x50x100xi32, #tpu.memory_space<hbm>>
      %dma_wait3A_108 = tpu.memref_squeeze %dma_wait3A_107 : memref<1x1x50x100xi32, #tpu.memory_space<hbm>> -> memref<50x100xi32, #tpu.memory_space<hbm>>
      %dma_wait3A_109 = arith.constant 0 : i32
      %dma_wait3A_110 = arith.constant 0 : i32
      %dma_wait3A_111 = tpu.memref_slice %arg3[%add3A, %run_scoped3A, %dma_wait3A_109, %dma_wait3A_110] : memref<32x2x50x100xi32, #tpu.memory_space<hbm>> -> memref<1x1x50x100xi32, #tpu.memory_space<hbm>>
      %dma_wait3A_112 = tpu.memref_squeeze %dma_wait3A_111 : memref<1x1x50x100xi32, #tpu.memory_space<hbm>> -> memref<50x100xi32, #tpu.memory_space<hbm>>
      tpu.wait_dma2 semaphore(%run_scoped3A_96 : memref<!tpu.dma_semaphore, #tpu.memory_space<semaphore_mem>>) src(%dma_wait3A_112 : memref<50x100xi32, #tpu.memory_space<hbm>>) dst(%arg6 : memref<50x100xi32, #tpu.memory_space<vmem>>)
      tpu.yield
    }) : () -> ()
    %run_scoped3A_8 = arith.constant 0 : i32
    "tpu.region"() ({
      %run_scoped3A_96 = tpu.sem_alloc : memref<!tpu.dma_semaphore, #tpu.memory_space<semaphore_mem>>
      %dma_start3A_97 = arith.constant 0 : i32
      %dma_start3A_98 = arith.constant 0 : i32
      %dma_start3A_99 = tpu.memref_slice %arg4[%add3A, %run_scoped3A_8, %dma_start3A_97, %dma_start3A_98] : memref<32x2x50x100xi32, #tpu.memory_space<hbm>> -> memref<1x1x50x100xi32, #tpu.memory_space<hbm>>
      %dma_start3A_100 = tpu.memref_squeeze %dma_start3A_99 : memref<1x1x50x100xi32, #tpu.memory_space<hbm>> -> memref<50x100xi32, #tpu.memory_space<hbm>>
      %dma_start3A_101 = arith.constant 0 : i32
      %dma_start3A_102 = arith.constant 0 : i32
      %dma_start3A_103 = tpu.memref_slice %arg4[%add3A, %run_scoped3A_8, %dma_start3A_101, %dma_start3A_102] : memref<32x2x50x100xi32, #tpu.memory_space<hbm>> -> memref<1x1x50x100xi32, #tpu.memory_space<hbm>>
      %dma_start3A_104 = tpu.memref_squeeze %dma_start3A_103 : memref<1x1x50x100xi32, #tpu.memory_space<hbm>> -> memref<50x100xi32, #tpu.memory_space<hbm>>
      tpu.enqueue_dma source(%dma_start3A_104 : memref<50x100xi32, #tpu.memory_space<hbm>>) target(%arg7 : memref<50x100xi32, #tpu.memory_space<vmem>>) target_semaphore(%run_scoped3A_96 : memref<!tpu.dma_semaphore, #tpu.memory_space<semaphore_mem>>)
      %dma_wait3A_105 = arith.constant 0 : i32
      %dma_wait3A_106 = arith.constant 0 : i32
      %dma_wait3A_107 = tpu.memref_slice %arg4[%add3A, %run_scoped3A_8, %dma_wait3A_105, %dma_wait3A_106] : memref<32x2x50x100xi32, #tpu.memory_space<hbm>> -> memref<1x1x50x100xi32, #tpu.memory_space<hbm>>
      %dma_wait3A_108 = tpu.memref_squeeze %dma_wait3A_107 : memref<1x1x50x100xi32, #tpu.memory_space<hbm>> -> memref<50x100xi32, #tpu.memory_space<hbm>>
      %dma_wait3A_109 = arith.constant 0 : i32
      %dma_wait3A_110 = arith.constant 0 : i32
      %dma_wait3A_111 = tpu.memref_slice %arg4[%add3A, %run_scoped3A_8, %dma_wait3A_109, %dma_wait3A_110] : memref<32x2x50x100xi32, #tpu.memory_space<hbm>> -> memref<1x1x50x100xi32, #tpu.memory_space<hbm>>
      %dma_wait3A_112 = tpu.memref_squeeze %dma_wait3A_111 : memref<1x1x50x100xi32, #tpu.memory_space<hbm>> -> memref<50x100xi32, #tpu.memory_space<hbm>>
      tpu.wait_dma2 semaphore(%run_scoped3A_96 : memref<!tpu.dma_semaphore, #tpu.memory_space<semaphore_mem>>) src(%dma_wait3A_112 : memref<50x100xi32, #tpu.memory_space<hbm>>) dst(%arg7 : memref<50x100xi32, #tpu.memory_space<vmem>>)
      tpu.yield
    }) : () -> ()
    %dma_start3A_9 = arith.constant 0 : i32
    %dma_start3A_10 = arith.constant 0 : i32
    %dma_start3A_11 = tpu.memref_slice %arg6[%dma_start3A_9, %dma_start3A_10] : memref<50x100xi32, #tpu.memory_space<vmem>> -> memref<1x100xi32, #tpu.memory_space<vmem>>
    %dma_start3A_12 = tpu.memref_squeeze %dma_start3A_11 : memref<1x100xi32, #tpu.memory_space<vmem>> -> memref<100xi32, #tpu.memory_space<vmem>>
    %dma_start3A_13 = arith.constant 0 : i32
    %dma_start3A_14 = arith.constant 0 : i32
    %dma_start3A_15 = tpu.memref_slice %arg2[%dma_start3A_13, %dma_start3A_14] : memref<10240x128xf32, #tpu.memory_space<hbm>> -> memref<10240x128xf32, #tpu.memory_space<hbm>>
    tpu.enqueue_indirect_dma source(%dma_start3A_15 : memref<10240x128xf32, #tpu.memory_space<hbm>>) target(%arg8 : memref<100x128xf32, #tpu.memory_space<vmem>>) offsets(%dma_start3A_12 : memref<100xi32, #tpu.memory_space<vmem>>) semaphore(%arg11 : memref<!tpu.dma_semaphore, #tpu.memory_space<semaphore_mem>>)
    %mul3A_16 = arith.constant 640 : i32
    %mul3A_17 = arith.muli %arg1, %mul3A_16 : i32
    %mul3A_18 = arith.constant 640 : i32
    %mul3A_19 = arith.muli %arg1, %mul3A_18 : i32
    %dma_wait3A = arith.constant 0 : i32
    %dma_wait3A_20 = tpu.memref_slice %arg10[%mul3A_19, %dma_wait3A] : memref<10240x128xf32, #tpu.memory_space<vmem_shared>> -> memref<640x128xf32, #tpu.memory_space<vmem_shared>>
    %dma_wait3A_21 = arith.constant 0 : i32
    %dma_wait3A_22 = tpu.memref_slice %arg2[%mul3A_17, %dma_wait3A_21] : memref<10240x128xf32, #tpu.memory_space<hbm>> -> memref<640x128xf32, #tpu.memory_space<hbm>>
    tpu.wait_dma2 semaphore(%arg13 : memref<!tpu.dma_semaphore, #tpu.memory_space<semaphore_mem>>) src(%dma_wait3A_22 : memref<640x128xf32, #tpu.memory_space<hbm>>) dst(%dma_wait3A_20 : memref<640x128xf32, #tpu.memory_space<vmem_shared>>)
    %barrier3A = arith.constant 0 : index
    tpu.barrier barrier_id(%barrier3A)
    %scan3A = arith.constant 0 : i32
    %scan3A_23 = arith.constant 0 : i32
    %scan3A_24 = arith.constant 24 : i32
    %scan3A_25 = arith.addi %scan3A_23, %scan3A_24 : i32
    %scan3A_26 = arith.constant 1 : i32
    %scan3A_27 = scf.for %scan3A_96 = %scan3A_23 to %scan3A_25 step %scan3A_26 iter_args(%scan3A_97 = %scan3A) -> (i32)  : i32 {
      %mul3A_98 = arith.constant 2 : i32
      %mul3A_99 = arith.muli %mul3A_98, %scan3A_96 : i32
      %dma_wait3A_100 = arith.constant 0 : i32
      %dma_wait3A_101 = tpu.memref_slice %arg6[%mul3A_99, %dma_wait3A_100] : memref<50x100xi32, #tpu.memory_space<vmem>> -> memref<1x100xi32, #tpu.memory_space<vmem>>
      %dma_wait3A_102 = tpu.memref_squeeze %dma_wait3A_101 : memref<1x100xi32, #tpu.memory_space<vmem>> -> memref<100xi32, #tpu.memory_space<vmem>>
      %dma_wait3A_103 = arith.constant 0 : i32
      %dma_wait3A_104 = arith.constant 0 : i32
      %dma_wait3A_105 = tpu.memref_slice %arg2[%dma_wait3A_103, %dma_wait3A_104] : memref<10240x128xf32, #tpu.memory_space<hbm>> -> memref<10240x128xf32, #tpu.memory_space<hbm>>
      tpu.wait_indirect_dma semaphore(%arg11 : memref<!tpu.dma_semaphore, #tpu.memory_space<semaphore_mem>>) src(%dma_wait3A_105 : memref<10240x128xf32, #tpu.memory_space<hbm>>) dst(%arg8 : memref<100x128xf32, #tpu.memory_space<vmem>>)
      %add3A_106 = arith.constant 1 : i32
      %add3A_107 = arith.addi %mul3A_99, %add3A_106 : i32
      %dma_start3A_108 = arith.constant 0 : i32
      %dma_start3A_109 = tpu.memref_slice %arg6[%add3A_107, %dma_start3A_108] : memref<50x100xi32, #tpu.memory_space<vmem>> -> memref<1x100xi32, #tpu.memory_space<vmem>>
      %dma_start3A_110 = tpu.memref_squeeze %dma_start3A_109 : memref<1x100xi32, #tpu.memory_space<vmem>> -> memref<100xi32, #tpu.memory_space<vmem>>
      %dma_start3A_111 = arith.constant 0 : i32
      %dma_start3A_112 = arith.constant 0 : i32
      %dma_start3A_113 = tpu.memref_slice %arg2[%dma_start3A_111, %dma_start3A_112] : memref<10240x128xf32, #tpu.memory_space<hbm>> -> memref<10240x128xf32, #tpu.memory_space<hbm>>
      tpu.enqueue_indirect_dma source(%dma_start3A_113 : memref<10240x128xf32, #tpu.memory_space<hbm>>) target(%arg9 : memref<100x128xf32, #tpu.memory_space<vmem>>) offsets(%dma_start3A_110 : memref<100xi32, #tpu.memory_space<vmem>>) semaphore(%arg12 : memref<!tpu.dma_semaphore, #tpu.memory_space<semaphore_mem>>)
      "tpu.region"() ({
        %run_scoped3A_133 = tpu.sem_alloc : memref<!tpu.dma_semaphore, #tpu.memory_space<semaphore_mem>>
        %dma_start3A_134 = arith.constant 0 : i32
        %dma_start3A_135 = tpu.memref_slice %arg7[%mul3A_99, %dma_start3A_134] : memref<50x100xi32, #tpu.memory_space<vmem>> -> memref<1x100xi32, #tpu.memory_space<vmem>>
        %dma_start3A_136 = tpu.memref_squeeze %dma_start3A_135 : memref<1x100xi32, #tpu.memory_space<vmem>> -> memref<100xi32, #tpu.memory_space<vmem>>
        %dma_start3A_137 = arith.constant 0 : i32
        %dma_start3A_138 = arith.constant 0 : i32
        %dma_start3A_139 = tpu.memref_slice %arg10[%dma_start3A_137, %dma_start3A_138] : memref<10240x128xf32, #tpu.memory_space<vmem_shared>> -> memref<10240x128xf32, #tpu.memory_space<vmem_shared>>
        tpu.enqueue_indirect_dma source(%arg8 : memref<100x128xf32, #tpu.memory_space<vmem>>) target(%dma_start3A_139 : memref<10240x128xf32, #tpu.memory_space<vmem_shared>>) offsets(%dma_start3A_136 : memref<100xi32, #tpu.memory_space<vmem>>) semaphore(%run_scoped3A_133 : memref<!tpu.dma_semaphore, #tpu.memory_space<semaphore_mem>>) {add = true}
        %dma_wait3A_140 = arith.constant 0 : i32
        %dma_wait3A_141 = tpu.memref_slice %arg7[%mul3A_99, %dma_wait3A_140] : memref<50x100xi32, #tpu.memory_space<vmem>> -> memref<1x100xi32, #tpu.memory_space<vmem>>
        %dma_wait3A_142 = tpu.memref_squeeze %dma_wait3A_141 : memref<1x100xi32, #tpu.memory_space<vmem>> -> memref<100xi32, #tpu.memory_space<vmem>>
        %dma_wait3A_143 = arith.constant 0 : i32
        %dma_wait3A_144 = arith.constant 0 : i32
        %dma_wait3A_145 = tpu.memref_slice %arg10[%dma_wait3A_143, %dma_wait3A_144] : memref<10240x128xf32, #tpu.memory_space<vmem_shared>> -> memref<10240x128xf32, #tpu.memory_space<vmem_shared>>
        tpu.wait_indirect_dma semaphore(%run_scoped3A_133 : memref<!tpu.dma_semaphore, #tpu.memory_space<semaphore_mem>>) src(%arg8 : memref<100x128xf32, #tpu.memory_space<vmem>>) dst(%dma_wait3A_145 : memref<10240x128xf32, #tpu.memory_space<vmem_shared>>)
        tpu.yield
      }) : () -> ()
      %add3A_114 = arith.constant 2 : i32
      %add3A_115 = arith.addi %mul3A_99, %add3A_114 : i32
      %dma_start3A_116 = arith.constant 0 : i32
      %dma_start3A_117 = tpu.memref_slice %arg6[%add3A_115, %dma_start3A_116] : memref<50x100xi32, #tpu.memory_space<vmem>> -> memref<1x100xi32, #tpu.memory_space<vmem>>
      %dma_start3A_118 = tpu.memref_squeeze %dma_start3A_117 : memref<1x100xi32, #tpu.memory_space<vmem>> -> memref<100xi32, #tpu.memory_space<vmem>>
      %dma_start3A_119 = arith.constant 0 : i32
      %dma_start3A_120 = arith.constant 0 : i32
      %dma_start3A_121 = tpu.memref_slice %arg2[%dma_start3A_119, %dma_start3A_120] : memref<10240x128xf32, #tpu.memory_space<hbm>> -> memref<10240x128xf32, #tpu.memory_space<hbm>>
      tpu.enqueue_indirect_dma source(%dma_start3A_121 : memref<10240x128xf32, #tpu.memory_space<hbm>>) target(%arg8 : memref<100x128xf32, #tpu.memory_space<vmem>>) offsets(%dma_start3A_118 : memref<100xi32, #tpu.memory_space<vmem>>) semaphore(%arg11 : memref<!tpu.dma_semaphore, #tpu.memory_space<semaphore_mem>>)
      %add3A_122 = arith.constant 1 : i32
      %add3A_123 = arith.addi %mul3A_99, %add3A_122 : i32
      %dma_wait3A_124 = arith.constant 0 : i32
      %dma_wait3A_125 = tpu.memref_slice %arg6[%add3A_123, %dma_wait3A_124] : memref<50x100xi32, #tpu.memory_space<vmem>> -> memref<1x100xi32, #tpu.memory_space<vmem>>
      %dma_wait3A_126 = tpu.memref_squeeze %dma_wait3A_125 : memref<1x100xi32, #tpu.memory_space<vmem>> -> memref<100xi32, #tpu.memory_space<vmem>>
      %dma_wait3A_127 = arith.constant 0 : i32
      %dma_wait3A_128 = arith.constant 0 : i32
      %dma_wait3A_129 = tpu.memref_slice %arg2[%dma_wait3A_127, %dma_wait3A_128] : memref<10240x128xf32, #tpu.memory_space<hbm>> -> memref<10240x128xf32, #tpu.memory_space<hbm>>
      tpu.wait_indirect_dma semaphore(%arg12 : memref<!tpu.dma_semaphore, #tpu.memory_space<semaphore_mem>>) src(%dma_wait3A_129 : memref<10240x128xf32, #tpu.memory_space<hbm>>) dst(%arg9 : memref<100x128xf32, #tpu.memory_space<vmem>>)
      %add3A_130 = arith.constant 1 : i32
      %add3A_131 = arith.addi %mul3A_99, %add3A_130 : i32
      "tpu.region"() ({
        %run_scoped3A_133 = tpu.sem_alloc : memref<!tpu.dma_semaphore, #tpu.memory_space<semaphore_mem>>
        %dma_start3A_134 = arith.constant 0 : i32
        %dma_start3A_135 = tpu.memref_slice %arg7[%add3A_131, %dma_start3A_134] : memref<50x100xi32, #tpu.memory_space<vmem>> -> memref<1x100xi32, #tpu.memory_space<vmem>>
        %dma_start3A_136 = tpu.memref_squeeze %dma_start3A_135 : memref<1x100xi32, #tpu.memory_space<vmem>> -> memref<100xi32, #tpu.memory_space<vmem>>
        %dma_start3A_137 = arith.constant 0 : i32
        %dma_start3A_138 = arith.constant 0 : i32
        %dma_start3A_139 = tpu.memref_slice %arg10[%dma_start3A_137, %dma_start3A_138] : memref<10240x128xf32, #tpu.memory_space<vmem_shared>> -> memref<10240x128xf32, #tpu.memory_space<vmem_shared>>
        tpu.enqueue_indirect_dma source(%arg9 : memref<100x128xf32, #tpu.memory_space<vmem>>) target(%dma_start3A_139 : memref<10240x128xf32, #tpu.memory_space<vmem_shared>>) offsets(%dma_start3A_136 : memref<100xi32, #tpu.memory_space<vmem>>) semaphore(%run_scoped3A_133 : memref<!tpu.dma_semaphore, #tpu.memory_space<semaphore_mem>>) {add = true}
        %dma_wait3A_140 = arith.constant 0 : i32
        %dma_wait3A_141 = tpu.memref_slice %arg7[%add3A_131, %dma_wait3A_140] : memref<50x100xi32, #tpu.memory_space<vmem>> -> memref<1x100xi32, #tpu.memory_space<vmem>>
        %dma_wait3A_142 = tpu.memref_squeeze %dma_wait3A_141 : memref<1x100xi32, #tpu.memory_space<vmem>> -> memref<100xi32, #tpu.memory_space<vmem>>
        %dma_wait3A_143 = arith.constant 0 : i32
        %dma_wait3A_144 = arith.constant 0 : i32
        %dma_wait3A_145 = tpu.memref_slice %arg10[%dma_wait3A_143, %dma_wait3A_144] : memref<10240x128xf32, #tpu.memory_space<vmem_shared>> -> memref<10240x128xf32, #tpu.memory_space<vmem_shared>>
        tpu.wait_indirect_dma semaphore(%run_scoped3A_133 : memref<!tpu.dma_semaphore, #tpu.memory_space<semaphore_mem>>) src(%arg9 : memref<100x128xf32, #tpu.memory_space<vmem>>) dst(%dma_wait3A_145 : memref<10240x128xf32, #tpu.memory_space<vmem_shared>>)
        tpu.yield
      }) : () -> ()
      %scan3A_132 = arith.constant 0 : i32
      scf.yield %scan3A_132 : i32
    }
    %scan3A_28 = arith.constant 24 : i32
    %dma_wait3A_29 = arith.constant 48 : i32
    %dma_wait3A_30 = arith.constant 0 : i32
    %dma_wait3A_31 = tpu.memref_slice %arg6[%dma_wait3A_29, %dma_wait3A_30] : memref<50x100xi32, #tpu.memory_space<vmem>> -> memref<1x100xi32, #tpu.memory_space<vmem>>
    %dma_wait3A_32 = tpu.memref_squeeze %dma_wait3A_31 : memref<1x100xi32, #tpu.memory_space<vmem>> -> memref<100xi32, #tpu.memory_space<vmem>>
    %dma_wait3A_33 = arith.constant 0 : i32
    %dma_wait3A_34 = arith.constant 0 : i32
    %dma_wait3A_35 = tpu.memref_slice %arg2[%dma_wait3A_33, %dma_wait3A_34] : memref<10240x128xf32, #tpu.memory_space<hbm>> -> memref<10240x128xf32, #tpu.memory_space<hbm>>
    tpu.wait_indirect_dma semaphore(%arg11 : memref<!tpu.dma_semaphore, #tpu.memory_space<semaphore_mem>>) src(%dma_wait3A_35 : memref<10240x128xf32, #tpu.memory_space<hbm>>) dst(%arg8 : memref<100x128xf32, #tpu.memory_space<vmem>>)
    %dma_start3A_36 = arith.constant 49 : i32
    %dma_start3A_37 = arith.constant 0 : i32
    %dma_start3A_38 = tpu.memref_slice %arg6[%dma_start3A_36, %dma_start3A_37] : memref<50x100xi32, #tpu.memory_space<vmem>> -> memref<1x100xi32, #tpu.memory_space<vmem>>
    %dma_start3A_39 = tpu.memref_squeeze %dma_start3A_38 : memref<1x100xi32, #tpu.memory_space<vmem>> -> memref<100xi32, #tpu.memory_space<vmem>>
    %dma_start3A_40 = arith.constant 0 : i32
    %dma_start3A_41 = arith.constant 0 : i32
    %dma_start3A_42 = tpu.memref_slice %arg2[%dma_start3A_40, %dma_start3A_41] : memref<10240x128xf32, #tpu.memory_space<hbm>> -> memref<10240x128xf32, #tpu.memory_space<hbm>>
    tpu.enqueue_indirect_dma source(%dma_start3A_42 : memref<10240x128xf32, #tpu.memory_space<hbm>>) target(%arg9 : memref<100x128xf32, #tpu.memory_space<vmem>>) offsets(%dma_start3A_39 : memref<100xi32, #tpu.memory_space<vmem>>) semaphore(%arg12 : memref<!tpu.dma_semaphore, #tpu.memory_space<semaphore_mem>>)
    %run_scoped3A_43 = arith.constant 48 : i32
    "tpu.region"() ({
      %run_scoped3A_96 = tpu.sem_alloc : memref<!tpu.dma_semaphore, #tpu.memory_space<semaphore_mem>>
      %dma_start3A_97 = arith.constant 0 : i32
      %dma_start3A_98 = tpu.memref_slice %arg7[%run_scoped3A_43, %dma_start3A_97] : memref<50x100xi32, #tpu.memory_space<vmem>> -> memref<1x100xi32, #tpu.memory_space<vmem>>
      %dma_start3A_99 = tpu.memref_squeeze %dma_start3A_98 : memref<1x100xi32, #tpu.memory_space<vmem>> -> memref<100xi32, #tpu.memory_space<vmem>>
      %dma_start3A_100 = arith.constant 0 : i32
      %dma_start3A_101 = arith.constant 0 : i32
      %dma_start3A_102 = tpu.memref_slice %arg10[%dma_start3A_100, %dma_start3A_101] : memref<10240x128xf32, #tpu.memory_space<vmem_shared>> -> memref<10240x128xf32, #tpu.memory_space<vmem_shared>>
      tpu.enqueue_indirect_dma source(%arg8 : memref<100x128xf32, #tpu.memory_space<vmem>>) target(%dma_start3A_102 : memref<10240x128xf32, #tpu.memory_space<vmem_shared>>) offsets(%dma_start3A_99 : memref<100xi32, #tpu.memory_space<vmem>>) semaphore(%run_scoped3A_96 : memref<!tpu.dma_semaphore, #tpu.memory_space<semaphore_mem>>) {add = true}
      %dma_wait3A_103 = arith.constant 0 : i32
      %dma_wait3A_104 = tpu.memref_slice %arg7[%run_scoped3A_43, %dma_wait3A_103] : memref<50x100xi32, #tpu.memory_space<vmem>> -> memref<1x100xi32, #tpu.memory_space<vmem>>
      %dma_wait3A_105 = tpu.memref_squeeze %dma_wait3A_104 : memref<1x100xi32, #tpu.memory_space<vmem>> -> memref<100xi32, #tpu.memory_space<vmem>>
      %dma_wait3A_106 = arith.constant 0 : i32
      %dma_wait3A_107 = arith.constant 0 : i32
      %dma_wait3A_108 = tpu.memref_slice %arg10[%dma_wait3A_106, %dma_wait3A_107] : memref<10240x128xf32, #tpu.memory_space<vmem_shared>> -> memref<10240x128xf32, #tpu.memory_space<vmem_shared>>
      tpu.wait_indirect_dma semaphore(%run_scoped3A_96 : memref<!tpu.dma_semaphore, #tpu.memory_space<semaphore_mem>>) src(%arg8 : memref<100x128xf32, #tpu.memory_space<vmem>>) dst(%dma_wait3A_108 : memref<10240x128xf32, #tpu.memory_space<vmem_shared>>)
      tpu.yield
    }) : () -> ()
    %dma_wait3A_44 = arith.constant 49 : i32
    %dma_wait3A_45 = arith.constant 0 : i32
    %dma_wait3A_46 = tpu.memref_slice %arg6[%dma_wait3A_44, %dma_wait3A_45] : memref<50x100xi32, #tpu.memory_space<vmem>> -> memref<1x100xi32, #tpu.memory_space<vmem>>
    %dma_wait3A_47 = tpu.memref_squeeze %dma_wait3A_46 : memref<1x100xi32, #tpu.memory_space<vmem>> -> memref<100xi32, #tpu.memory_space<vmem>>
    %dma_wait3A_48 = arith.constant 0 : i32
    %dma_wait3A_49 = arith.constant 0 : i32
    %dma_wait3A_50 = tpu.memref_slice %arg2[%dma_wait3A_48, %dma_wait3A_49] : memref<10240x128xf32, #tpu.memory_space<hbm>> -> memref<10240x128xf32, #tpu.memory_space<hbm>>
    tpu.wait_indirect_dma semaphore(%arg12 : memref<!tpu.dma_semaphore, #tpu.memory_space<semaphore_mem>>) src(%dma_wait3A_50 : memref<10240x128xf32, #tpu.memory_space<hbm>>) dst(%arg9 : memref<100x128xf32, #tpu.memory_space<vmem>>)
    %run_scoped3A_51 = arith.constant 49 : i32
    "tpu.region"() ({
      %run_scoped3A_96 = tpu.sem_alloc : memref<!tpu.dma_semaphore, #tpu.memory_space<semaphore_mem>>
      %dma_start3A_97 = arith.constant 0 : i32
      %dma_start3A_98 = tpu.memref_slice %arg7[%run_scoped3A_51, %dma_start3A_97] : memref<50x100xi32, #tpu.memory_space<vmem>> -> memref<1x100xi32, #tpu.memory_space<vmem>>
      %dma_start3A_99 = tpu.memref_squeeze %dma_start3A_98 : memref<1x100xi32, #tpu.memory_space<vmem>> -> memref<100xi32, #tpu.memory_space<vmem>>
      %dma_start3A_100 = arith.constant 0 : i32
      %dma_start3A_101 = arith.constant 0 : i32
      %dma_start3A_102 = tpu.memref_slice %arg10[%dma_start3A_100, %dma_start3A_101] : memref<10240x128xf32, #tpu.memory_space<vmem_shared>> -> memref<10240x128xf32, #tpu.memory_space<vmem_shared>>
      tpu.enqueue_indirect_dma source(%arg9 : memref<100x128xf32, #tpu.memory_space<vmem>>) target(%dma_start3A_102 : memref<10240x128xf32, #tpu.memory_space<vmem_shared>>) offsets(%dma_start3A_99 : memref<100xi32, #tpu.memory_space<vmem>>) semaphore(%run_scoped3A_96 : memref<!tpu.dma_semaphore, #tpu.memory_space<semaphore_mem>>) {add = true}
      %dma_wait3A_103 = arith.constant 0 : i32
      %dma_wait3A_104 = tpu.memref_slice %arg7[%run_scoped3A_51, %dma_wait3A_103] : memref<50x100xi32, #tpu.memory_space<vmem>> -> memref<1x100xi32, #tpu.memory_space<vmem>>
      %dma_wait3A_105 = tpu.memref_squeeze %dma_wait3A_104 : memref<1x100xi32, #tpu.memory_space<vmem>> -> memref<100xi32, #tpu.memory_space<vmem>>
      %dma_wait3A_106 = arith.constant 0 : i32
      %dma_wait3A_107 = arith.constant 0 : i32
      %dma_wait3A_108 = tpu.memref_slice %arg10[%dma_wait3A_106, %dma_wait3A_107] : memref<10240x128xf32, #tpu.memory_space<vmem_shared>> -> memref<10240x128xf32, #tpu.memory_space<vmem_shared>>
      tpu.wait_indirect_dma semaphore(%run_scoped3A_96 : memref<!tpu.dma_semaphore, #tpu.memory_space<semaphore_mem>>) src(%arg9 : memref<100x128xf32, #tpu.memory_space<vmem>>) dst(%dma_wait3A_108 : memref<10240x128xf32, #tpu.memory_space<vmem_shared>>)
      tpu.yield
    }) : () -> ()
    %run_scoped3A_52 = arith.constant 1 : i32
    "tpu.region"() ({
      %run_scoped3A_96 = tpu.sem_alloc : memref<!tpu.dma_semaphore, #tpu.memory_space<semaphore_mem>>
      %dma_start3A_97 = arith.constant 0 : i32
      %dma_start3A_98 = arith.constant 0 : i32
      %dma_start3A_99 = tpu.memref_slice %arg3[%add3A, %run_scoped3A_52, %dma_start3A_97, %dma_start3A_98] : memref<32x2x50x100xi32, #tpu.memory_space<hbm>> -> memref<1x1x50x100xi32, #tpu.memory_space<hbm>>
      %dma_start3A_100 = tpu.memref_squeeze %dma_start3A_99 : memref<1x1x50x100xi32, #tpu.memory_space<hbm>> -> memref<50x100xi32, #tpu.memory_space<hbm>>
      %dma_start3A_101 = arith.constant 0 : i32
      %dma_start3A_102 = arith.constant 0 : i32
      %dma_start3A_103 = tpu.memref_slice %arg3[%add3A, %run_scoped3A_52, %dma_start3A_101, %dma_start3A_102] : memref<32x2x50x100xi32, #tpu.memory_space<hbm>> -> memref<1x1x50x100xi32, #tpu.memory_space<hbm>>
      %dma_start3A_104 = tpu.memref_squeeze %dma_start3A_103 : memref<1x1x50x100xi32, #tpu.memory_space<hbm>> -> memref<50x100xi32, #tpu.memory_space<hbm>>
      tpu.enqueue_dma source(%dma_start3A_104 : memref<50x100xi32, #tpu.memory_space<hbm>>) target(%arg6 : memref<50x100xi32, #tpu.memory_space<vmem>>) target_semaphore(%run_scoped3A_96 : memref<!tpu.dma_semaphore, #tpu.memory_space<semaphore_mem>>)
      %dma_wait3A_105 = arith.constant 0 : i32
      %dma_wait3A_106 = arith.constant 0 : i32
      %dma_wait3A_107 = tpu.memref_slice %arg3[%add3A, %run_scoped3A_52, %dma_wait3A_105, %dma_wait3A_106] : memref<32x2x50x100xi32, #tpu.memory_space<hbm>> -> memref<1x1x50x100xi32, #tpu.memory_space<hbm>>
      %dma_wait3A_108 = tpu.memref_squeeze %dma_wait3A_107 : memref<1x1x50x100xi32, #tpu.memory_space<hbm>> -> memref<50x100xi32, #tpu.memory_space<hbm>>
      %dma_wait3A_109 = arith.constant 0 : i32
      %dma_wait3A_110 = arith.constant 0 : i32
      %dma_wait3A_111 = tpu.memref_slice %arg3[%add3A, %run_scoped3A_52, %dma_wait3A_109, %dma_wait3A_110] : memref<32x2x50x100xi32, #tpu.memory_space<hbm>> -> memref<1x1x50x100xi32, #tpu.memory_space<hbm>>
      %dma_wait3A_112 = tpu.memref_squeeze %dma_wait3A_111 : memref<1x1x50x100xi32, #tpu.memory_space<hbm>> -> memref<50x100xi32, #tpu.memory_space<hbm>>
      tpu.wait_dma2 semaphore(%run_scoped3A_96 : memref<!tpu.dma_semaphore, #tpu.memory_space<semaphore_mem>>) src(%dma_wait3A_112 : memref<50x100xi32, #tpu.memory_space<hbm>>) dst(%arg6 : memref<50x100xi32, #tpu.memory_space<vmem>>)
      tpu.yield
    }) : () -> ()
    %run_scoped3A_53 = arith.constant 1 : i32
    "tpu.region"() ({
      %run_scoped3A_96 = tpu.sem_alloc : memref<!tpu.dma_semaphore, #tpu.memory_space<semaphore_mem>>
      %dma_start3A_97 = arith.constant 0 : i32
      %dma_start3A_98 = arith.constant 0 : i32
      %dma_start3A_99 = tpu.memref_slice %arg4[%add3A, %run_scoped3A_53, %dma_start3A_97, %dma_start3A_98] : memref<32x2x50x100xi32, #tpu.memory_space<hbm>> -> memref<1x1x50x100xi32, #tpu.memory_space<hbm>>
      %dma_start3A_100 = tpu.memref_squeeze %dma_start3A_99 : memref<1x1x50x100xi32, #tpu.memory_space<hbm>> -> memref<50x100xi32, #tpu.memory_space<hbm>>
      %dma_start3A_101 = arith.constant 0 : i32
      %dma_start3A_102 = arith.constant 0 : i32
      %dma_start3A_103 = tpu.memref_slice %arg4[%add3A, %run_scoped3A_53, %dma_start3A_101, %dma_start3A_102] : memref<32x2x50x100xi32, #tpu.memory_space<hbm>> -> memref<1x1x50x100xi32, #tpu.memory_space<hbm>>
      %dma_start3A_104 = tpu.memref_squeeze %dma_start3A_103 : memref<1x1x50x100xi32, #tpu.memory_space<hbm>> -> memref<50x100xi32, #tpu.memory_space<hbm>>
      tpu.enqueue_dma source(%dma_start3A_104 : memref<50x100xi32, #tpu.memory_space<hbm>>) target(%arg7 : memref<50x100xi32, #tpu.memory_space<vmem>>) target_semaphore(%run_scoped3A_96 : memref<!tpu.dma_semaphore, #tpu.memory_space<semaphore_mem>>)
      %dma_wait3A_105 = arith.constant 0 : i32
      %dma_wait3A_106 = arith.constant 0 : i32
      %dma_wait3A_107 = tpu.memref_slice %arg4[%add3A, %run_scoped3A_53, %dma_wait3A_105, %dma_wait3A_106] : memref<32x2x50x100xi32, #tpu.memory_space<hbm>> -> memref<1x1x50x100xi32, #tpu.memory_space<hbm>>
      %dma_wait3A_108 = tpu.memref_squeeze %dma_wait3A_107 : memref<1x1x50x100xi32, #tpu.memory_space<hbm>> -> memref<50x100xi32, #tpu.memory_space<hbm>>
      %dma_wait3A_109 = arith.constant 0 : i32
      %dma_wait3A_110 = arith.constant 0 : i32
      %dma_wait3A_111 = tpu.memref_slice %arg4[%add3A, %run_scoped3A_53, %dma_wait3A_109, %dma_wait3A_110] : memref<32x2x50x100xi32, #tpu.memory_space<hbm>> -> memref<1x1x50x100xi32, #tpu.memory_space<hbm>>
      %dma_wait3A_112 = tpu.memref_squeeze %dma_wait3A_111 : memref<1x1x50x100xi32, #tpu.memory_space<hbm>> -> memref<50x100xi32, #tpu.memory_space<hbm>>
      tpu.wait_dma2 semaphore(%run_scoped3A_96 : memref<!tpu.dma_semaphore, #tpu.memory_space<semaphore_mem>>) src(%dma_wait3A_112 : memref<50x100xi32, #tpu.memory_space<hbm>>) dst(%arg7 : memref<50x100xi32, #tpu.memory_space<vmem>>)
      tpu.yield
    }) : () -> ()
    %dma_start3A_54 = arith.constant 0 : i32
    %dma_start3A_55 = arith.constant 0 : i32
    %dma_start3A_56 = tpu.memref_slice %arg6[%dma_start3A_54, %dma_start3A_55] : memref<50x100xi32, #tpu.memory_space<vmem>> -> memref<1x100xi32, #tpu.memory_space<vmem>>
    %dma_start3A_57 = tpu.memref_squeeze %dma_start3A_56 : memref<1x100xi32, #tpu.memory_space<vmem>> -> memref<100xi32, #tpu.memory_space<vmem>>
    %dma_start3A_58 = arith.constant 0 : i32
    %dma_start3A_59 = arith.constant 0 : i32
    %dma_start3A_60 = tpu.memref_slice %arg2[%dma_start3A_58, %dma_start3A_59] : memref<10240x128xf32, #tpu.memory_space<hbm>> -> memref<10240x128xf32, #tpu.memory_space<hbm>>
    tpu.enqueue_indirect_dma source(%dma_start3A_60 : memref<10240x128xf32, #tpu.memory_space<hbm>>) target(%arg8 : memref<100x128xf32, #tpu.memory_space<vmem>>) offsets(%dma_start3A_57 : memref<100xi32, #tpu.memory_space<vmem>>) semaphore(%arg11 : memref<!tpu.dma_semaphore, #tpu.memory_space<semaphore_mem>>)
    %scan3A_61 = arith.constant 0 : i32
    %scan3A_62 = arith.constant 0 : i32
    %scan3A_63 = arith.constant 24 : i32
    %scan3A_64 = arith.addi %scan3A_62, %scan3A_63 : i32
    %scan3A_65 = arith.constant 1 : i32
    %scan3A_66 = scf.for %scan3A_96 = %scan3A_62 to %scan3A_64 step %scan3A_65 iter_args(%scan3A_97 = %scan3A_61) -> (i32)  : i32 {
      %mul3A_98 = arith.constant 2 : i32
      %mul3A_99 = arith.muli %mul3A_98, %scan3A_96 : i32
      %dma_wait3A_100 = arith.constant 0 : i32
      %dma_wait3A_101 = tpu.memref_slice %arg6[%mul3A_99, %dma_wait3A_100] : memref<50x100xi32, #tpu.memory_space<vmem>> -> memref<1x100xi32, #tpu.memory_space<vmem>>
      %dma_wait3A_102 = tpu.memref_squeeze %dma_wait3A_101 : memref<1x100xi32, #tpu.memory_space<vmem>> -> memref<100xi32, #tpu.memory_space<vmem>>
      %dma_wait3A_103 = arith.constant 0 : i32
      %dma_wait3A_104 = arith.constant 0 : i32
      %dma_wait3A_105 = tpu.memref_slice %arg2[%dma_wait3A_103, %dma_wait3A_104] : memref<10240x128xf32, #tpu.memory_space<hbm>> -> memref<10240x128xf32, #tpu.memory_space<hbm>>
      tpu.wait_indirect_dma semaphore(%arg11 : memref<!tpu.dma_semaphore, #tpu.memory_space<semaphore_mem>>) src(%dma_wait3A_105 : memref<10240x128xf32, #tpu.memory_space<hbm>>) dst(%arg8 : memref<100x128xf32, #tpu.memory_space<vmem>>)
      %add3A_106 = arith.constant 1 : i32
      %add3A_107 = arith.addi %mul3A_99, %add3A_106 : i32
      %dma_start3A_108 = arith.constant 0 : i32
      %dma_start3A_109 = tpu.memref_slice %arg6[%add3A_107, %dma_start3A_108] : memref<50x100xi32, #tpu.memory_space<vmem>> -> memref<1x100xi32, #tpu.memory_space<vmem>>
      %dma_start3A_110 = tpu.memref_squeeze %dma_start3A_109 : memref<1x100xi32, #tpu.memory_space<vmem>> -> memref<100xi32, #tpu.memory_space<vmem>>
      %dma_start3A_111 = arith.constant 0 : i32
      %dma_start3A_112 = arith.constant 0 : i32
      %dma_start3A_113 = tpu.memref_slice %arg2[%dma_start3A_111, %dma_start3A_112] : memref<10240x128xf32, #tpu.memory_space<hbm>> -> memref<10240x128xf32, #tpu.memory_space<hbm>>
      tpu.enqueue_indirect_dma source(%dma_start3A_113 : memref<10240x128xf32, #tpu.memory_space<hbm>>) target(%arg9 : memref<100x128xf32, #tpu.memory_space<vmem>>) offsets(%dma_start3A_110 : memref<100xi32, #tpu.memory_space<vmem>>) semaphore(%arg12 : memref<!tpu.dma_semaphore, #tpu.memory_space<semaphore_mem>>)
      "tpu.region"() ({
        %run_scoped3A_133 = tpu.sem_alloc : memref<!tpu.dma_semaphore, #tpu.memory_space<semaphore_mem>>
        %dma_start3A_134 = arith.constant 0 : i32
        %dma_start3A_135 = tpu.memref_slice %arg7[%mul3A_99, %dma_start3A_134] : memref<50x100xi32, #tpu.memory_space<vmem>> -> memref<1x100xi32, #tpu.memory_space<vmem>>
        %dma_start3A_136 = tpu.memref_squeeze %dma_start3A_135 : memref<1x100xi32, #tpu.memory_space<vmem>> -> memref<100xi32, #tpu.memory_space<vmem>>
        %dma_start3A_137 = arith.constant 0 : i32
        %dma_start3A_138 = arith.constant 0 : i32
        %dma_start3A_139 = tpu.memref_slice %arg10[%dma_start3A_137, %dma_start3A_138] : memref<10240x128xf32, #tpu.memory_space<vmem_shared>> -> memref<10240x128xf32, #tpu.memory_space<vmem_shared>>
        tpu.enqueue_indirect_dma source(%arg8 : memref<100x128xf32, #tpu.memory_space<vmem>>) target(%dma_start3A_139 : memref<10240x128xf32, #tpu.memory_space<vmem_shared>>) offsets(%dma_start3A_136 : memref<100xi32, #tpu.memory_space<vmem>>) semaphore(%run_scoped3A_133 : memref<!tpu.dma_semaphore, #tpu.memory_space<semaphore_mem>>) {add = true}
        %dma_wait3A_140 = arith.constant 0 : i32
        %dma_wait3A_141 = tpu.memref_slice %arg7[%mul3A_99, %dma_wait3A_140] : memref<50x100xi32, #tpu.memory_space<vmem>> -> memref<1x100xi32, #tpu.memory_space<vmem>>
        %dma_wait3A_142 = tpu.memref_squeeze %dma_wait3A_141 : memref<1x100xi32, #tpu.memory_space<vmem>> -> memref<100xi32, #tpu.memory_space<vmem>>
        %dma_wait3A_143 = arith.constant 0 : i32
        %dma_wait3A_144 = arith.constant 0 : i32
        %dma_wait3A_145 = tpu.memref_slice %arg10[%dma_wait3A_143, %dma_wait3A_144] : memref<10240x128xf32, #tpu.memory_space<vmem_shared>> -> memref<10240x128xf32, #tpu.memory_space<vmem_shared>>
        tpu.wait_indirect_dma semaphore(%run_scoped3A_133 : memref<!tpu.dma_semaphore, #tpu.memory_space<semaphore_mem>>) src(%arg8 : memref<100x128xf32, #tpu.memory_space<vmem>>) dst(%dma_wait3A_145 : memref<10240x128xf32, #tpu.memory_space<vmem_shared>>)
        tpu.yield
      }) : () -> ()
      %add3A_114 = arith.constant 2 : i32
      %add3A_115 = arith.addi %mul3A_99, %add3A_114 : i32
      %dma_start3A_116 = arith.constant 0 : i32
      %dma_start3A_117 = tpu.memref_slice %arg6[%add3A_115, %dma_start3A_116] : memref<50x100xi32, #tpu.memory_space<vmem>> -> memref<1x100xi32, #tpu.memory_space<vmem>>
      %dma_start3A_118 = tpu.memref_squeeze %dma_start3A_117 : memref<1x100xi32, #tpu.memory_space<vmem>> -> memref<100xi32, #tpu.memory_space<vmem>>
      %dma_start3A_119 = arith.constant 0 : i32
      %dma_start3A_120 = arith.constant 0 : i32
      %dma_start3A_121 = tpu.memref_slice %arg2[%dma_start3A_119, %dma_start3A_120] : memref<10240x128xf32, #tpu.memory_space<hbm>> -> memref<10240x128xf32, #tpu.memory_space<hbm>>
      tpu.enqueue_indirect_dma source(%dma_start3A_121 : memref<10240x128xf32, #tpu.memory_space<hbm>>) target(%arg8 : memref<100x128xf32, #tpu.memory_space<vmem>>) offsets(%dma_start3A_118 : memref<100xi32, #tpu.memory_space<vmem>>) semaphore(%arg11 : memref<!tpu.dma_semaphore, #tpu.memory_space<semaphore_mem>>)
      %add3A_122 = arith.constant 1 : i32
      %add3A_123 = arith.addi %mul3A_99, %add3A_122 : i32
      %dma_wait3A_124 = arith.constant 0 : i32
      %dma_wait3A_125 = tpu.memref_slice %arg6[%add3A_123, %dma_wait3A_124] : memref<50x100xi32, #tpu.memory_space<vmem>> -> memref<1x100xi32, #tpu.memory_space<vmem>>
      %dma_wait3A_126 = tpu.memref_squeeze %dma_wait3A_125 : memref<1x100xi32, #tpu.memory_space<vmem>> -> memref<100xi32, #tpu.memory_space<vmem>>
      %dma_wait3A_127 = arith.constant 0 : i32
      %dma_wait3A_128 = arith.constant 0 : i32
      %dma_wait3A_129 = tpu.memref_slice %arg2[%dma_wait3A_127, %dma_wait3A_128] : memref<10240x128xf32, #tpu.memory_space<hbm>> -> memref<10240x128xf32, #tpu.memory_space<hbm>>
      tpu.wait_indirect_dma semaphore(%arg12 : memref<!tpu.dma_semaphore, #tpu.memory_space<semaphore_mem>>) src(%dma_wait3A_129 : memref<10240x128xf32, #tpu.memory_space<hbm>>) dst(%arg9 : memref<100x128xf32, #tpu.memory_space<vmem>>)
      %add3A_130 = arith.constant 1 : i32
      %add3A_131 = arith.addi %mul3A_99, %add3A_130 : i32
      "tpu.region"() ({
        %run_scoped3A_133 = tpu.sem_alloc : memref<!tpu.dma_semaphore, #tpu.memory_space<semaphore_mem>>
        %dma_start3A_134 = arith.constant 0 : i32
        %dma_start3A_135 = tpu.memref_slice %arg7[%add3A_131, %dma_start3A_134] : memref<50x100xi32, #tpu.memory_space<vmem>> -> memref<1x100xi32, #tpu.memory_space<vmem>>
        %dma_start3A_136 = tpu.memref_squeeze %dma_start3A_135 : memref<1x100xi32, #tpu.memory_space<vmem>> -> memref<100xi32, #tpu.memory_space<vmem>>
        %dma_start3A_137 = arith.constant 0 : i32
        %dma_start3A_138 = arith.constant 0 : i32
        %dma_start3A_139 = tpu.memref_slice %arg10[%dma_start3A_137, %dma_start3A_138] : memref<10240x128xf32, #tpu.memory_space<vmem_shared>> -> memref<10240x128xf32, #tpu.memory_space<vmem_shared>>
        tpu.enqueue_indirect_dma source(%arg9 : memref<100x128xf32, #tpu.memory_space<vmem>>) target(%dma_start3A_139 : memref<10240x128xf32, #tpu.memory_space<vmem_shared>>) offsets(%dma_start3A_136 : memref<100xi32, #tpu.memory_space<vmem>>) semaphore(%run_scoped3A_133 : memref<!tpu.dma_semaphore, #tpu.memory_space<semaphore_mem>>) {add = true}
        %dma_wait3A_140 = arith.constant 0 : i32
        %dma_wait3A_141 = tpu.memref_slice %arg7[%add3A_131, %dma_wait3A_140] : memref<50x100xi32, #tpu.memory_space<vmem>> -> memref<1x100xi32, #tpu.memory_space<vmem>>
        %dma_wait3A_142 = tpu.memref_squeeze %dma_wait3A_141 : memref<1x100xi32, #tpu.memory_space<vmem>> -> memref<100xi32, #tpu.memory_space<vmem>>
        %dma_wait3A_143 = arith.constant 0 : i32
        %dma_wait3A_144 = arith.constant 0 : i32
        %dma_wait3A_145 = tpu.memref_slice %arg10[%dma_wait3A_143, %dma_wait3A_144] : memref<10240x128xf32, #tpu.memory_space<vmem_shared>> -> memref<10240x128xf32, #tpu.memory_space<vmem_shared>>
        tpu.wait_indirect_dma semaphore(%run_scoped3A_133 : memref<!tpu.dma_semaphore, #tpu.memory_space<semaphore_mem>>) src(%arg9 : memref<100x128xf32, #tpu.memory_space<vmem>>) dst(%dma_wait3A_145 : memref<10240x128xf32, #tpu.memory_space<vmem_shared>>)
        tpu.yield
      }) : () -> ()
      %scan3A_132 = arith.constant 0 : i32
      scf.yield %scan3A_132 : i32
    }
    %scan3A_67 = arith.constant 24 : i32
    %dma_wait3A_68 = arith.constant 48 : i32
    %dma_wait3A_69 = arith.constant 0 : i32
    %dma_wait3A_70 = tpu.memref_slice %arg6[%dma_wait3A_68, %dma_wait3A_69] : memref<50x100xi32, #tpu.memory_space<vmem>> -> memref<1x100xi32, #tpu.memory_space<vmem>>
    %dma_wait3A_71 = tpu.memref_squeeze %dma_wait3A_70 : memref<1x100xi32, #tpu.memory_space<vmem>> -> memref<100xi32, #tpu.memory_space<vmem>>
    %dma_wait3A_72 = arith.constant 0 : i32
    %dma_wait3A_73 = arith.constant 0 : i32
    %dma_wait3A_74 = tpu.memref_slice %arg2[%dma_wait3A_72, %dma_wait3A_73] : memref<10240x128xf32, #tpu.memory_space<hbm>> -> memref<10240x128xf32, #tpu.memory_space<hbm>>
    tpu.wait_indirect_dma semaphore(%arg11 : memref<!tpu.dma_semaphore, #tpu.memory_space<semaphore_mem>>) src(%dma_wait3A_74 : memref<10240x128xf32, #tpu.memory_space<hbm>>) dst(%arg8 : memref<100x128xf32, #tpu.memory_space<vmem>>)
    %dma_start3A_75 = arith.constant 49 : i32
    %dma_start3A_76 = arith.constant 0 : i32
    %dma_start3A_77 = tpu.memref_slice %arg6[%dma_start3A_75, %dma_start3A_76] : memref<50x100xi32, #tpu.memory_space<vmem>> -> memref<1x100xi32, #tpu.memory_space<vmem>>
    %dma_start3A_78 = tpu.memref_squeeze %dma_start3A_77 : memref<1x100xi32, #tpu.memory_space<vmem>> -> memref<100xi32, #tpu.memory_space<vmem>>
    %dma_start3A_79 = arith.constant 0 : i32
    %dma_start3A_80 = arith.constant 0 : i32
    %dma_start3A_81 = tpu.memref_slice %arg2[%dma_start3A_79, %dma_start3A_80] : memref<10240x128xf32, #tpu.memory_space<hbm>> -> memref<10240x128xf32, #tpu.memory_space<hbm>>
    tpu.enqueue_indirect_dma source(%dma_start3A_81 : memref<10240x128xf32, #tpu.memory_space<hbm>>) target(%arg9 : memref<100x128xf32, #tpu.memory_space<vmem>>) offsets(%dma_start3A_78 : memref<100xi32, #tpu.memory_space<vmem>>) semaphore(%arg12 : memref<!tpu.dma_semaphore, #tpu.memory_space<semaphore_mem>>)
    %run_scoped3A_82 = arith.constant 48 : i32
    "tpu.region"() ({
      %run_scoped3A_96 = tpu.sem_alloc : memref<!tpu.dma_semaphore, #tpu.memory_space<semaphore_mem>>
      %dma_start3A_97 = arith.constant 0 : i32
      %dma_start3A_98 = tpu.memref_slice %arg7[%run_scoped3A_82, %dma_start3A_97] : memref<50x100xi32, #tpu.memory_space<vmem>> -> memref<1x100xi32, #tpu.memory_space<vmem>>
      %dma_start3A_99 = tpu.memref_squeeze %dma_start3A_98 : memref<1x100xi32, #tpu.memory_space<vmem>> -> memref<100xi32, #tpu.memory_space<vmem>>
      %dma_start3A_100 = arith.constant 0 : i32
      %dma_start3A_101 = arith.constant 0 : i32
      %dma_start3A_102 = tpu.memref_slice %arg10[%dma_start3A_100, %dma_start3A_101] : memref<10240x128xf32, #tpu.memory_space<vmem_shared>> -> memref<10240x128xf32, #tpu.memory_space<vmem_shared>>
      tpu.enqueue_indirect_dma source(%arg8 : memref<100x128xf32, #tpu.memory_space<vmem>>) target(%dma_start3A_102 : memref<10240x128xf32, #tpu.memory_space<vmem_shared>>) offsets(%dma_start3A_99 : memref<100xi32, #tpu.memory_space<vmem>>) semaphore(%run_scoped3A_96 : memref<!tpu.dma_semaphore, #tpu.memory_space<semaphore_mem>>) {add = true}
      %dma_wait3A_103 = arith.constant 0 : i32
      %dma_wait3A_104 = tpu.memref_slice %arg7[%run_scoped3A_82, %dma_wait3A_103] : memref<50x100xi32, #tpu.memory_space<vmem>> -> memref<1x100xi32, #tpu.memory_space<vmem>>
      %dma_wait3A_105 = tpu.memref_squeeze %dma_wait3A_104 : memref<1x100xi32, #tpu.memory_space<vmem>> -> memref<100xi32, #tpu.memory_space<vmem>>
      %dma_wait3A_106 = arith.constant 0 : i32
      %dma_wait3A_107 = arith.constant 0 : i32
      %dma_wait3A_108 = tpu.memref_slice %arg10[%dma_wait3A_106, %dma_wait3A_107] : memref<10240x128xf32, #tpu.memory_space<vmem_shared>> -> memref<10240x128xf32, #tpu.memory_space<vmem_shared>>
      tpu.wait_indirect_dma semaphore(%run_scoped3A_96 : memref<!tpu.dma_semaphore, #tpu.memory_space<semaphore_mem>>) src(%arg8 : memref<100x128xf32, #tpu.memory_space<vmem>>) dst(%dma_wait3A_108 : memref<10240x128xf32, #tpu.memory_space<vmem_shared>>)
      tpu.yield
    }) : () -> ()
    %dma_wait3A_83 = arith.constant 49 : i32
    %dma_wait3A_84 = arith.constant 0 : i32
    %dma_wait3A_85 = tpu.memref_slice %arg6[%dma_wait3A_83, %dma_wait3A_84] : memref<50x100xi32, #tpu.memory_space<vmem>> -> memref<1x100xi32, #tpu.memory_space<vmem>>
    %dma_wait3A_86 = tpu.memref_squeeze %dma_wait3A_85 : memref<1x100xi32, #tpu.memory_space<vmem>> -> memref<100xi32, #tpu.memory_space<vmem>>
    %dma_wait3A_87 = arith.constant 0 : i32
    %dma_wait3A_88 = arith.constant 0 : i32
    %dma_wait3A_89 = tpu.memref_slice %arg2[%dma_wait3A_87, %dma_wait3A_88] : memref<10240x128xf32, #tpu.memory_space<hbm>> -> memref<10240x128xf32, #tpu.memory_space<hbm>>
    tpu.wait_indirect_dma semaphore(%arg12 : memref<!tpu.dma_semaphore, #tpu.memory_space<semaphore_mem>>) src(%dma_wait3A_89 : memref<10240x128xf32, #tpu.memory_space<hbm>>) dst(%arg9 : memref<100x128xf32, #tpu.memory_space<vmem>>)
    %run_scoped3A_90 = arith.constant 49 : i32
    "tpu.region"() ({
      %run_scoped3A_96 = tpu.sem_alloc : memref<!tpu.dma_semaphore, #tpu.memory_space<semaphore_mem>>
      %dma_start3A_97 = arith.constant 0 : i32
      %dma_start3A_98 = tpu.memref_slice %arg7[%run_scoped3A_90, %dma_start3A_97] : memref<50x100xi32, #tpu.memory_space<vmem>> -> memref<1x100xi32, #tpu.memory_space<vmem>>
      %dma_start3A_99 = tpu.memref_squeeze %dma_start3A_98 : memref<1x100xi32, #tpu.memory_space<vmem>> -> memref<100xi32, #tpu.memory_space<vmem>>
      %dma_start3A_100 = arith.constant 0 : i32
      %dma_start3A_101 = arith.constant 0 : i32
      %dma_start3A_102 = tpu.memref_slice %arg10[%dma_start3A_100, %dma_start3A_101] : memref<10240x128xf32, #tpu.memory_space<vmem_shared>> -> memref<10240x128xf32, #tpu.memory_space<vmem_shared>>
      tpu.enqueue_indirect_dma source(%arg9 : memref<100x128xf32, #tpu.memory_space<vmem>>) target(%dma_start3A_102 : memref<10240x128xf32, #tpu.memory_space<vmem_shared>>) offsets(%dma_start3A_99 : memref<100xi32, #tpu.memory_space<vmem>>) semaphore(%run_scoped3A_96 : memref<!tpu.dma_semaphore, #tpu.memory_space<semaphore_mem>>) {add = true}
      %dma_wait3A_103 = arith.constant 0 : i32
      %dma_wait3A_104 = tpu.memref_slice %arg7[%run_scoped3A_90, %dma_wait3A_103] : memref<50x100xi32, #tpu.memory_space<vmem>> -> memref<1x100xi32, #tpu.memory_space<vmem>>
      %dma_wait3A_105 = tpu.memref_squeeze %dma_wait3A_104 : memref<1x100xi32, #tpu.memory_space<vmem>> -> memref<100xi32, #tpu.memory_space<vmem>>
      %dma_wait3A_106 = arith.constant 0 : i32
      %dma_wait3A_107 = arith.constant 0 : i32
      %dma_wait3A_108 = tpu.memref_slice %arg10[%dma_wait3A_106, %dma_wait3A_107] : memref<10240x128xf32, #tpu.memory_space<vmem_shared>> -> memref<10240x128xf32, #tpu.memory_space<vmem_shared>>
      tpu.wait_indirect_dma semaphore(%run_scoped3A_96 : memref<!tpu.dma_semaphore, #tpu.memory_space<semaphore_mem>>) src(%arg9 : memref<100x128xf32, #tpu.memory_space<vmem>>) dst(%dma_wait3A_108 : memref<10240x128xf32, #tpu.memory_space<vmem_shared>>)
      tpu.yield
    }) : () -> ()
    %barrier3A_91 = arith.constant 0 : index
    tpu.barrier barrier_id(%barrier3A_91)
    %mul3A_92 = arith.constant 640 : i32
    %mul3A_93 = arith.muli %arg1, %mul3A_92 : i32
    %mul3A_94 = arith.constant 640 : i32
    %mul3A_95 = arith.muli %arg1, %mul3A_94 : i32
    "tpu.region"() ({
      %run_scoped3A_96 = tpu.sem_alloc : memref<!tpu.dma_semaphore, #tpu.memory_space<semaphore_mem>>
      %dma_start3A_97 = arith.constant 0 : i32
      %dma_start3A_98 = tpu.memref_slice %arg5[%arg0, %mul3A_95, %dma_start3A_97] : memref<2x10240x128xf32, #tpu.memory_space<hbm>> -> memref<1x640x128xf32, #tpu.memory_space<hbm>>
      %dma_start3A_99 = tpu.memref_squeeze %dma_start3A_98 : memref<1x640x128xf32, #tpu.memory_space<hbm>> -> memref<640x128xf32, #tpu.memory_space<hbm>>
      %dma_start3A_100 = arith.constant 0 : i32
      %dma_start3A_101 = tpu.memref_slice %arg10[%mul3A_93, %dma_start3A_100] : memref<10240x128xf32, #tpu.memory_space<vmem_shared>> -> memref<640x128xf32, #tpu.memory_space<vmem_shared>>
      tpu.enqueue_dma source(%dma_start3A_101 : memref<640x128xf32, #tpu.memory_space<vmem_shared>>) target(%dma_start3A_99 : memref<640x128xf32, #tpu.memory_space<hbm>>) target_semaphore(%run_scoped3A_96 : memref<!tpu.dma_semaphore, #tpu.memory_space<semaphore_mem>>)
      %dma_wait3A_102 = arith.constant 0 : i32
      %dma_wait3A_103 = tpu.memref_slice %arg5[%arg0, %mul3A_95, %dma_wait3A_102] : memref<2x10240x128xf32, #tpu.memory_space<hbm>> -> memref<1x640x128xf32, #tpu.memory_space<hbm>>
      %dma_wait3A_104 = tpu.memref_squeeze %dma_wait3A_103 : memref<1x640x128xf32, #tpu.memory_space<hbm>> -> memref<640x128xf32, #tpu.memory_space<hbm>>
      %dma_wait3A_105 = arith.constant 0 : i32
      %dma_wait3A_106 = tpu.memref_slice %arg10[%mul3A_93, %dma_wait3A_105] : memref<10240x128xf32, #tpu.memory_space<vmem_shared>> -> memref<640x128xf32, #tpu.memory_space<vmem_shared>>
      tpu.wait_dma2 semaphore(%run_scoped3A_96 : memref<!tpu.dma_semaphore, #tpu.memory_space<semaphore_mem>>) src(%dma_wait3A_106 : memref<640x128xf32, #tpu.memory_space<vmem_shared>>) dst(%dma_wait3A_104 : memref<640x128xf32, #tpu.memory_space<hbm>>)
      tpu.yield
    }) : () -> ()
    return
  }
}

#map = affine_map<(d0, d1) -> (0, 0)>
#map1 = affine_map<(d0, d1) -> (0, 0, 0, 0)>
#map2 = affine_map<(d0, d1) -> (0, 0, 0)>
module attributes {stable_mosaic.version = 14 : i64} {
  func.func @_scat_body(%arg0: i32, %arg1: i32, %arg2: memref<10240x128xf32, #tpu.memory_space<hbm>>, %arg3: memref<32x2x50x100xi32, #tpu.memory_space<hbm>>, %arg4: memref<32x2x50x100xi32, #tpu.memory_space<hbm>>, %arg5: memref<2x10240x128xf32, #tpu.memory_space<hbm>>, %arg6: memref<50x100xi32, #tpu.memory_space<vmem>>, %arg7: memref<50x100xi32, #tpu.memory_space<vmem>>, %arg8: memref<100x128xf32, #tpu.memory_space<vmem>>, %arg9: memref<100x128xf32, #tpu.memory_space<vmem>>, %arg10: memref<10240x128xf32, #tpu.memory_space<vmem_shared>>, %arg11: memref<!tpu.dma_semaphore, #tpu.memory_space<semaphore_mem>>, %arg12: memref<!tpu.dma_semaphore, #tpu.memory_space<semaphore_mem>>, %arg13: memref<!tpu.dma_semaphore, #tpu.memory_space<semaphore_mem>>) attributes {dimension_semantics = [#tpu.dimension_semantics<core_parallel>, #tpu.dimension_semantics<subcore_parallel>], iteration_bounds = array<i64: 2, 16>, scalar_prefetch = 0 : i64, scratch_operands = 8 : i64, tpu.core_type = #tpu.core_type<sc_vector_subcore>, window_params = [{transform_indices = #map}, {transform_indices = #map1}, {transform_indices = #map1}, {transform_indices = #map2}]} {
    %mul3A = arith.constant 16 : i32
    %mul3A_0 = arith.muli %arg0, %mul3A : i32
    %add3A = arith.addi %mul3A_0, %arg1 : i32
    %mul3A_1 = arith.constant 640 : i32
    %mul3A_2 = arith.muli %arg1, %mul3A_1 : i32
    %mul3A_3 = arith.constant 640 : i32
    %mul3A_4 = arith.muli %arg1, %mul3A_3 : i32
    %dma_start3A = arith.constant 0 : i32
    %dma_start3A_5 = tpu.memref_slice %arg10[%mul3A_4, %dma_start3A] : memref<10240x128xf32, #tpu.memory_space<vmem_shared>> -> memref<640x128xf32, #tpu.memory_space<vmem_shared>>
    %dma_start3A_6 = arith.constant 0 : i32
    %dma_start3A_7 = tpu.memref_slice %arg2[%mul3A_2, %dma_start3A_6] : memref<10240x128xf32, #tpu.memory_space<hbm>> -> memref<640x128xf32, #tpu.memory_space<hbm>>
    tpu.enqueue_dma source(%dma_start3A_7 : memref<640x128xf32, #tpu.memory_space<hbm>>) target(%dma_start3A_5 : memref<640x128xf32, #tpu.memory_space<vmem_shared>>) target_semaphore(%arg13 : memref<!tpu.dma_semaphore, #tpu.memory_space<semaphore_mem>>)
    %run_scoped3A = arith.constant 0 : i32
    "tpu.region"() ({
      %run_scoped3A_96 = tpu.sem_alloc : memref<!tpu.dma_semaphore, #tpu.memory_space<semaphore_mem>>
      %dma_start3A_97 = arith.constant 0 : i32
      %dma_start3A_98 = arith.constant 0 : i32
      %dma_start3A_99 = tpu.memref_slice %arg3[%add3A, %run_scoped3A, %dma_start3A_97, %dma_start3A_98] : memref<32x2x50x100xi32, #tpu.memory_space<hbm>> -> memref<1x1x50x100xi32, #tpu.memory_space<hbm>>
      %dma_start3A_100 = tpu.memref_squeeze %dma_start3A_99 : memref<1x1x50x100xi32, #tpu.memory_space<hbm>> -> memref<50x100xi32, #tpu.memory_space<hbm>>
      %dma_start3A_101 = arith.constant 0 : i32
      %dma_start3A_102 = arith.constant 0 : i32
      %dma_start3A_103 = tpu.memref_slice %arg3[%add3A, %run_scoped3A, %dma_start3A_101, %dma_start3A_102] : memref<32x2x50x100xi32, #tpu.memory_space<hbm>> -> memref<1x1x50x100xi32, #tpu.memory_space<hbm>>
      %dma_start3A_104 = tpu.memref_squeeze %dma_start3A_103 : memref<1x1x50x100xi32, #tpu.memory_space<hbm>> -> memref<50x100xi32, #tpu.memory_space<hbm>>
      tpu.enqueue_dma source(%dma_start3A_104 : memref<50x100xi32, #tpu.memory_space<hbm>>) target(%arg6 : memref<50x100xi32, #tpu.memory_space<vmem>>) target_semaphore(%run_scoped3A_96 : memref<!tpu.dma_semaphore, #tpu.memory_space<semaphore_mem>>)
      %dma_wait3A_105 = arith.constant 0 : i32
      %dma_wait3A_106 = arith.constant 0 : i32
      %dma_wait3A_107 = tpu.memref_slice %arg3[%add3A, %run_scoped3A, %dma_wait3A_105, %dma_wait3A_106] : memref<32x2x50x100xi32, #tpu.memory_space<hbm>> -> memref<1x1x50x100xi32, #tpu.memory_space<hbm>>
      %dma_wait3A_108 = tpu.memref_squeeze %dma_wait3A_107 : memref<1x1x50x100xi32, #tpu.memory_space<hbm>> -> memref<50x100xi32, #tpu.memory_space<hbm>>
      %dma_wait3A_109 = arith.constant 0 : i32
      %dma_wait3A_110 = arith.constant 0 : i32
      %dma_wait3A_111 = tpu.memref_slice %arg3[%add3A, %run_scoped3A, %dma_wait3A_109, %dma_wait3A_110] : memref<32x2x50x100xi32, #tpu.memory_space<hbm>> -> memref<1x1x50x100xi32, #tpu.memory_space<hbm>>
      %dma_wait3A_112 = tpu.memref_squeeze %dma_wait3A_111 : memref<1x1x50x100xi32, #tpu.memory_space<hbm>> -> memref<50x100xi32, #tpu.memory_space<hbm>>
      tpu.wait_dma2 semaphore(%run_scoped3A_96 : memref<!tpu.dma_semaphore, #tpu.memory_space<semaphore_mem>>) src(%dma_wait3A_112 : memref<50x100xi32, #tpu.memory_space<hbm>>) dst(%arg6 : memref<50x100xi32, #tpu.memory_space<vmem>>)
      tpu.yield
    }) : () -> ()
    %run_scoped3A_8 = arith.constant 0 : i32
    "tpu.region"() ({
      %run_scoped3A_96 = tpu.sem_alloc : memref<!tpu.dma_semaphore, #tpu.memory_space<semaphore_mem>>
      %dma_start3A_97 = arith.constant 0 : i32
      %dma_start3A_98 = arith.constant 0 : i32
      %dma_start3A_99 = tpu.memref_slice %arg4[%add3A, %run_scoped3A_8, %dma_start3A_97, %dma_start3A_98] : memref<32x2x50x100xi32, #tpu.memory_space<hbm>> -> memref<1x1x50x100xi32, #tpu.memory_space<hbm>>
      %dma_start3A_100 = tpu.memref_squeeze %dma_start3A_99 : memref<1x1x50x100xi32, #tpu.memory_space<hbm>> -> memref<50x100xi32, #tpu.memory_space<hbm>>
      %dma_start3A_101 = arith.constant 0 : i32
      %dma_start3A_102 = arith.constant 0 : i32
      %dma_start3A_103 = tpu.memref_slice %arg4[%add3A, %run_scoped3A_8, %dma_start3A_101, %dma_start3A_102] : memref<32x2x50x100xi32, #tpu.memory_space<hbm>> -> memref<1x1x50x100xi32, #tpu.memory_space<hbm>>
      %dma_start3A_104 = tpu.memref_squeeze %dma_start3A_103 : memref<1x1x50x100xi32, #tpu.memory_space<hbm>> -> memref<50x100xi32, #tpu.memory_space<hbm>>
      tpu.enqueue_dma source(%dma_start3A_104 : memref<50x100xi32, #tpu.memory_space<hbm>>) target(%arg7 : memref<50x100xi32, #tpu.memory_space<vmem>>) target_semaphore(%run_scoped3A_96 : memref<!tpu.dma_semaphore, #tpu.memory_space<semaphore_mem>>)
      %dma_wait3A_105 = arith.constant 0 : i32
      %dma_wait3A_106 = arith.constant 0 : i32
      %dma_wait3A_107 = tpu.memref_slice %arg4[%add3A, %run_scoped3A_8, %dma_wait3A_105, %dma_wait3A_106] : memref<32x2x50x100xi32, #tpu.memory_space<hbm>> -> memref<1x1x50x100xi32, #tpu.memory_space<hbm>>
      %dma_wait3A_108 = tpu.memref_squeeze %dma_wait3A_107 : memref<1x1x50x100xi32, #tpu.memory_space<hbm>> -> memref<50x100xi32, #tpu.memory_space<hbm>>
      %dma_wait3A_109 = arith.constant 0 : i32
      %dma_wait3A_110 = arith.constant 0 : i32
      %dma_wait3A_111 = tpu.memref_slice %arg4[%add3A, %run_scoped3A_8, %dma_wait3A_109, %dma_wait3A_110] : memref<32x2x50x100xi32, #tpu.memory_space<hbm>> -> memref<1x1x50x100xi32, #tpu.memory_space<hbm>>
      %dma_wait3A_112 = tpu.memref_squeeze %dma_wait3A_111 : memref<1x1x50x100xi32, #tpu.memory_space<hbm>> -> memref<50x100xi32, #tpu.memory_space<hbm>>
      tpu.wait_dma2 semaphore(%run_scoped3A_96 : memref<!tpu.dma_semaphore, #tpu.memory_space<semaphore_mem>>) src(%dma_wait3A_112 : memref<50x100xi32, #tpu.memory_space<hbm>>) dst(%arg7 : memref<50x100xi32, #tpu.memory_space<vmem>>)
      tpu.yield
    }) : () -> ()
    %dma_start3A_9 = arith.constant 0 : i32
    %dma_start3A_10 = arith.constant 0 : i32
    %dma_start3A_11 = tpu.memref_slice %arg6[%dma_start3A_9, %dma_start3A_10] : memref<50x100xi32, #tpu.memory_space<vmem>> -> memref<1x100xi32, #tpu.memory_space<vmem>>
    %dma_start3A_12 = tpu.memref_squeeze %dma_start3A_11 : memref<1x100xi32, #tpu.memory_space<vmem>> -> memref<100xi32, #tpu.memory_space<vmem>>
    %dma_start3A_13 = arith.constant 0 : i32
    %dma_start3A_14 = arith.constant 0 : i32
    %dma_start3A_15 = tpu.memref_slice %arg2[%dma_start3A_13, %dma_start3A_14] : memref<10240x128xf32, #tpu.memory_space<hbm>> -> memref<10240x128xf32, #tpu.memory_space<hbm>>
    tpu.enqueue_indirect_dma source(%dma_start3A_15 : memref<10240x128xf32, #tpu.memory_space<hbm>>) target(%arg8 : memref<100x128xf32, #tpu.memory_space<vmem>>) offsets(%dma_start3A_12 : memref<100xi32, #tpu.memory_space<vmem>>) semaphore(%arg11 : memref<!tpu.dma_semaphore, #tpu.memory_space<semaphore_mem>>)
    %mul3A_16 = arith.constant 640 : i32
    %mul3A_17 = arith.muli %arg1, %mul3A_16 : i32
    %mul3A_18 = arith.constant 640 : i32
    %mul3A_19 = arith.muli %arg1, %mul3A_18 : i32
    %dma_wait3A = arith.constant 0 : i32
    %dma_wait3A_20 = tpu.memref_slice %arg10[%mul3A_19, %dma_wait3A] : memref<10240x128xf32, #tpu.memory_space<vmem_shared>> -> memref<640x128xf32, #tpu.memory_space<vmem_shared>>
    %dma_wait3A_21 = arith.constant 0 : i32
    %dma_wait3A_22 = tpu.memref_slice %arg2[%mul3A_17, %dma_wait3A_21] : memref<10240x128xf32, #tpu.memory_space<hbm>> -> memref<640x128xf32, #tpu.memory_space<hbm>>
    tpu.wait_dma2 semaphore(%arg13 : memref<!tpu.dma_semaphore, #tpu.memory_space<semaphore_mem>>) src(%dma_wait3A_22 : memref<640x128xf32, #tpu.memory_space<hbm>>) dst(%dma_wait3A_20 : memref<640x128xf32, #tpu.memory_space<vmem_shared>>)
    %barrier3A = arith.constant 0 : index
    tpu.barrier barrier_id(%barrier3A)
    %scan3A = arith.constant 0 : i32
    %scan3A_23 = arith.constant 0 : i32
    %scan3A_24 = arith.constant 24 : i32
    %scan3A_25 = arith.addi %scan3A_23, %scan3A_24 : i32
    %scan3A_26 = arith.constant 1 : i32
    %scan3A_27 = scf.for %scan3A_96 = %scan3A_23 to %scan3A_25 step %scan3A_26 iter_args(%scan3A_97 = %scan3A) -> (i32)  : i32 {
      %mul3A_98 = arith.constant 2 : i32
      %mul3A_99 = arith.muli %mul3A_98, %scan3A_96 : i32
      %dma_wait3A_100 = arith.constant 0 : i32
      %dma_wait3A_101 = tpu.memref_slice %arg6[%mul3A_99, %dma_wait3A_100] : memref<50x100xi32, #tpu.memory_space<vmem>> -> memref<1x100xi32, #tpu.memory_space<vmem>>
      %dma_wait3A_102 = tpu.memref_squeeze %dma_wait3A_101 : memref<1x100xi32, #tpu.memory_space<vmem>> -> memref<100xi32, #tpu.memory_space<vmem>>
      %dma_wait3A_103 = arith.constant 0 : i32
      %dma_wait3A_104 = arith.constant 0 : i32
      %dma_wait3A_105 = tpu.memref_slice %arg2[%dma_wait3A_103, %dma_wait3A_104] : memref<10240x128xf32, #tpu.memory_space<hbm>> -> memref<10240x128xf32, #tpu.memory_space<hbm>>
      tpu.wait_indirect_dma semaphore(%arg11 : memref<!tpu.dma_semaphore, #tpu.memory_space<semaphore_mem>>) src(%dma_wait3A_105 : memref<10240x128xf32, #tpu.memory_space<hbm>>) dst(%arg8 : memref<100x128xf32, #tpu.memory_space<vmem>>)
      %add3A_106 = arith.constant 1 : i32
      %add3A_107 = arith.addi %mul3A_99, %add3A_106 : i32
      %dma_start3A_108 = arith.constant 0 : i32
      %dma_start3A_109 = tpu.memref_slice %arg6[%add3A_107, %dma_start3A_108] : memref<50x100xi32, #tpu.memory_space<vmem>> -> memref<1x100xi32, #tpu.memory_space<vmem>>
      %dma_start3A_110 = tpu.memref_squeeze %dma_start3A_109 : memref<1x100xi32, #tpu.memory_space<vmem>> -> memref<100xi32, #tpu.memory_space<vmem>>
      %dma_start3A_111 = arith.constant 0 : i32
      %dma_start3A_112 = arith.constant 0 : i32
      %dma_start3A_113 = tpu.memref_slice %arg2[%dma_start3A_111, %dma_start3A_112] : memref<10240x128xf32, #tpu.memory_space<hbm>> -> memref<10240x128xf32, #tpu.memory_space<hbm>>
      tpu.enqueue_indirect_dma source(%dma_start3A_113 : memref<10240x128xf32, #tpu.memory_space<hbm>>) target(%arg9 : memref<100x128xf32, #tpu.memory_space<vmem>>) offsets(%dma_start3A_110 : memref<100xi32, #tpu.memory_space<vmem>>) semaphore(%arg12 : memref<!tpu.dma_semaphore, #tpu.memory_space<semaphore_mem>>)
      "tpu.region"() ({
        %run_scoped3A_133 = tpu.sem_alloc : memref<!tpu.dma_semaphore, #tpu.memory_space<semaphore_mem>>
        %dma_start3A_134 = arith.constant 0 : i32
        %dma_start3A_135 = tpu.memref_slice %arg7[%mul3A_99, %dma_start3A_134] : memref<50x100xi32, #tpu.memory_space<vmem>> -> memref<1x100xi32, #tpu.memory_space<vmem>>
        %dma_start3A_136 = tpu.memref_squeeze %dma_start3A_135 : memref<1x100xi32, #tpu.memory_space<vmem>> -> memref<100xi32, #tpu.memory_space<vmem>>
        %dma_start3A_137 = arith.constant 0 : i32
        %dma_start3A_138 = arith.constant 0 : i32
        %dma_start3A_139 = tpu.memref_slice %arg10[%dma_start3A_137, %dma_start3A_138] : memref<10240x128xf32, #tpu.memory_space<vmem_shared>> -> memref<10240x128xf32, #tpu.memory_space<vmem_shared>>
        tpu.enqueue_indirect_dma source(%arg8 : memref<100x128xf32, #tpu.memory_space<vmem>>) target(%dma_start3A_139 : memref<10240x128xf32, #tpu.memory_space<vmem_shared>>) offsets(%dma_start3A_136 : memref<100xi32, #tpu.memory_space<vmem>>) semaphore(%run_scoped3A_133 : memref<!tpu.dma_semaphore, #tpu.memory_space<semaphore_mem>>) {add = true}
        %dma_wait3A_140 = arith.constant 0 : i32
        %dma_wait3A_141 = tpu.memref_slice %arg7[%mul3A_99, %dma_wait3A_140] : memref<50x100xi32, #tpu.memory_space<vmem>> -> memref<1x100xi32, #tpu.memory_space<vmem>>
        %dma_wait3A_142 = tpu.memref_squeeze %dma_wait3A_141 : memref<1x100xi32, #tpu.memory_space<vmem>> -> memref<100xi32, #tpu.memory_space<vmem>>
        %dma_wait3A_143 = arith.constant 0 : i32
        %dma_wait3A_144 = arith.constant 0 : i32
        %dma_wait3A_145 = tpu.memref_slice %arg10[%dma_wait3A_143, %dma_wait3A_144] : memref<10240x128xf32, #tpu.memory_space<vmem_shared>> -> memref<10240x128xf32, #tpu.memory_space<vmem_shared>>
        tpu.wait_indirect_dma semaphore(%run_scoped3A_133 : memref<!tpu.dma_semaphore, #tpu.memory_space<semaphore_mem>>) src(%arg8 : memref<100x128xf32, #tpu.memory_space<vmem>>) dst(%dma_wait3A_145 : memref<10240x128xf32, #tpu.memory_space<vmem_shared>>)
        tpu.yield
      }) : () -> ()
      %add3A_114 = arith.constant 2 : i32
      %add3A_115 = arith.addi %mul3A_99, %add3A_114 : i32
      %dma_start3A_116 = arith.constant 0 : i32
      %dma_start3A_117 = tpu.memref_slice %arg6[%add3A_115, %dma_start3A_116] : memref<50x100xi32, #tpu.memory_space<vmem>> -> memref<1x100xi32, #tpu.memory_space<vmem>>
      %dma_start3A_118 = tpu.memref_squeeze %dma_start3A_117 : memref<1x100xi32, #tpu.memory_space<vmem>> -> memref<100xi32, #tpu.memory_space<vmem>>
      %dma_start3A_119 = arith.constant 0 : i32
      %dma_start3A_120 = arith.constant 0 : i32
      %dma_start3A_121 = tpu.memref_slice %arg2[%dma_start3A_119, %dma_start3A_120] : memref<10240x128xf32, #tpu.memory_space<hbm>> -> memref<10240x128xf32, #tpu.memory_space<hbm>>
      tpu.enqueue_indirect_dma source(%dma_start3A_121 : memref<10240x128xf32, #tpu.memory_space<hbm>>) target(%arg8 : memref<100x128xf32, #tpu.memory_space<vmem>>) offsets(%dma_start3A_118 : memref<100xi32, #tpu.memory_space<vmem>>) semaphore(%arg11 : memref<!tpu.dma_semaphore, #tpu.memory_space<semaphore_mem>>)
      %add3A_122 = arith.constant 1 : i32
      %add3A_123 = arith.addi %mul3A_99, %add3A_122 : i32
      %dma_wait3A_124 = arith.constant 0 : i32
      %dma_wait3A_125 = tpu.memref_slice %arg6[%add3A_123, %dma_wait3A_124] : memref<50x100xi32, #tpu.memory_space<vmem>> -> memref<1x100xi32, #tpu.memory_space<vmem>>
      %dma_wait3A_126 = tpu.memref_squeeze %dma_wait3A_125 : memref<1x100xi32, #tpu.memory_space<vmem>> -> memref<100xi32, #tpu.memory_space<vmem>>
      %dma_wait3A_127 = arith.constant 0 : i32
      %dma_wait3A_128 = arith.constant 0 : i32
      %dma_wait3A_129 = tpu.memref_slice %arg2[%dma_wait3A_127, %dma_wait3A_128] : memref<10240x128xf32, #tpu.memory_space<hbm>> -> memref<10240x128xf32, #tpu.memory_space<hbm>>
      tpu.wait_indirect_dma semaphore(%arg12 : memref<!tpu.dma_semaphore, #tpu.memory_space<semaphore_mem>>) src(%dma_wait3A_129 : memref<10240x128xf32, #tpu.memory_space<hbm>>) dst(%arg9 : memref<100x128xf32, #tpu.memory_space<vmem>>)
      %add3A_130 = arith.constant 1 : i32
      %add3A_131 = arith.addi %mul3A_99, %add3A_130 : i32
      "tpu.region"() ({
        %run_scoped3A_133 = tpu.sem_alloc : memref<!tpu.dma_semaphore, #tpu.memory_space<semaphore_mem>>
        %dma_start3A_134 = arith.constant 0 : i32
        %dma_start3A_135 = tpu.memref_slice %arg7[%add3A_131, %dma_start3A_134] : memref<50x100xi32, #tpu.memory_space<vmem>> -> memref<1x100xi32, #tpu.memory_space<vmem>>
        %dma_start3A_136 = tpu.memref_squeeze %dma_start3A_135 : memref<1x100xi32, #tpu.memory_space<vmem>> -> memref<100xi32, #tpu.memory_space<vmem>>
        %dma_start3A_137 = arith.constant 0 : i32
        %dma_start3A_138 = arith.constant 0 : i32
        %dma_start3A_139 = tpu.memref_slice %arg10[%dma_start3A_137, %dma_start3A_138] : memref<10240x128xf32, #tpu.memory_space<vmem_shared>> -> memref<10240x128xf32, #tpu.memory_space<vmem_shared>>
        tpu.enqueue_indirect_dma source(%arg9 : memref<100x128xf32, #tpu.memory_space<vmem>>) target(%dma_start3A_139 : memref<10240x128xf32, #tpu.memory_space<vmem_shared>>) offsets(%dma_start3A_136 : memref<100xi32, #tpu.memory_space<vmem>>) semaphore(%run_scoped3A_133 : memref<!tpu.dma_semaphore, #tpu.memory_space<semaphore_mem>>) {add = true}
        %dma_wait3A_140 = arith.constant 0 : i32
        %dma_wait3A_141 = tpu.memref_slice %arg7[%add3A_131, %dma_wait3A_140] : memref<50x100xi32, #tpu.memory_space<vmem>> -> memref<1x100xi32, #tpu.memory_space<vmem>>
        %dma_wait3A_142 = tpu.memref_squeeze %dma_wait3A_141 : memref<1x100xi32, #tpu.memory_space<vmem>> -> memref<100xi32, #tpu.memory_space<vmem>>
        %dma_wait3A_143 = arith.constant 0 : i32
        %dma_wait3A_144 = arith.constant 0 : i32
        %dma_wait3A_145 = tpu.memref_slice %arg10[%dma_wait3A_143, %dma_wait3A_144] : memref<10240x128xf32, #tpu.memory_space<vmem_shared>> -> memref<10240x128xf32, #tpu.memory_space<vmem_shared>>
        tpu.wait_indirect_dma semaphore(%run_scoped3A_133 : memref<!tpu.dma_semaphore, #tpu.memory_space<semaphore_mem>>) src(%arg9 : memref<100x128xf32, #tpu.memory_space<vmem>>) dst(%dma_wait3A_145 : memref<10240x128xf32, #tpu.memory_space<vmem_shared>>)
        tpu.yield
      }) : () -> ()
      %scan3A_132 = arith.constant 0 : i32
      scf.yield %scan3A_132 : i32
    }
    %scan3A_28 = arith.constant 24 : i32
    %dma_wait3A_29 = arith.constant 48 : i32
    %dma_wait3A_30 = arith.constant 0 : i32
    %dma_wait3A_31 = tpu.memref_slice %arg6[%dma_wait3A_29, %dma_wait3A_30] : memref<50x100xi32, #tpu.memory_space<vmem>> -> memref<1x100xi32, #tpu.memory_space<vmem>>
    %dma_wait3A_32 = tpu.memref_squeeze %dma_wait3A_31 : memref<1x100xi32, #tpu.memory_space<vmem>> -> memref<100xi32, #tpu.memory_space<vmem>>
    %dma_wait3A_33 = arith.constant 0 : i32
    %dma_wait3A_34 = arith.constant 0 : i32
    %dma_wait3A_35 = tpu.memref_slice %arg2[%dma_wait3A_33, %dma_wait3A_34] : memref<10240x128xf32, #tpu.memory_space<hbm>> -> memref<10240x128xf32, #tpu.memory_space<hbm>>
    tpu.wait_indirect_dma semaphore(%arg11 : memref<!tpu.dma_semaphore, #tpu.memory_space<semaphore_mem>>) src(%dma_wait3A_35 : memref<10240x128xf32, #tpu.memory_space<hbm>>) dst(%arg8 : memref<100x128xf32, #tpu.memory_space<vmem>>)
    %dma_start3A_36 = arith.constant 49 : i32
    %dma_start3A_37 = arith.constant 0 : i32
    %dma_start3A_38 = tpu.memref_slice %arg6[%dma_start3A_36, %dma_start3A_37] : memref<50x100xi32, #tpu.memory_space<vmem>> -> memref<1x100xi32, #tpu.memory_space<vmem>>
    %dma_start3A_39 = tpu.memref_squeeze %dma_start3A_38 : memref<1x100xi32, #tpu.memory_space<vmem>> -> memref<100xi32, #tpu.memory_space<vmem>>
    %dma_start3A_40 = arith.constant 0 : i32
    %dma_start3A_41 = arith.constant 0 : i32
    %dma_start3A_42 = tpu.memref_slice %arg2[%dma_start3A_40, %dma_start3A_41] : memref<10240x128xf32, #tpu.memory_space<hbm>> -> memref<10240x128xf32, #tpu.memory_space<hbm>>
    tpu.enqueue_indirect_dma source(%dma_start3A_42 : memref<10240x128xf32, #tpu.memory_space<hbm>>) target(%arg9 : memref<100x128xf32, #tpu.memory_space<vmem>>) offsets(%dma_start3A_39 : memref<100xi32, #tpu.memory_space<vmem>>) semaphore(%arg12 : memref<!tpu.dma_semaphore, #tpu.memory_space<semaphore_mem>>)
    %run_scoped3A_43 = arith.constant 48 : i32
    "tpu.region"() ({
      %run_scoped3A_96 = tpu.sem_alloc : memref<!tpu.dma_semaphore, #tpu.memory_space<semaphore_mem>>
      %dma_start3A_97 = arith.constant 0 : i32
      %dma_start3A_98 = tpu.memref_slice %arg7[%run_scoped3A_43, %dma_start3A_97] : memref<50x100xi32, #tpu.memory_space<vmem>> -> memref<1x100xi32, #tpu.memory_space<vmem>>
      %dma_start3A_99 = tpu.memref_squeeze %dma_start3A_98 : memref<1x100xi32, #tpu.memory_space<vmem>> -> memref<100xi32, #tpu.memory_space<vmem>>
      %dma_start3A_100 = arith.constant 0 : i32
      %dma_start3A_101 = arith.constant 0 : i32
      %dma_start3A_102 = tpu.memref_slice %arg10[%dma_start3A_100, %dma_start3A_101] : memref<10240x128xf32, #tpu.memory_space<vmem_shared>> -> memref<10240x128xf32, #tpu.memory_space<vmem_shared>>
      tpu.enqueue_indirect_dma source(%arg8 : memref<100x128xf32, #tpu.memory_space<vmem>>) target(%dma_start3A_102 : memref<10240x128xf32, #tpu.memory_space<vmem_shared>>) offsets(%dma_start3A_99 : memref<100xi32, #tpu.memory_space<vmem>>) semaphore(%run_scoped3A_96 : memref<!tpu.dma_semaphore, #tpu.memory_space<semaphore_mem>>) {add = true}
      %dma_wait3A_103 = arith.constant 0 : i32
      %dma_wait3A_104 = tpu.memref_slice %arg7[%run_scoped3A_43, %dma_wait3A_103] : memref<50x100xi32, #tpu.memory_space<vmem>> -> memref<1x100xi32, #tpu.memory_space<vmem>>
      %dma_wait3A_105 = tpu.memref_squeeze %dma_wait3A_104 : memref<1x100xi32, #tpu.memory_space<vmem>> -> memref<100xi32, #tpu.memory_space<vmem>>
      %dma_wait3A_106 = arith.constant 0 : i32
      %dma_wait3A_107 = arith.constant 0 : i32
      %dma_wait3A_108 = tpu.memref_slice %arg10[%dma_wait3A_106, %dma_wait3A_107] : memref<10240x128xf32, #tpu.memory_space<vmem_shared>> -> memref<10240x128xf32, #tpu.memory_space<vmem_shared>>
      tpu.wait_indirect_dma semaphore(%run_scoped3A_96 : memref<!tpu.dma_semaphore, #tpu.memory_space<semaphore_mem>>) src(%arg8 : memref<100x128xf32, #tpu.memory_space<vmem>>) dst(%dma_wait3A_108 : memref<10240x128xf32, #tpu.memory_space<vmem_shared>>)
      tpu.yield
    }) : () -> ()
    %dma_wait3A_44 = arith.constant 49 : i32
    %dma_wait3A_45 = arith.constant 0 : i32
    %dma_wait3A_46 = tpu.memref_slice %arg6[%dma_wait3A_44, %dma_wait3A_45] : memref<50x100xi32, #tpu.memory_space<vmem>> -> memref<1x100xi32, #tpu.memory_space<vmem>>
    %dma_wait3A_47 = tpu.memref_squeeze %dma_wait3A_46 : memref<1x100xi32, #tpu.memory_space<vmem>> -> memref<100xi32, #tpu.memory_space<vmem>>
    %dma_wait3A_48 = arith.constant 0 : i32
    %dma_wait3A_49 = arith.constant 0 : i32
    %dma_wait3A_50 = tpu.memref_slice %arg2[%dma_wait3A_48, %dma_wait3A_49] : memref<10240x128xf32, #tpu.memory_space<hbm>> -> memref<10240x128xf32, #tpu.memory_space<hbm>>
    tpu.wait_indirect_dma semaphore(%arg12 : memref<!tpu.dma_semaphore, #tpu.memory_space<semaphore_mem>>) src(%dma_wait3A_50 : memref<10240x128xf32, #tpu.memory_space<hbm>>) dst(%arg9 : memref<100x128xf32, #tpu.memory_space<vmem>>)
    %run_scoped3A_51 = arith.constant 49 : i32
    "tpu.region"() ({
      %run_scoped3A_96 = tpu.sem_alloc : memref<!tpu.dma_semaphore, #tpu.memory_space<semaphore_mem>>
      %dma_start3A_97 = arith.constant 0 : i32
      %dma_start3A_98 = tpu.memref_slice %arg7[%run_scoped3A_51, %dma_start3A_97] : memref<50x100xi32, #tpu.memory_space<vmem>> -> memref<1x100xi32, #tpu.memory_space<vmem>>
      %dma_start3A_99 = tpu.memref_squeeze %dma_start3A_98 : memref<1x100xi32, #tpu.memory_space<vmem>> -> memref<100xi32, #tpu.memory_space<vmem>>
      %dma_start3A_100 = arith.constant 0 : i32
      %dma_start3A_101 = arith.constant 0 : i32
      %dma_start3A_102 = tpu.memref_slice %arg10[%dma_start3A_100, %dma_start3A_101] : memref<10240x128xf32, #tpu.memory_space<vmem_shared>> -> memref<10240x128xf32, #tpu.memory_space<vmem_shared>>
      tpu.enqueue_indirect_dma source(%arg9 : memref<100x128xf32, #tpu.memory_space<vmem>>) target(%dma_start3A_102 : memref<10240x128xf32, #tpu.memory_space<vmem_shared>>) offsets(%dma_start3A_99 : memref<100xi32, #tpu.memory_space<vmem>>) semaphore(%run_scoped3A_96 : memref<!tpu.dma_semaphore, #tpu.memory_space<semaphore_mem>>) {add = true}
      %dma_wait3A_103 = arith.constant 0 : i32
      %dma_wait3A_104 = tpu.memref_slice %arg7[%run_scoped3A_51, %dma_wait3A_103] : memref<50x100xi32, #tpu.memory_space<vmem>> -> memref<1x100xi32, #tpu.memory_space<vmem>>
      %dma_wait3A_105 = tpu.memref_squeeze %dma_wait3A_104 : memref<1x100xi32, #tpu.memory_space<vmem>> -> memref<100xi32, #tpu.memory_space<vmem>>
      %dma_wait3A_106 = arith.constant 0 : i32
      %dma_wait3A_107 = arith.constant 0 : i32
      %dma_wait3A_108 = tpu.memref_slice %arg10[%dma_wait3A_106, %dma_wait3A_107] : memref<10240x128xf32, #tpu.memory_space<vmem_shared>> -> memref<10240x128xf32, #tpu.memory_space<vmem_shared>>
      tpu.wait_indirect_dma semaphore(%run_scoped3A_96 : memref<!tpu.dma_semaphore, #tpu.memory_space<semaphore_mem>>) src(%arg9 : memref<100x128xf32, #tpu.memory_space<vmem>>) dst(%dma_wait3A_108 : memref<10240x128xf32, #tpu.memory_space<vmem_shared>>)
      tpu.yield
    }) : () -> ()
    %run_scoped3A_52 = arith.constant 1 : i32
    "tpu.region"() ({
      %run_scoped3A_96 = tpu.sem_alloc : memref<!tpu.dma_semaphore, #tpu.memory_space<semaphore_mem>>
      %dma_start3A_97 = arith.constant 0 : i32
      %dma_start3A_98 = arith.constant 0 : i32
      %dma_start3A_99 = tpu.memref_slice %arg3[%add3A, %run_scoped3A_52, %dma_start3A_97, %dma_start3A_98] : memref<32x2x50x100xi32, #tpu.memory_space<hbm>> -> memref<1x1x50x100xi32, #tpu.memory_space<hbm>>
      %dma_start3A_100 = tpu.memref_squeeze %dma_start3A_99 : memref<1x1x50x100xi32, #tpu.memory_space<hbm>> -> memref<50x100xi32, #tpu.memory_space<hbm>>
      %dma_start3A_101 = arith.constant 0 : i32
      %dma_start3A_102 = arith.constant 0 : i32
      %dma_start3A_103 = tpu.memref_slice %arg3[%add3A, %run_scoped3A_52, %dma_start3A_101, %dma_start3A_102] : memref<32x2x50x100xi32, #tpu.memory_space<hbm>> -> memref<1x1x50x100xi32, #tpu.memory_space<hbm>>
      %dma_start3A_104 = tpu.memref_squeeze %dma_start3A_103 : memref<1x1x50x100xi32, #tpu.memory_space<hbm>> -> memref<50x100xi32, #tpu.memory_space<hbm>>
      tpu.enqueue_dma source(%dma_start3A_104 : memref<50x100xi32, #tpu.memory_space<hbm>>) target(%arg6 : memref<50x100xi32, #tpu.memory_space<vmem>>) target_semaphore(%run_scoped3A_96 : memref<!tpu.dma_semaphore, #tpu.memory_space<semaphore_mem>>)
      %dma_wait3A_105 = arith.constant 0 : i32
      %dma_wait3A_106 = arith.constant 0 : i32
      %dma_wait3A_107 = tpu.memref_slice %arg3[%add3A, %run_scoped3A_52, %dma_wait3A_105, %dma_wait3A_106] : memref<32x2x50x100xi32, #tpu.memory_space<hbm>> -> memref<1x1x50x100xi32, #tpu.memory_space<hbm>>
      %dma_wait3A_108 = tpu.memref_squeeze %dma_wait3A_107 : memref<1x1x50x100xi32, #tpu.memory_space<hbm>> -> memref<50x100xi32, #tpu.memory_space<hbm>>
      %dma_wait3A_109 = arith.constant 0 : i32
      %dma_wait3A_110 = arith.constant 0 : i32
      %dma_wait3A_111 = tpu.memref_slice %arg3[%add3A, %run_scoped3A_52, %dma_wait3A_109, %dma_wait3A_110] : memref<32x2x50x100xi32, #tpu.memory_space<hbm>> -> memref<1x1x50x100xi32, #tpu.memory_space<hbm>>
      %dma_wait3A_112 = tpu.memref_squeeze %dma_wait3A_111 : memref<1x1x50x100xi32, #tpu.memory_space<hbm>> -> memref<50x100xi32, #tpu.memory_space<hbm>>
      tpu.wait_dma2 semaphore(%run_scoped3A_96 : memref<!tpu.dma_semaphore, #tpu.memory_space<semaphore_mem>>) src(%dma_wait3A_112 : memref<50x100xi32, #tpu.memory_space<hbm>>) dst(%arg6 : memref<50x100xi32, #tpu.memory_space<vmem>>)
      tpu.yield
    }) : () -> ()
    %run_scoped3A_53 = arith.constant 1 : i32
    "tpu.region"() ({
      %run_scoped3A_96 = tpu.sem_alloc : memref<!tpu.dma_semaphore, #tpu.memory_space<semaphore_mem>>
      %dma_start3A_97 = arith.constant 0 : i32
      %dma_start3A_98 = arith.constant 0 : i32
      %dma_start3A_99 = tpu.memref_slice %arg4[%add3A, %run_scoped3A_53, %dma_start3A_97, %dma_start3A_98] : memref<32x2x50x100xi32, #tpu.memory_space<hbm>> -> memref<1x1x50x100xi32, #tpu.memory_space<hbm>>
      %dma_start3A_100 = tpu.memref_squeeze %dma_start3A_99 : memref<1x1x50x100xi32, #tpu.memory_space<hbm>> -> memref<50x100xi32, #tpu.memory_space<hbm>>
      %dma_start3A_101 = arith.constant 0 : i32
      %dma_start3A_102 = arith.constant 0 : i32
      %dma_start3A_103 = tpu.memref_slice %arg4[%add3A, %run_scoped3A_53, %dma_start3A_101, %dma_start3A_102] : memref<32x2x50x100xi32, #tpu.memory_space<hbm>> -> memref<1x1x50x100xi32, #tpu.memory_space<hbm>>
      %dma_start3A_104 = tpu.memref_squeeze %dma_start3A_103 : memref<1x1x50x100xi32, #tpu.memory_space<hbm>> -> memref<50x100xi32, #tpu.memory_space<hbm>>
      tpu.enqueue_dma source(%dma_start3A_104 : memref<50x100xi32, #tpu.memory_space<hbm>>) target(%arg7 : memref<50x100xi32, #tpu.memory_space<vmem>>) target_semaphore(%run_scoped3A_96 : memref<!tpu.dma_semaphore, #tpu.memory_space<semaphore_mem>>)
      %dma_wait3A_105 = arith.constant 0 : i32
      %dma_wait3A_106 = arith.constant 0 : i32
      %dma_wait3A_107 = tpu.memref_slice %arg4[%add3A, %run_scoped3A_53, %dma_wait3A_105, %dma_wait3A_106] : memref<32x2x50x100xi32, #tpu.memory_space<hbm>> -> memref<1x1x50x100xi32, #tpu.memory_space<hbm>>
      %dma_wait3A_108 = tpu.memref_squeeze %dma_wait3A_107 : memref<1x1x50x100xi32, #tpu.memory_space<hbm>> -> memref<50x100xi32, #tpu.memory_space<hbm>>
      %dma_wait3A_109 = arith.constant 0 : i32
      %dma_wait3A_110 = arith.constant 0 : i32
      %dma_wait3A_111 = tpu.memref_slice %arg4[%add3A, %run_scoped3A_53, %dma_wait3A_109, %dma_wait3A_110] : memref<32x2x50x100xi32, #tpu.memory_space<hbm>> -> memref<1x1x50x100xi32, #tpu.memory_space<hbm>>
      %dma_wait3A_112 = tpu.memref_squeeze %dma_wait3A_111 : memref<1x1x50x100xi32, #tpu.memory_space<hbm>> -> memref<50x100xi32, #tpu.memory_space<hbm>>
      tpu.wait_dma2 semaphore(%run_scoped3A_96 : memref<!tpu.dma_semaphore, #tpu.memory_space<semaphore_mem>>) src(%dma_wait3A_112 : memref<50x100xi32, #tpu.memory_space<hbm>>) dst(%arg7 : memref<50x100xi32, #tpu.memory_space<vmem>>)
      tpu.yield
    }) : () -> ()
    %dma_start3A_54 = arith.constant 0 : i32
    %dma_start3A_55 = arith.constant 0 : i32
    %dma_start3A_56 = tpu.memref_slice %arg6[%dma_start3A_54, %dma_start3A_55] : memref<50x100xi32, #tpu.memory_space<vmem>> -> memref<1x100xi32, #tpu.memory_space<vmem>>
    %dma_start3A_57 = tpu.memref_squeeze %dma_start3A_56 : memref<1x100xi32, #tpu.memory_space<vmem>> -> memref<100xi32, #tpu.memory_space<vmem>>
    %dma_start3A_58 = arith.constant 0 : i32
    %dma_start3A_59 = arith.constant 0 : i32
    %dma_start3A_60 = tpu.memref_slice %arg2[%dma_start3A_58, %dma_start3A_59] : memref<10240x128xf32, #tpu.memory_space<hbm>> -> memref<10240x128xf32, #tpu.memory_space<hbm>>
    tpu.enqueue_indirect_dma source(%dma_start3A_60 : memref<10240x128xf32, #tpu.memory_space<hbm>>) target(%arg8 : memref<100x128xf32, #tpu.memory_space<vmem>>) offsets(%dma_start3A_57 : memref<100xi32, #tpu.memory_space<vmem>>) semaphore(%arg11 : memref<!tpu.dma_semaphore, #tpu.memory_space<semaphore_mem>>)
    %scan3A_61 = arith.constant 0 : i32
    %scan3A_62 = arith.constant 0 : i32
    %scan3A_63 = arith.constant 24 : i32
    %scan3A_64 = arith.addi %scan3A_62, %scan3A_63 : i32
    %scan3A_65 = arith.constant 1 : i32
    %scan3A_66 = scf.for %scan3A_96 = %scan3A_62 to %scan3A_64 step %scan3A_65 iter_args(%scan3A_97 = %scan3A_61) -> (i32)  : i32 {
      %mul3A_98 = arith.constant 2 : i32
      %mul3A_99 = arith.muli %mul3A_98, %scan3A_96 : i32
      %dma_wait3A_100 = arith.constant 0 : i32
      %dma_wait3A_101 = tpu.memref_slice %arg6[%mul3A_99, %dma_wait3A_100] : memref<50x100xi32, #tpu.memory_space<vmem>> -> memref<1x100xi32, #tpu.memory_space<vmem>>
      %dma_wait3A_102 = tpu.memref_squeeze %dma_wait3A_101 : memref<1x100xi32, #tpu.memory_space<vmem>> -> memref<100xi32, #tpu.memory_space<vmem>>
      %dma_wait3A_103 = arith.constant 0 : i32
      %dma_wait3A_104 = arith.constant 0 : i32
      %dma_wait3A_105 = tpu.memref_slice %arg2[%dma_wait3A_103, %dma_wait3A_104] : memref<10240x128xf32, #tpu.memory_space<hbm>> -> memref<10240x128xf32, #tpu.memory_space<hbm>>
      tpu.wait_indirect_dma semaphore(%arg11 : memref<!tpu.dma_semaphore, #tpu.memory_space<semaphore_mem>>) src(%dma_wait3A_105 : memref<10240x128xf32, #tpu.memory_space<hbm>>) dst(%arg8 : memref<100x128xf32, #tpu.memory_space<vmem>>)
      %add3A_106 = arith.constant 1 : i32
      %add3A_107 = arith.addi %mul3A_99, %add3A_106 : i32
      %dma_start3A_108 = arith.constant 0 : i32
      %dma_start3A_109 = tpu.memref_slice %arg6[%add3A_107, %dma_start3A_108] : memref<50x100xi32, #tpu.memory_space<vmem>> -> memref<1x100xi32, #tpu.memory_space<vmem>>
      %dma_start3A_110 = tpu.memref_squeeze %dma_start3A_109 : memref<1x100xi32, #tpu.memory_space<vmem>> -> memref<100xi32, #tpu.memory_space<vmem>>
      %dma_start3A_111 = arith.constant 0 : i32
      %dma_start3A_112 = arith.constant 0 : i32
      %dma_start3A_113 = tpu.memref_slice %arg2[%dma_start3A_111, %dma_start3A_112] : memref<10240x128xf32, #tpu.memory_space<hbm>> -> memref<10240x128xf32, #tpu.memory_space<hbm>>
      tpu.enqueue_indirect_dma source(%dma_start3A_113 : memref<10240x128xf32, #tpu.memory_space<hbm>>) target(%arg9 : memref<100x128xf32, #tpu.memory_space<vmem>>) offsets(%dma_start3A_110 : memref<100xi32, #tpu.memory_space<vmem>>) semaphore(%arg12 : memref<!tpu.dma_semaphore, #tpu.memory_space<semaphore_mem>>)
      "tpu.region"() ({
        %run_scoped3A_133 = tpu.sem_alloc : memref<!tpu.dma_semaphore, #tpu.memory_space<semaphore_mem>>
        %dma_start3A_134 = arith.constant 0 : i32
        %dma_start3A_135 = tpu.memref_slice %arg7[%mul3A_99, %dma_start3A_134] : memref<50x100xi32, #tpu.memory_space<vmem>> -> memref<1x100xi32, #tpu.memory_space<vmem>>
        %dma_start3A_136 = tpu.memref_squeeze %dma_start3A_135 : memref<1x100xi32, #tpu.memory_space<vmem>> -> memref<100xi32, #tpu.memory_space<vmem>>
        %dma_start3A_137 = arith.constant 0 : i32
        %dma_start3A_138 = arith.constant 0 : i32
        %dma_start3A_139 = tpu.memref_slice %arg10[%dma_start3A_137, %dma_start3A_138] : memref<10240x128xf32, #tpu.memory_space<vmem_shared>> -> memref<10240x128xf32, #tpu.memory_space<vmem_shared>>
        tpu.enqueue_indirect_dma source(%arg8 : memref<100x128xf32, #tpu.memory_space<vmem>>) target(%dma_start3A_139 : memref<10240x128xf32, #tpu.memory_space<vmem_shared>>) offsets(%dma_start3A_136 : memref<100xi32, #tpu.memory_space<vmem>>) semaphore(%run_scoped3A_133 : memref<!tpu.dma_semaphore, #tpu.memory_space<semaphore_mem>>) {add = true}
        %dma_wait3A_140 = arith.constant 0 : i32
        %dma_wait3A_141 = tpu.memref_slice %arg7[%mul3A_99, %dma_wait3A_140] : memref<50x100xi32, #tpu.memory_space<vmem>> -> memref<1x100xi32, #tpu.memory_space<vmem>>
        %dma_wait3A_142 = tpu.memref_squeeze %dma_wait3A_141 : memref<1x100xi32, #tpu.memory_space<vmem>> -> memref<100xi32, #tpu.memory_space<vmem>>
        %dma_wait3A_143 = arith.constant 0 : i32
        %dma_wait3A_144 = arith.constant 0 : i32
        %dma_wait3A_145 = tpu.memref_slice %arg10[%dma_wait3A_143, %dma_wait3A_144] : memref<10240x128xf32, #tpu.memory_space<vmem_shared>> -> memref<10240x128xf32, #tpu.memory_space<vmem_shared>>
        tpu.wait_indirect_dma semaphore(%run_scoped3A_133 : memref<!tpu.dma_semaphore, #tpu.memory_space<semaphore_mem>>) src(%arg8 : memref<100x128xf32, #tpu.memory_space<vmem>>) dst(%dma_wait3A_145 : memref<10240x128xf32, #tpu.memory_space<vmem_shared>>)
        tpu.yield
      }) : () -> ()
      %add3A_114 = arith.constant 2 : i32
      %add3A_115 = arith.addi %mul3A_99, %add3A_114 : i32
      %dma_start3A_116 = arith.constant 0 : i32
      %dma_start3A_117 = tpu.memref_slice %arg6[%add3A_115, %dma_start3A_116] : memref<50x100xi32, #tpu.memory_space<vmem>> -> memref<1x100xi32, #tpu.memory_space<vmem>>
      %dma_start3A_118 = tpu.memref_squeeze %dma_start3A_117 : memref<1x100xi32, #tpu.memory_space<vmem>> -> memref<100xi32, #tpu.memory_space<vmem>>
      %dma_start3A_119 = arith.constant 0 : i32
      %dma_start3A_120 = arith.constant 0 : i32
      %dma_start3A_121 = tpu.memref_slice %arg2[%dma_start3A_119, %dma_start3A_120] : memref<10240x128xf32, #tpu.memory_space<hbm>> -> memref<10240x128xf32, #tpu.memory_space<hbm>>
      tpu.enqueue_indirect_dma source(%dma_start3A_121 : memref<10240x128xf32, #tpu.memory_space<hbm>>) target(%arg8 : memref<100x128xf32, #tpu.memory_space<vmem>>) offsets(%dma_start3A_118 : memref<100xi32, #tpu.memory_space<vmem>>) semaphore(%arg11 : memref<!tpu.dma_semaphore, #tpu.memory_space<semaphore_mem>>)
      %add3A_122 = arith.constant 1 : i32
      %add3A_123 = arith.addi %mul3A_99, %add3A_122 : i32
      %dma_wait3A_124 = arith.constant 0 : i32
      %dma_wait3A_125 = tpu.memref_slice %arg6[%add3A_123, %dma_wait3A_124] : memref<50x100xi32, #tpu.memory_space<vmem>> -> memref<1x100xi32, #tpu.memory_space<vmem>>
      %dma_wait3A_126 = tpu.memref_squeeze %dma_wait3A_125 : memref<1x100xi32, #tpu.memory_space<vmem>> -> memref<100xi32, #tpu.memory_space<vmem>>
      %dma_wait3A_127 = arith.constant 0 : i32
      %dma_wait3A_128 = arith.constant 0 : i32
      %dma_wait3A_129 = tpu.memref_slice %arg2[%dma_wait3A_127, %dma_wait3A_128] : memref<10240x128xf32, #tpu.memory_space<hbm>> -> memref<10240x128xf32, #tpu.memory_space<hbm>>
      tpu.wait_indirect_dma semaphore(%arg12 : memref<!tpu.dma_semaphore, #tpu.memory_space<semaphore_mem>>) src(%dma_wait3A_129 : memref<10240x128xf32, #tpu.memory_space<hbm>>) dst(%arg9 : memref<100x128xf32, #tpu.memory_space<vmem>>)
      %add3A_130 = arith.constant 1 : i32
      %add3A_131 = arith.addi %mul3A_99, %add3A_130 : i32
      "tpu.region"() ({
        %run_scoped3A_133 = tpu.sem_alloc : memref<!tpu.dma_semaphore, #tpu.memory_space<semaphore_mem>>
        %dma_start3A_134 = arith.constant 0 : i32
        %dma_start3A_135 = tpu.memref_slice %arg7[%add3A_131, %dma_start3A_134] : memref<50x100xi32, #tpu.memory_space<vmem>> -> memref<1x100xi32, #tpu.memory_space<vmem>>
        %dma_start3A_136 = tpu.memref_squeeze %dma_start3A_135 : memref<1x100xi32, #tpu.memory_space<vmem>> -> memref<100xi32, #tpu.memory_space<vmem>>
        %dma_start3A_137 = arith.constant 0 : i32
        %dma_start3A_138 = arith.constant 0 : i32
        %dma_start3A_139 = tpu.memref_slice %arg10[%dma_start3A_137, %dma_start3A_138] : memref<10240x128xf32, #tpu.memory_space<vmem_shared>> -> memref<10240x128xf32, #tpu.memory_space<vmem_shared>>
        tpu.enqueue_indirect_dma source(%arg9 : memref<100x128xf32, #tpu.memory_space<vmem>>) target(%dma_start3A_139 : memref<10240x128xf32, #tpu.memory_space<vmem_shared>>) offsets(%dma_start3A_136 : memref<100xi32, #tpu.memory_space<vmem>>) semaphore(%run_scoped3A_133 : memref<!tpu.dma_semaphore, #tpu.memory_space<semaphore_mem>>) {add = true}
        %dma_wait3A_140 = arith.constant 0 : i32
        %dma_wait3A_141 = tpu.memref_slice %arg7[%add3A_131, %dma_wait3A_140] : memref<50x100xi32, #tpu.memory_space<vmem>> -> memref<1x100xi32, #tpu.memory_space<vmem>>
        %dma_wait3A_142 = tpu.memref_squeeze %dma_wait3A_141 : memref<1x100xi32, #tpu.memory_space<vmem>> -> memref<100xi32, #tpu.memory_space<vmem>>
        %dma_wait3A_143 = arith.constant 0 : i32
        %dma_wait3A_144 = arith.constant 0 : i32
        %dma_wait3A_145 = tpu.memref_slice %arg10[%dma_wait3A_143, %dma_wait3A_144] : memref<10240x128xf32, #tpu.memory_space<vmem_shared>> -> memref<10240x128xf32, #tpu.memory_space<vmem_shared>>
        tpu.wait_indirect_dma semaphore(%run_scoped3A_133 : memref<!tpu.dma_semaphore, #tpu.memory_space<semaphore_mem>>) src(%arg9 : memref<100x128xf32, #tpu.memory_space<vmem>>) dst(%dma_wait3A_145 : memref<10240x128xf32, #tpu.memory_space<vmem_shared>>)
        tpu.yield
      }) : () -> ()
      %scan3A_132 = arith.constant 0 : i32
      scf.yield %scan3A_132 : i32
    }
    %scan3A_67 = arith.constant 24 : i32
    %dma_wait3A_68 = arith.constant 48 : i32
    %dma_wait3A_69 = arith.constant 0 : i32
    %dma_wait3A_70 = tpu.memref_slice %arg6[%dma_wait3A_68, %dma_wait3A_69] : memref<50x100xi32, #tpu.memory_space<vmem>> -> memref<1x100xi32, #tpu.memory_space<vmem>>
    %dma_wait3A_71 = tpu.memref_squeeze %dma_wait3A_70 : memref<1x100xi32, #tpu.memory_space<vmem>> -> memref<100xi32, #tpu.memory_space<vmem>>
    %dma_wait3A_72 = arith.constant 0 : i32
    %dma_wait3A_73 = arith.constant 0 : i32
    %dma_wait3A_74 = tpu.memref_slice %arg2[%dma_wait3A_72, %dma_wait3A_73] : memref<10240x128xf32, #tpu.memory_space<hbm>> -> memref<10240x128xf32, #tpu.memory_space<hbm>>
    tpu.wait_indirect_dma semaphore(%arg11 : memref<!tpu.dma_semaphore, #tpu.memory_space<semaphore_mem>>) src(%dma_wait3A_74 : memref<10240x128xf32, #tpu.memory_space<hbm>>) dst(%arg8 : memref<100x128xf32, #tpu.memory_space<vmem>>)
    %dma_start3A_75 = arith.constant 49 : i32
    %dma_start3A_76 = arith.constant 0 : i32
    %dma_start3A_77 = tpu.memref_slice %arg6[%dma_start3A_75, %dma_start3A_76] : memref<50x100xi32, #tpu.memory_space<vmem>> -> memref<1x100xi32, #tpu.memory_space<vmem>>
    %dma_start3A_78 = tpu.memref_squeeze %dma_start3A_77 : memref<1x100xi32, #tpu.memory_space<vmem>> -> memref<100xi32, #tpu.memory_space<vmem>>
    %dma_start3A_79 = arith.constant 0 : i32
    %dma_start3A_80 = arith.constant 0 : i32
    %dma_start3A_81 = tpu.memref_slice %arg2[%dma_start3A_79, %dma_start3A_80] : memref<10240x128xf32, #tpu.memory_space<hbm>> -> memref<10240x128xf32, #tpu.memory_space<hbm>>
    tpu.enqueue_indirect_dma source(%dma_start3A_81 : memref<10240x128xf32, #tpu.memory_space<hbm>>) target(%arg9 : memref<100x128xf32, #tpu.memory_space<vmem>>) offsets(%dma_start3A_78 : memref<100xi32, #tpu.memory_space<vmem>>) semaphore(%arg12 : memref<!tpu.dma_semaphore, #tpu.memory_space<semaphore_mem>>)
    %run_scoped3A_82 = arith.constant 48 : i32
    "tpu.region"() ({
      %run_scoped3A_96 = tpu.sem_alloc : memref<!tpu.dma_semaphore, #tpu.memory_space<semaphore_mem>>
      %dma_start3A_97 = arith.constant 0 : i32
      %dma_start3A_98 = tpu.memref_slice %arg7[%run_scoped3A_82, %dma_start3A_97] : memref<50x100xi32, #tpu.memory_space<vmem>> -> memref<1x100xi32, #tpu.memory_space<vmem>>
      %dma_start3A_99 = tpu.memref_squeeze %dma_start3A_98 : memref<1x100xi32, #tpu.memory_space<vmem>> -> memref<100xi32, #tpu.memory_space<vmem>>
      %dma_start3A_100 = arith.constant 0 : i32
      %dma_start3A_101 = arith.constant 0 : i32
      %dma_start3A_102 = tpu.memref_slice %arg10[%dma_start3A_100, %dma_start3A_101] : memref<10240x128xf32, #tpu.memory_space<vmem_shared>> -> memref<10240x128xf32, #tpu.memory_space<vmem_shared>>
      tpu.enqueue_indirect_dma source(%arg8 : memref<100x128xf32, #tpu.memory_space<vmem>>) target(%dma_start3A_102 : memref<10240x128xf32, #tpu.memory_space<vmem_shared>>) offsets(%dma_start3A_99 : memref<100xi32, #tpu.memory_space<vmem>>) semaphore(%run_scoped3A_96 : memref<!tpu.dma_semaphore, #tpu.memory_space<semaphore_mem>>) {add = true}
      %dma_wait3A_103 = arith.constant 0 : i32
      %dma_wait3A_104 = tpu.memref_slice %arg7[%run_scoped3A_82, %dma_wait3A_103] : memref<50x100xi32, #tpu.memory_space<vmem>> -> memref<1x100xi32, #tpu.memory_space<vmem>>
      %dma_wait3A_105 = tpu.memref_squeeze %dma_wait3A_104 : memref<1x100xi32, #tpu.memory_space<vmem>> -> memref<100xi32, #tpu.memory_space<vmem>>
      %dma_wait3A_106 = arith.constant 0 : i32
      %dma_wait3A_107 = arith.constant 0 : i32
      %dma_wait3A_108 = tpu.memref_slice %arg10[%dma_wait3A_106, %dma_wait3A_107] : memref<10240x128xf32, #tpu.memory_space<vmem_shared>> -> memref<10240x128xf32, #tpu.memory_space<vmem_shared>>
      tpu.wait_indirect_dma semaphore(%run_scoped3A_96 : memref<!tpu.dma_semaphore, #tpu.memory_space<semaphore_mem>>) src(%arg8 : memref<100x128xf32, #tpu.memory_space<vmem>>) dst(%dma_wait3A_108 : memref<10240x128xf32, #tpu.memory_space<vmem_shared>>)
      tpu.yield
    }) : () -> ()
    %dma_wait3A_83 = arith.constant 49 : i32
    %dma_wait3A_84 = arith.constant 0 : i32
    %dma_wait3A_85 = tpu.memref_slice %arg6[%dma_wait3A_83, %dma_wait3A_84] : memref<50x100xi32, #tpu.memory_space<vmem>> -> memref<1x100xi32, #tpu.memory_space<vmem>>
    %dma_wait3A_86 = tpu.memref_squeeze %dma_wait3A_85 : memref<1x100xi32, #tpu.memory_space<vmem>> -> memref<100xi32, #tpu.memory_space<vmem>>
    %dma_wait3A_87 = arith.constant 0 : i32
    %dma_wait3A_88 = arith.constant 0 : i32
    %dma_wait3A_89 = tpu.memref_slice %arg2[%dma_wait3A_87, %dma_wait3A_88] : memref<10240x128xf32, #tpu.memory_space<hbm>> -> memref<10240x128xf32, #tpu.memory_space<hbm>>
    tpu.wait_indirect_dma semaphore(%arg12 : memref<!tpu.dma_semaphore, #tpu.memory_space<semaphore_mem>>) src(%dma_wait3A_89 : memref<10240x128xf32, #tpu.memory_space<hbm>>) dst(%arg9 : memref<100x128xf32, #tpu.memory_space<vmem>>)
    %run_scoped3A_90 = arith.constant 49 : i32
    "tpu.region"() ({
      %run_scoped3A_96 = tpu.sem_alloc : memref<!tpu.dma_semaphore, #tpu.memory_space<semaphore_mem>>
      %dma_start3A_97 = arith.constant 0 : i32
      %dma_start3A_98 = tpu.memref_slice %arg7[%run_scoped3A_90, %dma_start3A_97] : memref<50x100xi32, #tpu.memory_space<vmem>> -> memref<1x100xi32, #tpu.memory_space<vmem>>
      %dma_start3A_99 = tpu.memref_squeeze %dma_start3A_98 : memref<1x100xi32, #tpu.memory_space<vmem>> -> memref<100xi32, #tpu.memory_space<vmem>>
      %dma_start3A_100 = arith.constant 0 : i32
      %dma_start3A_101 = arith.constant 0 : i32
      %dma_start3A_102 = tpu.memref_slice %arg10[%dma_start3A_100, %dma_start3A_101] : memref<10240x128xf32, #tpu.memory_space<vmem_shared>> -> memref<10240x128xf32, #tpu.memory_space<vmem_shared>>
      tpu.enqueue_indirect_dma source(%arg9 : memref<100x128xf32, #tpu.memory_space<vmem>>) target(%dma_start3A_102 : memref<10240x128xf32, #tpu.memory_space<vmem_shared>>) offsets(%dma_start3A_99 : memref<100xi32, #tpu.memory_space<vmem>>) semaphore(%run_scoped3A_96 : memref<!tpu.dma_semaphore, #tpu.memory_space<semaphore_mem>>) {add = true}
      %dma_wait3A_103 = arith.constant 0 : i32
      %dma_wait3A_104 = tpu.memref_slice %arg7[%run_scoped3A_90, %dma_wait3A_103] : memref<50x100xi32, #tpu.memory_space<vmem>> -> memref<1x100xi32, #tpu.memory_space<vmem>>
      %dma_wait3A_105 = tpu.memref_squeeze %dma_wait3A_104 : memref<1x100xi32, #tpu.memory_space<vmem>> -> memref<100xi32, #tpu.memory_space<vmem>>
      %dma_wait3A_106 = arith.constant 0 : i32
      %dma_wait3A_107 = arith.constant 0 : i32
      %dma_wait3A_108 = tpu.memref_slice %arg10[%dma_wait3A_106, %dma_wait3A_107] : memref<10240x128xf32, #tpu.memory_space<vmem_shared>> -> memref<10240x128xf32, #tpu.memory_space<vmem_shared>>
      tpu.wait_indirect_dma semaphore(%run_scoped3A_96 : memref<!tpu.dma_semaphore, #tpu.memory_space<semaphore_mem>>) src(%arg9 : memref<100x128xf32, #tpu.memory_space<vmem>>) dst(%dma_wait3A_108 : memref<10240x128xf32, #tpu.memory_space<vmem_shared>>)
      tpu.yield
    }) : () -> ()
    %barrier3A_91 = arith.constant 0 : index
    tpu.barrier barrier_id(%barrier3A_91)
    %mul3A_92 = arith.constant 640 : i32
    %mul3A_93 = arith.muli %arg1, %mul3A_92 : i32
    %mul3A_94 = arith.constant 640 : i32
    %mul3A_95 = arith.muli %arg1, %mul3A_94 : i32
    "tpu.region"() ({
      %run_scoped3A_96 = tpu.sem_alloc : memref<!tpu.dma_semaphore, #tpu.memory_space<semaphore_mem>>
      %dma_start3A_97 = arith.constant 0 : i32
      %dma_start3A_98 = tpu.memref_slice %arg5[%arg0, %mul3A_95, %dma_start3A_97] : memref<2x10240x128xf32, #tpu.memory_space<hbm>> -> memref<1x640x128xf32, #tpu.memory_space<hbm>>
      %dma_start3A_99 = tpu.memref_squeeze %dma_start3A_98 : memref<1x640x128xf32, #tpu.memory_space<hbm>> -> memref<640x128xf32, #tpu.memory_space<hbm>>
      %dma_start3A_100 = arith.constant 0 : i32
      %dma_start3A_101 = tpu.memref_slice %arg10[%mul3A_93, %dma_start3A_100] : memref<10240x128xf32, #tpu.memory_space<vmem_shared>> -> memref<640x128xf32, #tpu.memory_space<vmem_shared>>
      tpu.enqueue_dma source(%dma_start3A_101 : memref<640x128xf32, #tpu.memory_space<vmem_shared>>) target(%dma_start3A_99 : memref<640x128xf32, #tpu.memory_space<hbm>>) target_semaphore(%run_scoped3A_96 : memref<!tpu.dma_semaphore, #tpu.memory_space<semaphore_mem>>)
      %dma_wait3A_102 = arith.constant 0 : i32
      %dma_wait3A_103 = tpu.memref_slice %arg5[%arg0, %mul3A_95, %dma_wait3A_102] : memref<2x10240x128xf32, #tpu.memory_space<hbm>> -> memref<1x640x128xf32, #tpu.memory_space<hbm>>
      %dma_wait3A_104 = tpu.memref_squeeze %dma_wait3A_103 : memref<1x640x128xf32, #tpu.memory_space<hbm>> -> memref<640x128xf32, #tpu.memory_space<hbm>>
      %dma_wait3A_105 = arith.constant 0 : i32
      %dma_wait3A_106 = tpu.memref_slice %arg10[%mul3A_93, %dma_wait3A_105] : memref<10240x128xf32, #tpu.memory_space<vmem_shared>> -> memref<640x128xf32, #tpu.memory_space<vmem_shared>>
      tpu.wait_dma2 semaphore(%run_scoped3A_96 : memref<!tpu.dma_semaphore, #tpu.memory_space<semaphore_mem>>) src(%dma_wait3A_106 : memref<640x128xf32, #tpu.memory_space<vmem_shared>>) dst(%dma_wait3A_104 : memref<640x128xf32, #tpu.memory_space<hbm>>)
      tpu.yield
    }) : () -> ()
    return
  }
}

module attributes {stable_mosaic.version = 14 : i64} {
  func.func @_mid_body(%arg0: memref<2x10240x128xf32, #tpu.memory_space<vmem>>, %arg1: memref<10240x128xf32, #tpu.memory_space<vmem>>, %arg2: memref<10240x1xf32, #tpu.memory_space<vmem>>, %arg3: memref<1x128xf32, #tpu.memory_space<vmem>>, %arg4: memref<128x128xf32, #tpu.memory_space<vmem>>, %arg5: memref<10240x128xf32, #tpu.memory_space<vmem>>) attributes {dimension_semantics = [], scalar_prefetch = 0 : i64, scratch_operands = 0 : i64, tpu.core_type = #tpu.core_type<tc>} {
    %get3A = arith.constant 0 : index
    %get3A_0 = arith.constant 0 : index
    %get3A_1 = arith.constant 0 : index
    %get3A_2 = vector.load %arg0[%get3A, %get3A_0, %get3A_1] : memref<2x10240x128xf32, #tpu.memory_space<vmem>>, vector<1x10240x128xf32>
    %get3A_3 = vector.shape_cast %get3A_2 : vector<1x10240x128xf32> to vector<10240x128xf32>
    %get3A_4 = arith.constant 1 : index
    %get3A_5 = arith.constant 0 : index
    %get3A_6 = arith.constant 0 : index
    %get3A_7 = vector.load %arg0[%get3A_4, %get3A_5, %get3A_6] : memref<2x10240x128xf32, #tpu.memory_space<vmem>>, vector<1x10240x128xf32>
    %get3A_8 = vector.shape_cast %get3A_7 : vector<1x10240x128xf32> to vector<10240x128xf32>
    %add3A = arith.addf %get3A_3, %get3A_8 : vector<10240x128xf32>
    %get3A_9 = arith.constant 0 : index
    %get3A_10 = arith.constant 0 : index
    %get3A_11 = vector.load %arg1[%get3A_9, %get3A_10] : memref<10240x128xf32, #tpu.memory_space<vmem>>, vector<10240x128xf32>
    %sub3A = arith.subf %add3A, %get3A_11 : vector<10240x128xf32>
    %get3A_12 = arith.constant 0 : index
    %get3A_13 = arith.constant 0 : index
    %get3A_14 = vector.load %arg2[%get3A_12, %get3A_13] : memref<10240x1xf32, #tpu.memory_space<vmem>>, vector<10240x1xf32>
    %mul3A = vector.broadcast %get3A_14 : vector<10240x1xf32> to vector<10240x128xf32>
    %mul3A_15 = arith.mulf %sub3A, %mul3A : vector<10240x128xf32>
    %get3A_16 = arith.constant 0 : index
    %get3A_17 = arith.constant 0 : index
    %get3A_18 = vector.load %arg3[%get3A_16, %get3A_17] : memref<1x128xf32, #tpu.memory_space<vmem>>, vector<1x128xf32>
    %add3A_19 = vector.broadcast %get3A_18 : vector<1x128xf32> to vector<10240x128xf32>
    %add3A_20 = arith.addf %mul3A_15, %add3A_19 : vector<10240x128xf32>
    %max3A = arith.constant 0.000000e+00 : f32
    %max3A_21 = vector.broadcast %max3A : f32 to vector<10240x128xf32>
    %max3A_22 = arith.maximumf %add3A_20, %max3A_21 : vector<10240x128xf32>
    %get3A_23 = arith.constant 0 : index
    %get3A_24 = arith.constant 0 : index
    %get3A_25 = vector.load %arg4[%get3A_23, %get3A_24] : memref<128x128xf32, #tpu.memory_space<vmem>>, vector<128x128xf32>
    %convert_element_type3A = arith.truncf %max3A_22 : vector<10240x128xf32> to vector<10240x128xbf16>
    %convert_element_type3A_26 = arith.truncf %get3A_25 : vector<128x128xf32> to vector<128x128xbf16>
    %dot_general3A = arith.constant dense<0.000000e+00> : vector<10240x128xf32>
    %dot_general3A_27 = tpu.matmul %convert_element_type3A, %convert_element_type3A_26, %dot_general3A {dimension_numbers = #tpu.dot_dimension_numbers<[1], [1], [0], [0], [0, 0, 1, 0], [], []>, transpose_lhs_hint = false} : vector<10240x128xbf16>, vector<128x128xbf16>, vector<10240x128xf32> -> vector<10240x128xf32>
    %get3A_28 = arith.constant 0 : index
    %get3A_29 = arith.constant 0 : index
    %get3A_30 = vector.load %arg2[%get3A_28, %get3A_29] : memref<10240x1xf32, #tpu.memory_space<vmem>>, vector<10240x1xf32>
    %mul3A_31 = vector.broadcast %get3A_30 : vector<10240x1xf32> to vector<10240x128xf32>
    %mul3A_32 = arith.mulf %dot_general3A_27, %mul3A_31 : vector<10240x128xf32>
    %swap3A = arith.constant 0 : index
    %swap3A_33 = arith.constant 0 : index
    %swap3A_34 = vector.load %arg5[%swap3A, %swap3A_33] : memref<10240x128xf32, #tpu.memory_space<vmem>>, vector<10240x128xf32>
    tpu.vector_store %arg5[%swap3A, %swap3A_33], %mul3A_32 {strides = array<i32>} : memref<10240x128xf32, #tpu.memory_space<vmem>>, vector<10240x128xf32>,
    return
  }
}

module attributes {stable_mosaic.version = 14 : i64} {
  func.func @_prep1_body(%arg0: memref<2x8x10240xf32, #tpu.memory_space<vmem>>, %arg1: memref<10000x128xf32, #tpu.memory_space<vmem>>, %arg2: memref<128x128xf32, #tpu.memory_space<vmem>>, %arg3: memref<10240x1xf32, #tpu.memory_space<vmem>>, %arg4: memref<10240x128xf32, #tpu.memory_space<vmem>>) attributes {dimension_semantics = [], scalar_prefetch = 0 : i64, scratch_operands = 0 : i64, tpu.core_type = #tpu.core_type<tc>} {
    %get3A = arith.constant 0 : index
    %get3A_0 = arith.constant 0 : index
    %get3A_1 = arith.constant 0 : index
    %get3A_2 = vector.load %arg0[%get3A, %get3A_0, %get3A_1] : memref<2x8x10240xf32, #tpu.memory_space<vmem>>, vector<2x8x10240xf32>
    %slice3A = vector.extract_strided_slice %get3A_2 {offsets = [0, 0, 0], sizes = [1, 8, 10240], strides = [1, 1, 1]} : vector<2x8x10240xf32> to vector<1x8x10240xf32>
    %squeeze3A = vector.shape_cast %slice3A : vector<1x8x10240xf32> to vector<8x10240xf32>
    %slice3A_3 = vector.extract_strided_slice %get3A_2 {offsets = [1, 0, 0], sizes = [1, 8, 10240], strides = [1, 1, 1]} : vector<2x8x10240xf32> to vector<1x8x10240xf32>
    %squeeze3A_4 = vector.shape_cast %slice3A_3 : vector<1x8x10240xf32> to vector<8x10240xf32>
    %add3A = arith.addf %squeeze3A, %squeeze3A_4 : vector<8x10240xf32>
    %iota3A = tpu.iota {dimensions = array<i32: 0>} : vector<8x10240xi32>
    %eq3A = arith.constant 0 : i32
    %eq3A_5 = vector.broadcast %eq3A : i32 to vector<8x10240xi32>
    %eq3A_6 = arith.cmpi eq, %iota3A, %eq3A_5 : vector<8x10240xi32>
    %jit3A = arith.constant 0.000000e+00 : f32
    %broadcast_in_dim3A = vector.broadcast %jit3A : f32 to vector<8x10240xf32>
    %select_n3A = arith.select %eq3A_6, %add3A, %broadcast_in_dim3A : vector<8x10240xi1>, vector<8x10240xf32>
    %broadcast_in_dim3A_7 = arith.constant 1.000000e+00 : bf16
    %broadcast_in_dim3A_8 = vector.broadcast %broadcast_in_dim3A_7 : bf16 to vector<8x8xbf16>
    %convert_element_type3A = arith.truncf %select_n3A : vector<8x10240xf32> to vector<8x10240xbf16>
    %dot_general3A = arith.constant dense<0.000000e+00> : vector<10240x8xf32>
    %dot_general3A_9 = tpu.matmul %convert_element_type3A, %broadcast_in_dim3A_8, %dot_general3A {dimension_numbers = #tpu.dot_dimension_numbers<[0], [0], [1], [1], [0, 1, 1, 1], [], []>, transpose_lhs_hint = false} : vector<8x10240xbf16>, vector<8x8xbf16>, vector<10240x8xf32> -> vector<10240x8xf32>
    %slice3A_10 = vector.extract_strided_slice %dot_general3A_9 {offsets = [0, 0], sizes = [10240, 1], strides = [1, 1]} : vector<10240x8xf32> to vector<10240x1xf32>
    %add3A_11 = arith.constant 1.000000e+00 : f32
    %add3A_12 = vector.broadcast %add3A_11 : f32 to vector<10240x1xf32>
    %add3A_13 = arith.addf %slice3A_10, %add3A_12 : vector<10240x1xf32>
    %rsqrt3A = math.rsqrt %add3A_13 : vector<10240x1xf32>
    %swap3A = arith.constant 0 : index
    %swap3A_14 = arith.constant 0 : index
    %swap3A_15 = vector.load %arg3[%swap3A, %swap3A_14] : memref<10240x1xf32, #tpu.memory_space<vmem>>, vector<10240x1xf32>
    tpu.vector_store %arg3[%swap3A, %swap3A_14], %rsqrt3A {strides = array<i32>} : memref<10240x1xf32, #tpu.memory_space<vmem>>, vector<10240x1xf32>,
    %get3A_16 = arith.constant 0 : index
    %get3A_17 = arith.constant 0 : index
    %get3A_18 = vector.load %arg1[%get3A_16, %get3A_17] : memref<10000x128xf32, #tpu.memory_space<vmem>>, vector<10000x128xf32>
    %get3A_19 = arith.constant 0 : index
    %get3A_20 = arith.constant 0 : index
    %get3A_21 = vector.load %arg2[%get3A_19, %get3A_20] : memref<128x128xf32, #tpu.memory_space<vmem>>, vector<128x128xf32>
    %convert_element_type3A_22 = arith.truncf %get3A_18 : vector<10000x128xf32> to vector<10000x128xbf16>
    %convert_element_type3A_23 = arith.truncf %get3A_21 : vector<128x128xf32> to vector<128x128xbf16>
    %dot_general3A_24 = arith.constant dense<0.000000e+00> : vector<10000x128xf32>
    %dot_general3A_25 = tpu.matmul %convert_element_type3A_22, %convert_element_type3A_23, %dot_general3A_24 {dimension_numbers = #tpu.dot_dimension_numbers<[1], [1], [0], [0], [0, 0, 1, 0], [], []>, transpose_lhs_hint = false} : vector<10000x128xbf16>, vector<128x128xbf16>, vector<10000x128xf32> -> vector<10000x128xf32>
    %slice3A_26 = vector.extract_strided_slice %rsqrt3A {offsets = [0, 0], sizes = [10000, 1], strides = [1, 1]} : vector<10240x1xf32> to vector<10000x1xf32>
    %mul3A = vector.broadcast %slice3A_26 : vector<10000x1xf32> to vector<10000x128xf32>
    %mul3A_27 = arith.mulf %dot_general3A_25, %mul3A : vector<10000x128xf32>
    %swap3A_28 = arith.constant 0 : index
    %swap3A_29 = arith.constant 0 : index
    %swap3A_30 = vector.load %arg4[%swap3A_28, %swap3A_29] : memref<10240x128xf32, #tpu.memory_space<vmem>>, vector<10000x128xf32>
    tpu.vector_store %arg4[%swap3A_28, %swap3A_29], %mul3A_27 {strides = array<i32>} : memref<10240x128xf32, #tpu.memory_space<vmem>>, vector<10000x128xf32>,
    %broadcast_in_dim3A_31 = arith.constant 0.000000e+00 : f32
    %broadcast_in_dim3A_32 = vector.broadcast %broadcast_in_dim3A_31 : f32 to vector<240x128xf32>
    %swap3A_33 = arith.constant 10000 : index
    %swap3A_34 = arith.constant 0 : index
    %swap3A_35 = vector.load %arg4[%swap3A_33, %swap3A_34] : memref<10240x128xf32, #tpu.memory_space<vmem>>, vector<240x128xf32>
    tpu.vector_store %arg4[%swap3A_33, %swap3A_34], %broadcast_in_dim3A_32 {strides = array<i32>} : memref<10240x128xf32, #tpu.memory_space<vmem>>, vector<240x128xf32>,
    return
  }
}

module attributes {stable_mosaic.version = 14 : i64} {
  func.func @_final_body(%arg0: memref<2x10240x128xf32, #tpu.memory_space<vmem>>, %arg1: memref<10240x128xf32, #tpu.memory_space<vmem>>, %arg2: memref<10240x1xf32, #tpu.memory_space<vmem>>, %arg3: memref<1x128xf32, #tpu.memory_space<vmem>>, %arg4: memref<10240x1xi32, #tpu.memory_space<vmem>>, %arg5: memref<384x128xf32, #tpu.memory_space<vmem>>, %arg6: memref<1x384xf32, #tpu.memory_space<vmem>>, %arg7: memref<1x384xf32, #tpu.memory_space<vmem>>, %arg8: memref<1x128xf32, #tpu.memory_space<vmem>>, %arg9: memref<1x1xf32, #tpu.memory_space<vmem>>, %arg10: memref<64x1xf32, #tpu.memory_space<vmem>>) attributes {dimension_semantics = [], scalar_prefetch = 0 : i64, scratch_operands = 0 : i64, tpu.core_type = #tpu.core_type<tc>} {
    %get3A = arith.constant 0 : index
    %get3A_0 = arith.constant 0 : index
    %get3A_1 = arith.constant 0 : index
    %get3A_2 = vector.load %arg0[%get3A, %get3A_0, %get3A_1] : memref<2x10240x128xf32, #tpu.memory_space<vmem>>, vector<1x10240x128xf32>
    %get3A_3 = vector.shape_cast %get3A_2 : vector<1x10240x128xf32> to vector<10240x128xf32>
    %get3A_4 = arith.constant 1 : index
    %get3A_5 = arith.constant 0 : index
    %get3A_6 = arith.constant 0 : index
    %get3A_7 = vector.load %arg0[%get3A_4, %get3A_5, %get3A_6] : memref<2x10240x128xf32, #tpu.memory_space<vmem>>, vector<1x10240x128xf32>
    %get3A_8 = vector.shape_cast %get3A_7 : vector<1x10240x128xf32> to vector<10240x128xf32>
    %add3A = arith.addf %get3A_3, %get3A_8 : vector<10240x128xf32>
    %get3A_9 = arith.constant 0 : index
    %get3A_10 = arith.constant 0 : index
    %get3A_11 = vector.load %arg1[%get3A_9, %get3A_10] : memref<10240x128xf32, #tpu.memory_space<vmem>>, vector<10240x128xf32>
    %sub3A = arith.subf %add3A, %get3A_11 : vector<10240x128xf32>
    %get3A_12 = arith.constant 0 : index
    %get3A_13 = arith.constant 0 : index
    %get3A_14 = vector.load %arg2[%get3A_12, %get3A_13] : memref<10240x1xf32, #tpu.memory_space<vmem>>, vector<10240x1xf32>
    %mul3A = vector.broadcast %get3A_14 : vector<10240x1xf32> to vector<10240x128xf32>
    %mul3A_15 = arith.mulf %sub3A, %mul3A : vector<10240x128xf32>
    %get3A_16 = arith.constant 0 : index
    %get3A_17 = arith.constant 0 : index
    %get3A_18 = vector.load %arg3[%get3A_16, %get3A_17] : memref<1x128xf32, #tpu.memory_space<vmem>>, vector<1x128xf32>
    %add3A_19 = vector.broadcast %get3A_18 : vector<1x128xf32> to vector<10240x128xf32>
    %add3A_20 = arith.addf %mul3A_15, %add3A_19 : vector<10240x128xf32>
    %get3A_21 = arith.constant 0 : index
    %get3A_22 = arith.constant 0 : index
    %get3A_23 = vector.load %arg4[%get3A_21, %get3A_22] : memref<10240x1xi32, #tpu.memory_space<vmem>>, vector<10240x1xi32>
    %iota3A = tpu.iota {dimensions = array<i32: 1>} : vector<1x64xi32>
    %eq3A = vector.broadcast %get3A_23 : vector<10240x1xi32> to vector<10240x64xi32>
    %eq3A_24 = vector.broadcast %iota3A : vector<1x64xi32> to vector<10240x64xi32>
    %eq3A_25 = arith.cmpi eq, %eq3A, %eq3A_24 : vector<10240x64xi32>
    %convert_element_type3A = arith.extui %eq3A_25 : vector<10240x64xi1> to vector<10240x64xi32>
    %convert_element_type3A_26 = arith.sitofp %convert_element_type3A : vector<10240x64xi32> to vector<10240x64xf32>
    %convert_element_type3A_27 = arith.truncf %add3A_20 : vector<10240x128xf32> to vector<10240x128xbf16>
    %convert_element_type3A_28 = arith.extf %convert_element_type3A_27 : vector<10240x128xbf16> to vector<10240x128xf32>
    %sub3A_29 = arith.subf %add3A_20, %convert_element_type3A_28 : vector<10240x128xf32>
    %convert_element_type3A_30 = arith.truncf %sub3A_29 : vector<10240x128xf32> to vector<10240x128xbf16>
    %convert_element_type3A_31 = arith.truncf %convert_element_type3A_26 : vector<10240x64xf32> to vector<10240x64xbf16>
    %dot_general3A = arith.constant dense<0.000000e+00> : vector<64x128xf32>
    %dot_general3A_32 = tpu.matmul %convert_element_type3A_31, %convert_element_type3A_27, %dot_general3A {dimension_numbers = #tpu.dot_dimension_numbers<[0], [0], [1], [1], [0, 1, 1, 1], [], []>, transpose_lhs_hint = false} : vector<10240x64xbf16>, vector<10240x128xbf16>, vector<64x128xf32> -> vector<64x128xf32>
    %dot_general3A_33 = arith.constant dense<0.000000e+00> : vector<64x128xf32>
    %dot_general3A_34 = tpu.matmul %convert_element_type3A_31, %convert_element_type3A_30, %dot_general3A_33 {dimension_numbers = #tpu.dot_dimension_numbers<[0], [0], [1], [1], [0, 1, 1, 1], [], []>, transpose_lhs_hint = false} : vector<10240x64xbf16>, vector<10240x128xbf16>, vector<64x128xf32> -> vector<64x128xf32>
    %add3A_35 = arith.addf %dot_general3A_32, %dot_general3A_34 : vector<64x128xf32>
    %broadcast_in_dim3A = arith.constant 1.000000e+00 : bf16
    %broadcast_in_dim3A_36 = vector.broadcast %broadcast_in_dim3A : bf16 to vector<10240x1xbf16>
    %dot_general3A_37 = arith.constant dense<0.000000e+00> : vector<64x1xf32>
    %dot_general3A_38 = tpu.matmul %convert_element_type3A_31, %broadcast_in_dim3A_36, %dot_general3A_37 {dimension_numbers = #tpu.dot_dimension_numbers<[0], [0], [1], [1], [0, 1, 1, 1], [], []>, transpose_lhs_hint = false} : vector<10240x64xbf16>, vector<10240x1xbf16>, vector<64x1xf32> -> vector<64x1xf32>
    %max3A = arith.constant 1.000000e+00 : f32
    %max3A_39 = vector.broadcast %max3A : f32 to vector<64x1xf32>
    %max3A_40 = arith.maximumf %dot_general3A_38, %max3A_39 : vector<64x1xf32>
    %div3A = vector.broadcast %max3A_40 : vector<64x1xf32> to vector<64x128xf32>
    %div3A_41 = arith.divf %add3A_35, %div3A : vector<64x128xf32>
    %get3A_42 = arith.constant 0 : index
    %get3A_43 = arith.constant 0 : index
    %get3A_44 = vector.load %arg5[%get3A_42, %get3A_43] : memref<384x128xf32, #tpu.memory_space<vmem>>, vector<384x128xf32>
    %convert_element_type3A_45 = arith.truncf %div3A_41 : vector<64x128xf32> to vector<64x128xbf16>
    %convert_element_type3A_46 = arith.truncf %get3A_44 : vector<384x128xf32> to vector<384x128xbf16>
    %dot_general3A_47 = arith.constant dense<0.000000e+00> : vector<64x384xf32>
    %dot_general3A_48 = tpu.matmul %convert_element_type3A_45, %convert_element_type3A_46, %dot_general3A_47 {dimension_numbers = #tpu.dot_dimension_numbers<[1], [1], [0], [0], [0, 0, 1, 0], [], []>, transpose_lhs_hint = false} : vector<64x128xbf16>, vector<384x128xbf16>, vector<64x384xf32> -> vector<64x384xf32>
    %get3A_49 = arith.constant 0 : index
    %get3A_50 = arith.constant 0 : index
    %get3A_51 = vector.load %arg6[%get3A_49, %get3A_50] : memref<1x384xf32, #tpu.memory_space<vmem>>, vector<1x384xf32>
    %add3A_52 = vector.broadcast %get3A_51 : vector<1x384xf32> to vector<64x384xf32>
    %add3A_53 = arith.addf %dot_general3A_48, %add3A_52 : vector<64x384xf32>
    %get3A_54 = arith.constant 0 : index
    %get3A_55 = arith.constant 0 : index
    %get3A_56 = vector.load %arg7[%get3A_54, %get3A_55] : memref<1x384xf32, #tpu.memory_space<vmem>>, vector<1x384xf32>
    %slice3A = vector.extract_strided_slice %add3A_53 {offsets = [0, 0], sizes = [64, 128], strides = [1, 1]} : vector<64x384xf32> to vector<64x128xf32>
    %slice3A_57 = vector.extract_strided_slice %get3A_56 {offsets = [0, 0], sizes = [1, 128], strides = [1, 1]} : vector<1x384xf32> to vector<1x128xf32>
    %add3A_58 = vector.broadcast %slice3A_57 : vector<1x128xf32> to vector<64x128xf32>
    %add3A_59 = arith.addf %slice3A, %add3A_58 : vector<64x128xf32>
    %logistic3A = arith.negf %add3A_59 : vector<64x128xf32>
    %logistic3A_60 = math.exp %logistic3A : vector<64x128xf32>
    %logistic3A_61 = arith.constant 1.000000e+00 : f32
    %logistic3A_62 = vector.broadcast %logistic3A_61 : f32 to vector<64x128xf32>
    %logistic3A_63 = arith.addf %logistic3A_62, %logistic3A_60 : vector<64x128xf32>
    %logistic3A_64 = arith.divf %logistic3A_62, %logistic3A_63 : vector<64x128xf32>
    %slice3A_65 = vector.extract_strided_slice %add3A_53 {offsets = [0, 128], sizes = [64, 128], strides = [1, 1]} : vector<64x384xf32> to vector<64x128xf32>
    %slice3A_66 = vector.extract_strided_slice %get3A_56 {offsets = [0, 128], sizes = [1, 128], strides = [1, 1]} : vector<1x384xf32> to vector<1x128xf32>
    %add3A_67 = vector.broadcast %slice3A_66 : vector<1x128xf32> to vector<64x128xf32>
    %add3A_68 = arith.addf %slice3A_65, %add3A_67 : vector<64x128xf32>
    %logistic3A_69 = arith.negf %add3A_68 : vector<64x128xf32>
    %logistic3A_70 = math.exp %logistic3A_69 : vector<64x128xf32>
    %logistic3A_71 = arith.constant 1.000000e+00 : f32
    %logistic3A_72 = vector.broadcast %logistic3A_71 : f32 to vector<64x128xf32>
    %logistic3A_73 = arith.addf %logistic3A_72, %logistic3A_70 : vector<64x128xf32>
    %logistic3A_74 = arith.divf %logistic3A_72, %logistic3A_73 : vector<64x128xf32>
    %slice3A_75 = vector.extract_strided_slice %add3A_53 {offsets = [0, 256], sizes = [64, 128], strides = [1, 1]} : vector<64x384xf32> to vector<64x128xf32>
    %slice3A_76 = vector.extract_strided_slice %get3A_56 {offsets = [0, 256], sizes = [1, 128], strides = [1, 1]} : vector<1x384xf32> to vector<1x128xf32>
    %mul3A_77 = vector.broadcast %slice3A_76 : vector<1x128xf32> to vector<64x128xf32>
    %mul3A_78 = arith.mulf %logistic3A_64, %mul3A_77 : vector<64x128xf32>
    %add3A_79 = arith.addf %slice3A_75, %mul3A_78 : vector<64x128xf32>
    %tanh3A = math.tanh %add3A_79 : vector<64x128xf32>
    %sub3A_80 = arith.constant 1.000000e+00 : f32
    %sub3A_81 = vector.broadcast %sub3A_80 : f32 to vector<64x128xf32>
    %sub3A_82 = arith.subf %sub3A_81, %logistic3A_74 : vector<64x128xf32>
    %mul3A_83 = arith.mulf %sub3A_82, %tanh3A : vector<64x128xf32>
    %max3A_84 = arith.constant 0.000000e+00 : f32
    %max3A_85 = vector.broadcast %max3A_84 : f32 to vector<64x128xf32>
    %max3A_86 = arith.maximumf %mul3A_83, %max3A_85 : vector<64x128xf32>
    %reduce_sum3A = arith.constant dense<0.000000e+00> : vector<64xf32>
    %reduce_sum3A_87 = vector.multi_reduction <add>, %max3A_86, %reduce_sum3A [1] : vector<64x128xf32> to vector<64xf32>
    %broadcast_in_dim3A_88 = vector.shape_cast %reduce_sum3A_87 : vector<64xf32> to vector<64x1xf32>
    %div3A_89 = arith.constant 1.280000e+02 : f32
    %div3A_90 = vector.broadcast %div3A_89 : f32 to vector<64x1xf32>
    %div3A_91 = arith.divf %broadcast_in_dim3A_88, %div3A_90 : vector<64x1xf32>
    %sub3A_92 = vector.broadcast %div3A_91 : vector<64x1xf32> to vector<64x128xf32>
    %sub3A_93 = arith.subf %max3A_86, %sub3A_92 : vector<64x128xf32>
    %integer_pow3A = arith.mulf %sub3A_93, %sub3A_93 : vector<64x128xf32>
    %reduce_sum3A_94 = arith.constant dense<0.000000e+00> : vector<64xf32>
    %reduce_sum3A_95 = vector.multi_reduction <add>, %integer_pow3A, %reduce_sum3A_94 [1] : vector<64x128xf32> to vector<64xf32>
    %broadcast_in_dim3A_96 = vector.shape_cast %reduce_sum3A_95 : vector<64xf32> to vector<64x1xf32>
    %div3A_97 = arith.constant 1.280000e+02 : f32
    %div3A_98 = vector.broadcast %div3A_97 : f32 to vector<64x1xf32>
    %div3A_99 = arith.divf %broadcast_in_dim3A_96, %div3A_98 : vector<64x1xf32>
    %sub3A_100 = vector.broadcast %div3A_91 : vector<64x1xf32> to vector<64x128xf32>
    %sub3A_101 = arith.subf %max3A_86, %sub3A_100 : vector<64x128xf32>
    %add3A_102 = arith.constant 9.99999974E-6 : f32
    %add3A_103 = vector.broadcast %add3A_102 : f32 to vector<64x1xf32>
    %add3A_104 = arith.addf %div3A_99, %add3A_103 : vector<64x1xf32>
    %sqrt3A = math.sqrt %add3A_104 : vector<64x1xf32>
    %div3A_105 = vector.broadcast %sqrt3A : vector<64x1xf32> to vector<64x128xf32>
    %div3A_106 = arith.divf %sub3A_101, %div3A_105 : vector<64x128xf32>
    %convert_element_type3A_107 = arith.truncf %div3A_106 : vector<64x128xf32> to vector<64x128xbf16>
    %convert_element_type3A_108 = arith.extf %convert_element_type3A_107 : vector<64x128xbf16> to vector<64x128xf32>
    %get3A_109 = arith.constant 0 : index
    %get3A_110 = arith.constant 0 : index
    %get3A_111 = vector.load %arg8[%get3A_109, %get3A_110] : memref<1x128xf32, #tpu.memory_space<vmem>>, vector<1x128xf32>
    %convert_element_type3A_112 = arith.truncf %get3A_111 : vector<1x128xf32> to vector<1x128xbf16>
    %convert_element_type3A_113 = arith.extf %convert_element_type3A_112 : vector<1x128xbf16> to vector<1x128xf32>
    %mul3A_114 = vector.broadcast %convert_element_type3A_113 : vector<1x128xf32> to vector<64x128xf32>
    %mul3A_115 = arith.mulf %convert_element_type3A_108, %mul3A_114 : vector<64x128xf32>
    %reduce_sum3A_116 = arith.constant dense<0.000000e+00> : vector<64xf32>
    %reduce_sum3A_117 = vector.multi_reduction <add>, %mul3A_115, %reduce_sum3A_116 [1] : vector<64x128xf32> to vector<64xf32>
    %broadcast_in_dim3A_118 = vector.shape_cast %reduce_sum3A_117 : vector<64xf32> to vector<64x1xf32>
    %get3A_119 = arith.constant 0 : index
    %get3A_120 = arith.constant 0 : index
    %get3A_121 = vector.load %arg9[%get3A_119, %get3A_120] : memref<1x1xf32, #tpu.memory_space<vmem>>, vector<1x1xf32>
    %add3A_122 = vector.broadcast %get3A_121 : vector<1x1xf32> to vector<64x1xf32>
    %add3A_123 = arith.addf %broadcast_in_dim3A_118, %add3A_122 : vector<64x1xf32>
    %swap3A = arith.constant 0 : index
    %swap3A_124 = arith.constant 0 : index
    %swap3A_125 = vector.load %arg10[%swap3A, %swap3A_124] : memref<64x1xf32, #tpu.memory_space<vmem>>, vector<64x1xf32>
    tpu.vector_store %arg10[%swap3A, %swap3A_124], %add3A_123 {strides = array<i32>} : memref<64x1xf32, #tpu.memory_space<vmem>>, vector<64x1xf32>,
    return
  }
}

</mosaic_0001>

<sc_bundles>
// kernel: kernel.11.cloned.1.call-start
scs
__scs_entry_jumppad:
0x0: {  	(pc) =	sbr.rel $0x88, $3  }
0x1: {  	(tag) =	ssettag $0x0;
	lr =	simm.s32 $0x1  }
0x2: {  	[smem:$0x3F95] =	sst lr;
	_ =	strace $0xD0000000  }
0x3: {  	_ = 	snop  }
0x4: {  	_ = 	snop  }
0x5: {  	_ = 	snop  }
0x6: {  	_ = 	snop  }
0x7: {  	_ = 	snop  }
__scs_overlays_trampoline_lowered:
0x8: {  	[smem:$0x3FA4] =	sst s0  }
0x9: {  	[smem:$0x3FA5] =	sst s1  }
0xa: {  	[smem:$0x3FA6] =	sst s2  }
0xb: {  	[smem:$0x3FA7] =	sst s3  }
0xc: {  	[smem:$0x3FA8] =	sst s4  }
0xd: {  	[smem:$0x3FA9] =	sst s5  }
0xe: {  	[smem:$0x3FAA] =	sst s6  }
0xf: {  	[smem:$0x3FAB] =	sst s7  }
0x10: {  	[smem:$0x3FAC] =	sst s8  }
0x11: {  	[smem:$0x3FAD] =	sst s9;
	s0 =	simm.s32 @!p0 $0x0  }
0x12: {  	s1 =	sld [smem:$0x3F93];
	s0 =	simm.s32 @p0 $0x1  }
0x13: {  	[smem:$0x3FAE] =	sst s0;
	s0 =	simm.s32 @!p1 $0x0  }
0x14: {  	s2 =	sld [smem:$0x3F92];
	s0 =	simm.s32 @p1 $0x1  }
0x15: {  	[smem:$0x3FAF] =	sst s0;
	s0 =	simm.s32 @!p2 $0x0  }
0x16: {  	s3 =	sld [smem:$0x3FDB];
	s0 =	simm.s32 @p2 $0x1  }
0x17: {  	s4 =	simm.s32 $0x1BF5;
	[smem:$0x3FB1] =	sst s0  }
0x18: {  	s0 =	sld [smem:$0x3F94];
	_ =	swait.ge [sflag:s4], $0x0  }
0x19: {  	s7 =	sld [smem:$0x3F95]  }
0x1a: {  	s8 =	sadd.s32 $0xFFFFE003, lr  }
0x1b: {  	s9 =	sadd.s32 $0xFFFFFEF7, lr;
	s5 =	simm.s32 $0xFFFFFFFF;
	p2 =	slt.u32 s8, $0xFFFFF086  }
0x1c: {  	p1 =	slt.u32 s9, $0xF7A;
	s5 =	simm.s32 @!p2 $0x0  }
0x1d: {  	s5 =	simm.s32 @p1 $0x1;
	p0 =	seq.s32 s7, s2  }
0x1e: {  	s7 =	smul.u32 @!p0 $0xF7A, s2;
	p2 =	seq.s32 @!p0 s5, $0x0  }
0x1f: {  	s9 =	smul.u32 $0xF7A, s1;
	s8 =	simm.s32 @!p0 $0x1BF5;
	p2 =	por !p2, p0  }
0x20: {  	[sflag:s8] =	ssyncset.s32 @!p0 $0xFFFFF086;
	s6 =	sadd.s32 @!p0 s3, s7;
	s7 =	simm.s32 @!p0 $0x108  }
0x21: {  	s3 =	sadd.s32 s3, s9;
	s6 =	sadd.s32 @!p0 $0x88, s6;
	s7 =	simm.s32 @p2 $0x1082  }
0x22: {  	[simem:s7], [sflag:s8] =	dma.local @!p0 [hbm:s6], $0xF7A  }
0x23: {  	s9 =	sor.u32 $0xD0000000, s2;
	s6 =	simm.s32 $0x108;
	_ =	swait.ge @!p0 [sflag:s8], $0x0  }
0x24: {  	s3 =	sadd.s32 $0x88, s3;
	s6 =	simm.s32 @!p1 $0x1082;
	[sflag:s4] =	ssyncset.s32 $0xFFFFF086  }
0x25: {  	[simem:s6], [sflag:s4] =	dma.local [hbm:s3], $0xF7A  }
0x26: {  	[smem:$0x3F95] =	sst s1;
	(tag) =	ssettag s2;
	_ =	strace s9  }
0x27: {  	s1 =	sld [smem:$0x3FA5]  }
0x28: {  	s2 =	sld [smem:$0x3FA6]  }
0x29: {  	s4 =	sld [smem:$0x3FA8]  }
0x2a: {  	p0 =	seq.s32 s5, $0x0;
	s5 =	sld [smem:$0x3FA9]  }
0x2b: {  	s6 =	sld [smem:$0x3FAA]  }
0x2c: {  	s7 =	sld [smem:$0x3FAB]  }
0x2d: {  	s3 =	simm.s32 $0x108;
	s8 =	sld [smem:$0x3FAC]  }
0x2e: {  	s3 =	simm.s32 @!p0 $0x1082;
	s9 =	sld [smem:$0x3FAD]  }
0x2f: {  	lr =	sadd.s32 s0, s3;
	s0 =	sld [smem:$0x3FA4]  }
0x30: {  	s3 =	sld [smem:$0x3FA7]  }
0x31: {  	[smem:$0x3FB0] =	sst s10  }
0x32: {  	s10 =	sld [smem:$0x3FAE];
	_ =	sdelay $0x3  }
0x33: {  	p0 =	seq.s32 s10, $0x1;
	s10 =	sld [smem:$0x3FB0];
	_ =	sdelay $0x3  }
0x34: {  	[smem:$0x3FB0] =	sst s10  }
0x35: {  	s10 =	sld [smem:$0x3FAF];
	_ =	sdelay $0x3  }
0x36: {  	p1 =	seq.s32 s10, $0x1;
	s10 =	sld [smem:$0x3FB0];
	_ =	sdelay $0x3  }
0x37: {  	[smem:$0x3FB0] =	sst s10  }
0x38: {  	s10 =	sld [smem:$0x3FB1]  }
0x39: {  	_ = 	snop;
	(pc) =	sbr.ind lr, $3  }
0x3a: {  	_ = 	snop  }
0x3b: {  	_ = 	snop  }
0x3c: {  	p2 =	seq.s32 s10, $0x1;
	s10 =	sld [smem:$0x3FB0]  }
0x3d: {  	_ =	shalt  }
0x3e: {  	_ =	shalt  }
0x3f: {  	_ =	shalt  }
0x40: {  	_ =	shalt  }
0x41: {  	_ =	shalt  }
0x42: {  	_ =	shalt  }
0x43: {  	_ =	shalt  }
0x44: {  	_ =	shalt  }
0x45: {  	_ =	shalt  }
0x46: {  	_ =	shalt  }
0x47: {  	_ =	shalt  }
0x48: {  	_ =	shalt  }
0x49: {  	_ =	shalt  }
0x4a: {  	_ =	shalt  }
0x4b: {  	_ =	shalt  }
0x4c: {  	_ =	shalt  }
0x4d: {  	_ =	shalt  }
0x4e: {  	_ =	shalt  }
0x4f: {  	_ =	shalt  }
0x50: {  	_ =	shalt  }
0x51: {  	_ =	shalt  }
0x52: {  	_ =	shalt  }
0x53: {  	_ =	shalt  }
0x54: {  	_ =	shalt  }
0x55: {  	_ =	shalt  }
0x56: {  	_ =	shalt  }
0x57: {  	_ =	shalt  }
0x58: {  	_ =	shalt  }
0x59: {  	_ =	shalt  }
0x5a: {  	_ =	shalt  }
0x5b: {  	_ =	shalt  }
0x5c: {  	_ =	shalt  }
0x5d: {  	_ =	shalt  }
0x5e: {  	_ =	shalt  }
0x5f: {  	_ =	shalt  }
0x60: {  	_ =	shalt  }
0x61: {  	_ =	shalt  }
0x62: {  	_ =	shalt  }
0x63: {  	_ =	shalt  }
0x64: {  	_ =	shalt  }
0x65: {  	_ =	shalt  }
0x66: {  	_ =	shalt  }
0x67: {  	_ =	shalt  }
0x68: {  	_ =	shalt  }
0x69: {  	_ =	shalt  }
0x6a: {  	_ =	shalt  }
0x6b: {  	_ =	shalt  }
0x6c: {  	_ =	shalt  }
0x6d: {  	_ =	shalt  }
0x6e: {  	_ =	shalt  }
0x6f: {  	_ =	shalt  }
0x70: {  	_ =	shalt  }
0x71: {  	_ =	shalt  }
0x72: {  	_ =	shalt  }
0x73: {  	_ =	shalt  }
0x74: {  	_ =	shalt  }
0x75: {  	_ =	shalt  }
0x76: {  	_ =	shalt  }
0x77: {  	_ =	shalt  }
0x78: {  	_ =	shalt  }
0x79: {  	_ =	shalt  }
0x7a: {  	_ =	shalt  }
0x7b: {  	_ =	shalt  }
0x7c: {  	_ =	shalt  }
0x7d: {  	_ =	shalt  }
0x7e: {  	_ =	shalt  }
0x7f: {  	_ =	shalt  }
0x80: {  	_ =	shalt  }
0x81: {  	_ =	shalt  }
0x82: {  	_ =	shalt  }
0x83: {  	_ =	shalt  }
0x84: {  	_ =	shalt  }
0x85: {  	_ =	shalt  }
0x86: {  	_ =	shalt  }
0x87: {  	_ =	shalt  }
.Lfunc_end0:
.L_simem_size_0:
called_computation.1_lowered:
.L_overlay_start_0:
0x88: {  	s2 =	sld [smem:$0x3FD9]  }
0x89: {  	s3 =	sld [smem:$0x3FFE];
	_ =	sdelay $0x1  }
0x8a: {  	s1 =	srdreg.scid  }
0x8b: {  	s0 =	sand.u32 $0x1, s1  }
0x8c: {  	s16 =	sshll.u32 s0, $0xA;
	s2 =	sadd.s32 s3, s2  }
0x8d: {  	s2 =	sadd.s32 s2, s16  }
0x8e: {  	[smem:$0x3FBC] =	sst s2  }
0x8f: {  	_ = 	snop  }
0x90: {  	(tm) =	ssettm $0x1  }
0x91: {  	s17 =	sld [smem:$0x3FFB];
	_ =	sdelay $0x3  }
0x92: {  	_ =	strace s17  }
0x93: {  	s2 =	sld [smem:$0x3FFC];
	_ =	sdelay $0x3  }
0x94: {  	_ =	strace s2  }
0x95: {  	s2 =	sld [smem:$0x3FFD];
	_ =	sdelay $0x3  }
0x96: {  	_ =	strace s2  }
0x97: {  	_ =	strace $0x8FFFFFFF  }
0x98: {  	s18 =	sld [smem:$0x3FDB];
	_ =	sdelay $0x1  }
0x99: {  	s19 =	simm.s32 $_scs_section_size  }
0x9a: {  	s4 =	simm.s32 $_size__tile_overlayer_lowered;
	s5 =	simm.s32 $_tile_overlayer_lowered  }
0x9b: {  	s22 =	simm.s32 $0x1BFF;
	s21 =	sshll.u32 s5, $0x1;
	s2 =	sadd.s32 s19, s18  }
0x9c: {  	s6 =	simm.s32 $0x0;
	s20 =	sshll.u32 s4, $0x1;
	s4 =	sadd.s32 s21, s2  }
0x9d: {  	[timem:s6], [sflag:s22] =	dma.local [hbm:s4], s20  }
0x9e: {  	_ =	swait.ge [sflag:s22], s20  }
0x9f: {  	s3 =	ssub.s32 $0x0, s20;
	[sflag:s22] =	ssyncset.done $0x0  }
0xa0: {  	[sflag:s22] =	ssyncadd.s32 s3;
	_ =	sdelay $0x1  }
0xa1: {  	s23 =	simm.s32 $0x1B8B  }
0xa2: {  	_ =	swait.ge [sflag:s23], $0x1  }
0xa3: {  	[sflag:s23] =	ssyncset.done $0x0  }
0xa4: {  	s25 =	simm.s32 $0x1B8E;
	s24 =	sld [smem:$0x3FFE];
	[sflag:s23] =	ssyncadd.s32 $0xFFFFFFFF  }
0xa5: {  	s26 =	simm.s32 $execute0_lowered;
	[smem:$0x3FD2] =	sst s25  }
0xa6: {  	s4 =	sshll.u32 s26, $0x1;
	_ =	strace $0x80000049;
	[dreg:$0x1] =	wrdreg $0xFFFFFFFF  }
0xa7: {  	s28 =	simm.s32 $_size_execute0_lowered;
	s2 =	sadd.s32 s2, s4;
	[dreg:$0x0] =	wrdreg $0x0  }
0xa8: {  	s4 =	sshll.u32 s28, $0x1;
	[dreg:$0x2] =	wrdreg s2  }
0xa9: {  	[dreg:$0x3] =	wrdreg s4  }
0xaa: {  	[dreg:$0x4] =	wrdreg $0xC0  }
0xab: {  	_ =	task [dreg:s6], $0x5FFFF  }
0xac: {  	[dreg:$0x1] =	wrdreg $0xFFFFFFFF  }
0xad: {  	[dreg:$0x0] =	wrdreg $0x60  }
0xae: {  	[dreg:$0x2] =	wrdreg s24  }
0xaf: {  	[dreg:$0x3] =	wrdreg $0xA0000  }
0xb0: {  	[dreg:$0x4] =	wrdreg $0x9  }
0xb1: {  	_ =	task.clear_ibuf [dreg:s6], $0x5FFFF;
	_ =	strace $0x90000049  }
0xb2: {  	s29 =	simm.s32 $0x9;
	_ =	strace $0x8000004B  }
0xb3: {  	_ =	swait.ge [sflag:s29], $0x1  }
0xb4: {  	[sflag:s29] =	ssyncadd.s32 $0xFFFFFFFF  }
0xb5: {  	_ =	strace $0x9000004B  }
0xb6: {  	_ =	sfence  }
0xb7: {  	s30 =	sld [smem:$0x0];
	_ =	sdelay $0x2  }
0xb8: {  	s31 =	sshll.u32 s1, $0xD;
	s1 =	sshrl.u32 s1, $0x2  }
0xb9: {  	s3 =	sand.u32 $0x4000, s31;
	s1 =	sadd.s32 s1, s30  }
0xba: {  	s0 =	sor.u32 s3, s0;
	s1 =	sshll.u32 s1, $0x11  }
0xbb: {  	s0 =	sor.u32 s1, s0  }
0xbc: {  	s0 =	sadd.s32 $0x8F2B, s0  }
0xbd: {  	[sflag:s0] =	ssyncadd.remote.s32 $0x1  }
0xbe: {  	_ =	sfence.sel $0xFFFF  }
0xbf: {  	[dreg:$0x0] =	wrdreg $0xFFFFFFFF;
	(pc) =	sbr.abs _section_cstart, $3  }
0xc0: {  	[dreg:$0x1] =	wrdreg $0xFFFFFFFF  }
0xc1: {  	_ =	task.clear_ibuf [dreg:s6], $0x2FFFF;
	_ =	strace $0x9FFFFFFF  }
0xc2: {  	(tm) =	ssettm $0x7FFFFFFF  }
0xc3: {  	_ =	shalt  }
tec
execute0_lowered:
.L_overlay_start_1:
0x0: {  	(tag) =	ssettag $0x1  }
0x1: {  	s5 =	rddreg [dreg:$0x0]  }
0x2: {  	s2 =	rddreg [dreg:$0x1]  }
0x3: {  	s0 =	rddreg [dreg:$0x2]  }
0x4: {  	s4 =	srdreg.scid;
	s1 =	stileid.u32;
	s3 =	simm.s32 $0x0  }
0x5: {  	s16 =	simm.s32 $0x1C00;
	s17 =	simm.s32 $0x64;
	s18 =	simm.s32 $0x3800  }
0x6: {  	s19 =	simm.s32 $0x3;
	s20 =	simm.s32 $0x1;
	s21 =	simm.s32 $0x6C00  }
0x7: {  	s22 =	simm.s32 $0x2;
	s23 =	simm.s32 $0x1880;
	s24 =	simm.s32 $0x3400  }
0x8: {  	s25 =	simm.s32 $0x3480;
	s6 =	sand.u32 $0x1, s4;
	s7 =	smul.u32 $0x14000, s1  }
0x9: {  	[smem:$0x7FF] =	sst s3;
	s4 =	sadd.s32 $0x24000, s5;
	s9 =	smul.u32 $0x50000, s1  }
0xa: {  	s10 =	sadd.s32 $0x16000, s5;
	s11 =	sadd.s32 $0x3000, s5;
	s8 =	smul.u32 $0x140000, s6  }
0xb: {  	_ =	strace $0x8000004A;
	s12 =	sshll.u32 s6, $0x4;
	s26 =	ssub.s32 $0x2, s6  }
0xc: {  	s6 =	sshll.u32 s1, $0x6;
	s28 =	sor.u32 s1, s12;
	s29 =	sshrl.u32 s26, $0x1  }
0xd: {  	s9 =	sshrl.u32 s9, $0x2;
	s30 =	sshrl.u32 s7, $0x3;
	s8 =	sadd.s32 s7, s8  }
0xe: {  	s12 =	smul.u32 $0x3800, s28;
	s14 =	ssub.s32 s26, s29;
	s15 =	sadd.s32 s9, s2  }
0xf: {  	s7 =	sor.u32 $0x1C03, s6;
	s26 =	simm.s32 $0x0;
	s8 =	sshrl.u32 s8, $0x3  }
0x10: {  	s13 =	sadd.s32 s8, s5;
	s5 =	sadd.s32 s4, s30;
	s31 =	sshrl.u32 s12, $0x3  }
0x11: {  	s8 =	sadd.s32 s10, s31;
	s12 =	sadd.s32 $0x380, s31;
	s9 =	sadd.s32 s11, s31  }
0x12: {  	s10 =	sadd.s32 s10, s12;
	s11 =	sadd.s32 s11, s12;
	s12 =	sadd.s32 $0x4C000, s13  }
0x13: {  	s13 =	smax.u32 s14, $0x1;
	s14 =	sshrl.u32 s15, $0x3;
	s15 =	simm.s32 $0x4  }
.LBB2_1:
0x14: {  	[spmem:s14], [sflag:s7] =	dma.local [hbm:s5], $0x2800  }
0x15: {  	[tilespmem:s3], [sflag:$0x4] =	stream.linear.gather [hbm4b:s8+s3], $0x1900, $0x38;
	[tilespmem:$0x1E000] =	vst v63  }
0x16: {  	_ =	swait.ge [sflag:s15], $0x1900  }
0x17: {  	[sflag:s15] =	ssyncset.done $0x0  }
0x18: {  	[sflag:s15] =	ssyncadd.s32 $0xFFFFE700  }
0x19: {  	[tilespmem:s16], [sflag:$0x4] =	stream.linear.gather [hbm4b:s9+s3], $0x1900, $0x38;
	[tilespmem:$0x1E000] =	vst v63  }
0x1a: {  	_ =	swait.ge [sflag:s15], $0x1900  }
0x1b: {  	[sflag:s15] =	ssyncset.done $0x0  }
0x1c: {  	[sflag:s15] =	ssyncadd.s32 $0xFFFFE700  }
0x1d: {  	[tilespmem:s18], [sflag:$0x1] =	stream.indirect.gather [hbm4b:s4+s17], $0x80, s3, s17, $0xb8;
	[tilespmem:$0x1E000] =	vst v63  }
0x1e: {  	_ =	swait.ge [sflag:s19], $0x2800  }
0x1f: {  	[sflag:s19] =	ssyncset.done $0x0  }
0x20: {  	[sflag:s19] =	ssyncadd.s32 $0xFFFFD800  }
0x21: {  	[bflag:$0x0] =	sbarrier.arrive $0xFFFF  }
0x22: {  	_ =	swait.ge [sflag:s20], $0x3200  }
0x23: {  	[sflag:s20] =	ssyncset.done $0x0  }
0x24: {  	s28 =	simm.s32 $0x80;
	[sflag:s20] =	ssyncadd.s32 $0xFFFFCE00  }
0x25: {  	[tilespmem:s21], [sflag:$0x2] =	stream.indirect.gather [hbm4b:s4+s17], $0x80, s28, s17, $0xb8;
	[tilespmem:$0x1E000] =	vst v63  }
0x26: {  	s28 =	simm.s32 $0x1C00  }
0x27: {  	[spmem:s2] =	stream.indirect.scatter.add.f32 [tilespmem:s18], [sflag:$0x4], $0x80, s28, s17, $0xb8;
	[tilespmem:$0x1E000] =	vst v63  }
0x28: {  	_ =	swait.ge [sflag:s15], $0x3200  }
0x29: {  	[sflag:s15] =	ssyncset.done $0x0  }
0x2a: {  	s28 =	simm.s32 $0x100;
	[sflag:s15] =	ssyncadd.s32 $0xFFFFCE00  }
0x2b: {  	[tilespmem:s18], [sflag:$0x1] =	stream.indirect.gather [hbm4b:s4+s17], $0x80, s28, s17, $0xb8;
	[tilespmem:$0x1E000] =	vst v63  }
0x2c: {  	_ =	swait.ge [sflag:s22], $0x3200  }
0x2d: {  	[sflag:s22] =	ssyncset.done $0x0  }
0x2e: {  	s28 =	simm.s32 $0x1C80;
	[sflag:s22] =	ssyncadd.s32 $0xFFFFCE00  }
0x2f: {  	[spmem:s2] =	stream.indirect.scatter.add.f32 [tilespmem:s21], [sflag:$0x4], $0x80, s28, s17, $0xb8;
	[tilespmem:$0x1E000] =	vst v63  }
0x30: {  	_ =	swait.ge [sflag:s15], $0x3200  }
0x31: {  	s28 =	simm.s32 $0x400;
	[sflag:s15] =	ssyncset.done $0x0  }
.LBB2_2:
0x32: {  	p0 =	sne.s32 s28, $0x5C00  }
0x33: {  	[sflag:s15] =	ssyncadd.s32 $0xFFFFCE00;
	s29 =	smov.u32 s28;
	s28 =	sadd.s32 $0x400, s28  }
0x34: {  	_ =	swait.ge [sflag:s20], $0x3200  }
0x35: {  	s29 =	sshra.s32 s29, $0x2;
	[sflag:s20] =	ssyncset.done $0x0  }
0x36: {  	s30 =	sadd.s32 $0x80, s29;
	[sflag:s20] =	ssyncadd.s32 $0xFFFFCE00  }
0x37: {  	[tilespmem:s21], [sflag:$0x2] =	stream.indirect.gather [hbm4b:s4+s17], $0x80, s30, s17, $0xb8;
	[tilespmem:$0x1E000] =	vst v63  }
0x38: {  	s30 =	sadd.s32 $0x1C00, s29  }
0x39: {  	[spmem:s2] =	stream.indirect.scatter.add.f32 [tilespmem:s18], [sflag:$0x4], $0x80, s30, s17, $0xb8;
	[tilespmem:$0x1E000] =	vst v63  }
0x3a: {  	_ =	swait.ge [sflag:s15], $0x3200  }
0x3b: {  	[sflag:s15] =	ssyncset.done $0x0  }
0x3c: {  	s30 =	sadd.s32 $0x100, s29;
	[sflag:s15] =	ssyncadd.s32 $0xFFFFCE00  }
0x3d: {  	[tilespmem:s18], [sflag:$0x1] =	stream.indirect.gather [hbm4b:s4+s17], $0x80, s30, s17, $0xb8;
	[tilespmem:$0x1E000] =	vst v63  }
0x3e: {  	_ =	swait.ge [sflag:s22], $0x3200  }
.Ltmp0:
0x3f: {  	[sflag:s22] =	ssyncset.done $0x0;
	(pc) =	sbr.rel @p0 .LBB2_2-.Ltmp0, $4  }
0x40: {  	s29 =	sadd.s32 $0x1C80, s29;
	[sflag:s22] =	ssyncadd.s32 $0xFFFFCE00  }
0x41: {  	[spmem:s2] =	stream.indirect.scatter.add.f32 [tilespmem:s21], [sflag:$0x4], $0x80, s29, s17, $0xb8;
	[tilespmem:$0x1E000] =	vst v63  }
0x42: {  	_ =	swait.ge [sflag:s15], $0x3200  }
0x43: {  	[sflag:s15] =	ssyncset.done $0x0  }
0x44: {  	[sflag:s15] =	ssyncadd.s32 $0xFFFFCE00  }
0x45: {  	_ =	swait.ge [sflag:s20], $0x3200  }
0x46: {  	[sflag:s20] =	ssyncset.done $0x0  }
0x47: {  	[sflag:s20] =	ssyncadd.s32 $0xFFFFCE00  }
0x48: {  	[tilespmem:s21], [sflag:$0x2] =	stream.indirect.gather [hbm4b:s4+s17], $0x80, s23, s17, $0xb8;
	[tilespmem:$0x1E000] =	vst v63  }
0x49: {  	_ = 	snop  }
0x4a: {  	[spmem:s2] =	stream.indirect.scatter.add.f32 [tilespmem:s18], [sflag:$0x4], $0x80, s24, s17, $0xb8;
	[tilespmem:$0x1E000] =	vst v63  }
0x4b: {  	_ =	swait.ge [sflag:s15], $0x3200  }
0x4c: {  	[sflag:s15] =	ssyncset.done $0x0  }
0x4d: {  	[sflag:s15] =	ssyncadd.s32 $0xFFFFCE00  }
0x4e: {  	_ =	swait.ge [sflag:s22], $0x3200  }
0x4f: {  	[sflag:s22] =	ssyncset.done $0x0  }
0x50: {  	[sflag:s22] =	ssyncadd.s32 $0xFFFFCE00  }
0x51: {  	[spmem:s2] =	stream.indirect.scatter.add.f32 [tilespmem:s21], [sflag:$0x4], $0x80, s25, s17, $0xb8;
	[tilespmem:$0x1E000] =	vst v63  }
0x52: {  	_ =	swait.ge [sflag:s15], $0x3200  }
0x53: {  	[sflag:s15] =	ssyncset.done $0x0  }
0x54: {  	s28 =	simm.s32 $0x0;
	[sflag:s15] =	ssyncadd.s32 $0xFFFFCE00  }
0x55: {  	[tilespmem:s28], [sflag:$0x4] =	stream.linear.gather [hbm4b:s10+s28], $0x1900, $0x38;
	[tilespmem:$0x1E000] =	vst v63  }
0x56: {  	_ =	swait.ge [sflag:s15], $0x1900  }
0x57: {  	[sflag:s15] =	ssyncset.done $0x0  }
0x58: {  	[sflag:s15] =	ssyncadd.s32 $0xFFFFE700  }
0x59: {  	[tilespmem:s16], [sflag:$0x4] =	stream.linear.gather [hbm4b:s11+s28], $0x1900, $0x38;
	[tilespmem:$0x1E000] =	vst v63  }
0x5a: {  	_ =	swait.ge [sflag:s15], $0x1900  }
0x5b: {  	[sflag:s15] =	ssyncset.done $0x0  }
0x5c: {  	[sflag:s15] =	ssyncadd.s32 $0xFFFFE700  }
0x5d: {  	[tilespmem:s18], [sflag:$0x1] =	stream.indirect.gather [hbm4b:s4+s17], $0x80, s28, s17, $0xb8;
	[tilespmem:$0x1E000] =	vst v63  }
0x5e: {  	_ =	swait.ge [sflag:s20], $0x3200  }
0x5f: {  	[sflag:s20] =	ssyncset.done $0x0  }
0x60: {  	s28 =	simm.s32 $0x80;
	[sflag:s20] =	ssyncadd.s32 $0xFFFFCE00  }
0x61: {  	[tilespmem:s21], [sflag:$0x2] =	stream.indirect.gather [hbm4b:s4+s17], $0x80, s28, s17, $0xb8;
	[tilespmem:$0x1E000] =	vst v63  }
0x62: {  	s28 =	simm.s32 $0x1C00  }
0x63: {  	[spmem:s2] =	stream.indirect.scatter.add.f32 [tilespmem:s18], [sflag:$0x4], $0x80, s28, s17, $0xb8;
	[tilespmem:$0x1E000] =	vst v63  }
0x64: {  	_ =	swait.ge [sflag:s15], $0x3200  }
0x65: {  	[sflag:s15] =	ssyncset.done $0x0  }
0x66: {  	s28 =	simm.s32 $0x100;
	[sflag:s15] =	ssyncadd.s32 $0xFFFFCE00  }
0x67: {  	[tilespmem:s18], [sflag:$0x1] =	stream.indirect.gather [hbm4b:s4+s17], $0x80, s28, s17, $0xb8;
	[tilespmem:$0x1E000] =	vst v63  }
0x68: {  	_ =	swait.ge [sflag:s22], $0x3200  }
0x69: {  	[sflag:s22] =	ssyncset.done $0x0  }
0x6a: {  	s28 =	simm.s32 $0x1C80;
	[sflag:s22] =	ssyncadd.s32 $0xFFFFCE00  }
0x6b: {  	[spmem:s2] =	stream.indirect.scatter.add.f32 [tilespmem:s21], [sflag:$0x4], $0x80, s28, s17, $0xb8;
	[tilespmem:$0x1E000] =	vst v63  }
0x6c: {  	_ =	swait.ge [sflag:s15], $0x3200  }
0x6d: {  	s28 =	simm.s32 $0x400;
	[sflag:s15] =	ssyncset.done $0x0  }
.LBB2_4:
0x6e: {  	p0 =	sne.s32 s28, $0x5C00  }
0x6f: {  	[sflag:s15] =	ssyncadd.s32 $0xFFFFCE00;
	s29 =	smov.u32 s28;
	s28 =	sadd.s32 $0x400, s28  }
0x70: {  	_ =	swait.ge [sflag:s20], $0x3200  }
0x71: {  	s29 =	sshra.s32 s29, $0x2;
	[sflag:s20] =	ssyncset.done $0x0  }
0x72: {  	s30 =	sadd.s32 $0x80, s29;
	[sflag:s20] =	ssyncadd.s32 $0xFFFFCE00  }
0x73: {  	[tilespmem:s21], [sflag:$0x2] =	stream.indirect.gather [hbm4b:s4+s17], $0x80, s30, s17, $0xb8;
	[tilespmem:$0x1E000] =	vst v63  }
0x74: {  	s30 =	sadd.s32 $0x1C00, s29  }
0x75: {  	[spmem:s2] =	stream.indirect.scatter.add.f32 [tilespmem:s18], [sflag:$0x4], $0x80, s30, s17, $0xb8;
	[tilespmem:$0x1E000] =	vst v63  }
0x76: {  	_ =	swait.ge [sflag:s15], $0x3200  }
0x77: {  	[sflag:s15] =	ssyncset.done $0x0  }
0x78: {  	s30 =	sadd.s32 $0x100, s29;
	[sflag:s15] =	ssyncadd.s32 $0xFFFFCE00  }
0x79: {  	[tilespmem:s18], [sflag:$0x1] =	stream.indirect.gather [hbm4b:s4+s17], $0x80, s30, s17, $0xb8;
	[tilespmem:$0x1E000] =	vst v63  }
0x7a: {  	_ =	swait.ge [sflag:s22], $0x3200  }
.Ltmp1:
0x7b: {  	[sflag:s22] =	ssyncset.done $0x0;
	(pc) =	sbr.rel @p0 .LBB2_4-.Ltmp1, $4  }
0x7c: {  	s29 =	sadd.s32 $0x1C80, s29;
	[sflag:s22] =	ssyncadd.s32 $0xFFFFCE00  }
0x7d: {  	[spmem:s2] =	stream.indirect.scatter.add.f32 [tilespmem:s21], [sflag:$0x4], $0x80, s29, s17, $0xb8;
	[tilespmem:$0x1E000] =	vst v63  }
0x7e: {  	_ =	swait.ge [sflag:s15], $0x3200  }
0x7f: {  	[sflag:s15] =	ssyncset.done $0x0  }
0x80: {  	[sflag:s15] =	ssyncadd.s32 $0xFFFFCE00  }
0x81: {  	_ =	swait.ge [sflag:s20], $0x3200  }
0x82: {  	[sflag:s20] =	ssyncset.done $0x0  }
0x83: {  	[sflag:s20] =	ssyncadd.s32 $0xFFFFCE00  }
0x84: {  	[tilespmem:s21], [sflag:$0x2] =	stream.indirect.gather [hbm4b:s4+s17], $0x80, s23, s17, $0xb8;
	[tilespmem:$0x1E000] =	vst v63  }
0x85: {  	_ = 	snop  }
0x86: {  	[spmem:s2] =	stream.indirect.scatter.add.f32 [tilespmem:s18], [sflag:$0x4], $0x80, s24, s17, $0xb8;
	[tilespmem:$0x1E000] =	vst v63  }
0x87: {  	_ =	swait.ge [sflag:s15], $0x3200  }
0x88: {  	[sflag:s15] =	ssyncset.done $0x0  }
0x89: {  	[sflag:s15] =	ssyncadd.s32 $0xFFFFCE00  }
0x8a: {  	_ =	swait.ge [sflag:s22], $0x3200  }
0x8b: {  	[sflag:s22] =	ssyncset.done $0x0  }
0x8c: {  	[sflag:s22] =	ssyncadd.s32 $0xFFFFCE00  }
0x8d: {  	[spmem:s2] =	stream.indirect.scatter.add.f32 [tilespmem:s21], [sflag:$0x4], $0x80, s25, s17, $0xb8;
	[tilespmem:$0x1E000] =	vst v63  }
0x8e: {  	_ =	swait.ge [sflag:s15], $0x3200  }
0x8f: {  	s26 =	sadd.s32 $0x1, s26;
	[sflag:s15] =	ssyncset.done $0x0  }
0x90: {  	p0 =	sne.s32 s26, s13;
	[sflag:s15] =	ssyncadd.s32 $0xFFFFCE00  }
.Ltmp2:
0x91: {  	s28 =	sor.u32 $0x1C04, s6;
	[bflag:$0x0] =	sbarrier.arrive $0xFFFF;
	(pc) =	sbr.rel @p0 .LBB2_1-.Ltmp2, $4  }
0x92: {  	[hbm:s12], [sflag:s28] =	dma.local [spmem:s14], $0x2800  }
0x93: {  	_ =	swait.ge [sflag:s15], $0x2800  }
0x94: {  	[sflag:s15] =	ssyncset.done $0x0  }
0x95: {  	[sflag:s15] =	ssyncadd.s32 $0xFFFFD800  }
0x96: {  	_ =	sfence.sel $0x180000  }
0x97: {  	[bflag:$0x0] =	sbarrier.arrive $0xFFFF  }
0x98: {  	p0 =	sne.s32 s1, $0x0;
	_ =	strace $0x9000004A  }
0x99: {  	s0 =	sadd.s32 @!p0 $0x100000, s0;
	[bflag:$0x2] =	sbarrier.arrive $0xFFFF  }
0x9a: {  	[sflag:s0] =	ssyncadd.tile.s32 @!p0 $0x1;
	_ =	shalt  }
.Lfunc_end2:
_tile_overlayer_lowered:
.L_overlay_start_2:
0x9b: {  	(tag) =	ssettag $0x2  }
0x9c: {  	s0 =	rddreg [dreg:$0x0];
	s2 =	stileid.u32  }
0x9d: {  	s1 =	rddreg [dreg:$0x1];
	p0 =	sne.s32 s2, $0x0  }
0x9e: {  	s3 =	rddreg [dreg:$0x2];
	[bflag:$0x3] =	sbarrier.arrive $0xFFFF;
	s2 =	simm.s32 @!p0 $0x1C04  }
0x9f: {  	[timem:s3], [sflag:s2] =	dma.local @!p0 [hbm:s0], s1  }
0xa0: {  	s0 =	simm.s32 @!p0 $0x4  }
0xa1: {  	_ =	swait.ge @!p0 [sflag:s0], s1  }
0xa2: {  	s1 =	ssub.s32 @!p0 $0x0, s1;
	[sflag:s0] =	ssyncset.done @!p0 $0x0  }
0xa3: {  	[sflag:s0] =	ssyncadd.s32 @!p0 s1  }
0xa4: {  	[bflag:$0x3] =	sbarrier.arrive $0xFFFF  }
0xa5: {  	_ =	shalt  }

// kernel: kernel.14.cloned.1.call-start
scs
__scs_entry_jumppad:
0x0: {  	(pc) =	sbr.rel $0x88, $3  }
0x1: {  	(tag) =	ssettag $0x0;
	lr =	simm.s32 $0x1  }
0x2: {  	[smem:$0x3F95] =	sst lr;
	_ =	strace $0xD0000000  }
0x3: {  	_ = 	snop  }
0x4: {  	_ = 	snop  }
0x5: {  	_ = 	snop  }
0x6: {  	_ = 	snop  }
0x7: {  	_ = 	snop  }
__scs_overlays_trampoline_lowered:
0x8: {  	[smem:$0x3FA4] =	sst s0  }
0x9: {  	[smem:$0x3FA5] =	sst s1  }
0xa: {  	[smem:$0x3FA6] =	sst s2  }
0xb: {  	[smem:$0x3FA7] =	sst s3  }
0xc: {  	[smem:$0x3FA8] =	sst s4  }
0xd: {  	[smem:$0x3FA9] =	sst s5  }
0xe: {  	[smem:$0x3FAA] =	sst s6  }
0xf: {  	[smem:$0x3FAB] =	sst s7  }
0x10: {  	[smem:$0x3FAC] =	sst s8  }
0x11: {  	[smem:$0x3FAD] =	sst s9;
	s0 =	simm.s32 @!p0 $0x0  }
0x12: {  	s1 =	sld [smem:$0x3F93];
	s0 =	simm.s32 @p0 $0x1  }
0x13: {  	[smem:$0x3FAE] =	sst s0;
	s0 =	simm.s32 @!p1 $0x0  }
0x14: {  	s2 =	sld [smem:$0x3F92];
	s0 =	simm.s32 @p1 $0x1  }
0x15: {  	[smem:$0x3FAF] =	sst s0;
	s0 =	simm.s32 @!p2 $0x0  }
0x16: {  	s3 =	sld [smem:$0x3FDB];
	s0 =	simm.s32 @p2 $0x1  }
0x17: {  	s4 =	simm.s32 $0x1BF5;
	[smem:$0x3FB1] =	sst s0  }
0x18: {  	s0 =	sld [smem:$0x3F94];
	_ =	swait.ge [sflag:s4], $0x0  }
0x19: {  	s7 =	sld [smem:$0x3F95]  }
0x1a: {  	s8 =	sadd.s32 $0xFFFFE003, lr  }
0x1b: {  	s9 =	sadd.s32 $0xFFFFFEF7, lr;
	s5 =	simm.s32 $0xFFFFFFFF;
	p2 =	slt.u32 s8, $0xFFFFF086  }
0x1c: {  	p1 =	slt.u32 s9, $0xF7A;
	s5 =	simm.s32 @!p2 $0x0  }
0x1d: {  	s5 =	simm.s32 @p1 $0x1;
	p0 =	seq.s32 s7, s2  }
0x1e: {  	s7 =	smul.u32 @!p0 $0xF7A, s2;
	p2 =	seq.s32 @!p0 s5, $0x0  }
0x1f: {  	s9 =	smul.u32 $0xF7A, s1;
	s8 =	simm.s32 @!p0 $0x1BF5;
	p2 =	por !p2, p0  }
0x20: {  	[sflag:s8] =	ssyncset.s32 @!p0 $0xFFFFF086;
	s6 =	sadd.s32 @!p0 s3, s7;
	s7 =	simm.s32 @!p0 $0x108  }
0x21: {  	s3 =	sadd.s32 s3, s9;
	s6 =	sadd.s32 @!p0 $0x88, s6;
	s7 =	simm.s32 @p2 $0x1082  }
0x22: {  	[simem:s7], [sflag:s8] =	dma.local @!p0 [hbm:s6], $0xF7A  }
0x23: {  	s9 =	sor.u32 $0xD0000000, s2;
	s6 =	simm.s32 $0x108;
	_ =	swait.ge @!p0 [sflag:s8], $0x0  }
0x24: {  	s3 =	sadd.s32 $0x88, s3;
	s6 =	simm.s32 @!p1 $0x1082;
	[sflag:s4] =	ssyncset.s32 $0xFFFFF086  }
0x25: {  	[simem:s6], [sflag:s4] =	dma.local [hbm:s3], $0xF7A  }
0x26: {  	[smem:$0x3F95] =	sst s1;
	(tag) =	ssettag s2;
	_ =	strace s9  }
0x27: {  	s1 =	sld [smem:$0x3FA5]  }
0x28: {  	s2 =	sld [smem:$0x3FA6]  }
0x29: {  	s4 =	sld [smem:$0x3FA8]  }
0x2a: {  	p0 =	seq.s32 s5, $0x0;
	s5 =	sld [smem:$0x3FA9]  }
0x2b: {  	s6 =	sld [smem:$0x3FAA]  }
0x2c: {  	s7 =	sld [smem:$0x3FAB]  }
0x2d: {  	s3 =	simm.s32 $0x108;
	s8 =	sld [smem:$0x3FAC]  }
0x2e: {  	s3 =	simm.s32 @!p0 $0x1082;
	s9 =	sld [smem:$0x3FAD]  }
0x2f: {  	lr =	sadd.s32 s0, s3;
	s0 =	sld [smem:$0x3FA4]  }
0x30: {  	s3 =	sld [smem:$0x3FA7]  }
0x31: {  	[smem:$0x3FB0] =	sst s10  }
0x32: {  	s10 =	sld [smem:$0x3FAE];
	_ =	sdelay $0x3  }
0x33: {  	p0 =	seq.s32 s10, $0x1;
	s10 =	sld [smem:$0x3FB0];
	_ =	sdelay $0x3  }
0x34: {  	[smem:$0x3FB0] =	sst s10  }
0x35: {  	s10 =	sld [smem:$0x3FAF];
	_ =	sdelay $0x3  }
0x36: {  	p1 =	seq.s32 s10, $0x1;
	s10 =	sld [smem:$0x3FB0];
	_ =	sdelay $0x3  }
0x37: {  	[smem:$0x3FB0] =	sst s10  }
0x38: {  	s10 =	sld [smem:$0x3FB1]  }
0x39: {  	_ = 	snop;
	(pc) =	sbr.ind lr, $3  }
0x3a: {  	_ = 	snop  }
0x3b: {  	_ = 	snop  }
0x3c: {  	p2 =	seq.s32 s10, $0x1;
	s10 =	sld [smem:$0x3FB0]  }
0x3d: {  	_ =	shalt  }
0x3e: {  	_ =	shalt  }
0x3f: {  	_ =	shalt  }
0x40: {  	_ =	shalt  }
0x41: {  	_ =	shalt  }
0x42: {  	_ =	shalt  }
0x43: {  	_ =	shalt  }
0x44: {  	_ =	shalt  }
0x45: {  	_ =	shalt  }
0x46: {  	_ =	shalt  }
0x47: {  	_ =	shalt  }
0x48: {  	_ =	shalt  }
0x49: {  	_ =	shalt  }
0x4a: {  	_ =	shalt  }
0x4b: {  	_ =	shalt  }
0x4c: {  	_ =	shalt  }
0x4d: {  	_ =	shalt  }
0x4e: {  	_ =	shalt  }
0x4f: {  	_ =	shalt  }
0x50: {  	_ =	shalt  }
0x51: {  	_ =	shalt  }
0x52: {  	_ =	shalt  }
0x53: {  	_ =	shalt  }
0x54: {  	_ =	shalt  }
0x55: {  	_ =	shalt  }
0x56: {  	_ =	shalt  }
0x57: {  	_ =	shalt  }
0x58: {  	_ =	shalt  }
0x59: {  	_ =	shalt  }
0x5a: {  	_ =	shalt  }
0x5b: {  	_ =	shalt  }
0x5c: {  	_ =	shalt  }
0x5d: {  	_ =	shalt  }
0x5e: {  	_ =	shalt  }
0x5f: {  	_ =	shalt  }
0x60: {  	_ =	shalt  }
0x61: {  	_ =	shalt  }
0x62: {  	_ =	shalt  }
0x63: {  	_ =	shalt  }
0x64: {  	_ =	shalt  }
0x65: {  	_ =	shalt  }
0x66: {  	_ =	shalt  }
0x67: {  	_ =	shalt  }
0x68: {  	_ =	shalt  }
0x69: {  	_ =	shalt  }
0x6a: {  	_ =	shalt  }
0x6b: {  	_ =	shalt  }
0x6c: {  	_ =	shalt  }
0x6d: {  	_ =	shalt  }
0x6e: {  	_ =	shalt  }
0x6f: {  	_ =	shalt  }
0x70: {  	_ =	shalt  }
0x71: {  	_ =	shalt  }
0x72: {  	_ =	shalt  }
0x73: {  	_ =	shalt  }
0x74: {  	_ =	shalt  }
0x75: {  	_ =	shalt  }
0x76: {  	_ =	shalt  }
0x77: {  	_ =	shalt  }
0x78: {  	_ =	shalt  }
0x79: {  	_ =	shalt  }
0x7a: {  	_ =	shalt  }
0x7b: {  	_ =	shalt  }
0x7c: {  	_ =	shalt  }
0x7d: {  	_ =	shalt  }
0x7e: {  	_ =	shalt  }
0x7f: {  	_ =	shalt  }
0x80: {  	_ =	shalt  }
0x81: {  	_ =	shalt  }
0x82: {  	_ =	shalt  }
0x83: {  	_ =	shalt  }
0x84: {  	_ =	shalt  }
0x85: {  	_ =	shalt  }
0x86: {  	_ =	shalt  }
0x87: {  	_ =	shalt  }
.Lfunc_end0:
.L_simem_size_0:
called_computation.2_lowered:
.L_overlay_start_0:
0x88: {  	s2 =	sld [smem:$0x3FD9]  }
0x89: {  	s3 =	sld [smem:$0x3FFE];
	_ =	sdelay $0x1  }
0x8a: {  	s1 =	srdreg.scid  }
0x8b: {  	s0 =	sand.u32 $0x1, s1  }
0x8c: {  	s16 =	sshll.u32 s0, $0xA;
	s2 =	sadd.s32 s3, s2  }
0x8d: {  	s2 =	sadd.s32 s2, s16  }
0x8e: {  	[smem:$0x3FBC] =	sst s2  }
0x8f: {  	_ = 	snop  }
0x90: {  	(tm) =	ssettm $0x1  }
0x91: {  	s17 =	sld [smem:$0x3FFB];
	_ =	sdelay $0x3  }
0x92: {  	_ =	strace s17  }
0x93: {  	s2 =	sld [smem:$0x3FFC];
	_ =	sdelay $0x3  }
0x94: {  	_ =	strace s2  }
0x95: {  	s2 =	sld [smem:$0x3FFD];
	_ =	sdelay $0x3  }
0x96: {  	_ =	strace s2  }
0x97: {  	_ =	strace $0x8FFFFFFF  }
0x98: {  	s18 =	sld [smem:$0x3FDB];
	_ =	sdelay $0x1  }
0x99: {  	s19 =	simm.s32 $_scs_section_size  }
0x9a: {  	s4 =	simm.s32 $_size__tile_overlayer_lowered;
	s5 =	simm.s32 $_tile_overlayer_lowered  }
0x9b: {  	s22 =	simm.s32 $0x1BFF;
	s21 =	sshll.u32 s5, $0x1;
	s2 =	sadd.s32 s19, s18  }
0x9c: {  	s6 =	simm.s32 $0x0;
	s20 =	sshll.u32 s4, $0x1;
	s4 =	sadd.s32 s21, s2  }
0x9d: {  	[timem:s6], [sflag:s22] =	dma.local [hbm:s4], s20  }
0x9e: {  	_ =	swait.ge [sflag:s22], s20  }
0x9f: {  	s3 =	ssub.s32 $0x0, s20;
	[sflag:s22] =	ssyncset.done $0x0  }
0xa0: {  	[sflag:s22] =	ssyncadd.s32 s3;
	_ =	sdelay $0x1  }
0xa1: {  	s23 =	simm.s32 $0x1B8B  }
0xa2: {  	_ =	swait.ge [sflag:s23], $0x1  }
0xa3: {  	[sflag:s23] =	ssyncset.done $0x0  }
0xa4: {  	s25 =	simm.s32 $0x1B8E;
	s24 =	sld [smem:$0x3FFE];
	[sflag:s23] =	ssyncadd.s32 $0xFFFFFFFF  }
0xa5: {  	s26 =	simm.s32 $execute0_lowered;
	[smem:$0x3FD2] =	sst s25  }
0xa6: {  	s4 =	sshll.u32 s26, $0x1;
	_ =	strace $0x8000004C;
	[dreg:$0x1] =	wrdreg $0xFFFFFFFF  }
0xa7: {  	s28 =	simm.s32 $_size_execute0_lowered;
	s2 =	sadd.s32 s2, s4;
	[dreg:$0x0] =	wrdreg $0x0  }
0xa8: {  	s4 =	sshll.u32 s28, $0x1;
	[dreg:$0x2] =	wrdreg s2  }
0xa9: {  	[dreg:$0x3] =	wrdreg s4  }
0xaa: {  	[dreg:$0x4] =	wrdreg $0xC0  }
0xab: {  	_ =	task [dreg:s6], $0x5FFFF  }
0xac: {  	[dreg:$0x1] =	wrdreg $0xFFFFFFFF  }
0xad: {  	[dreg:$0x0] =	wrdreg $0x60  }
0xae: {  	[dreg:$0x2] =	wrdreg s24  }
0xaf: {  	[dreg:$0x3] =	wrdreg $0xA0000  }
0xb0: {  	[dreg:$0x4] =	wrdreg $0x9  }
0xb1: {  	_ =	task.clear_ibuf [dreg:s6], $0x5FFFF;
	_ =	strace $0x9000004C  }
0xb2: {  	s29 =	simm.s32 $0x9;
	_ =	strace $0x8000004E  }
0xb3: {  	_ =	swait.ge [sflag:s29], $0x1  }
0xb4: {  	[sflag:s29] =	ssyncadd.s32 $0xFFFFFFFF  }
0xb5: {  	_ =	strace $0x9000004E  }
0xb6: {  	_ =	sfence  }
0xb7: {  	s30 =	sld [smem:$0x0];
	_ =	sdelay $0x2  }
0xb8: {  	s31 =	sshll.u32 s1, $0xD;
	s1 =	sshrl.u32 s1, $0x2  }
0xb9: {  	s3 =	sand.u32 $0x4000, s31;
	s1 =	sadd.s32 s1, s30  }
0xba: {  	s0 =	sor.u32 s3, s0;
	s1 =	sshll.u32 s1, $0x11  }
0xbb: {  	s0 =	sor.u32 s1, s0  }
0xbc: {  	s0 =	sadd.s32 $0x8F2B, s0  }
0xbd: {  	[sflag:s0] =	ssyncadd.remote.s32 $0x1  }
0xbe: {  	_ =	sfence.sel $0xFFFF  }
0xbf: {  	[dreg:$0x0] =	wrdreg $0xFFFFFFFF;
	(pc) =	sbr.abs _section_cstart, $3  }
0xc0: {  	[dreg:$0x1] =	wrdreg $0xFFFFFFFF  }
0xc1: {  	_ =	task.clear_ibuf [dreg:s6], $0x2FFFF;
	_ =	strace $0x9FFFFFFF  }
0xc2: {  	(tm) =	ssettm $0x7FFFFFFF  }
0xc3: {  	_ =	shalt  }
tec
execute0_lowered:
.L_overlay_start_1:
0x0: {  	(tag) =	ssettag $0x1  }
0x1: {  	s5 =	rddreg [dreg:$0x0]  }
0x2: {  	s2 =	rddreg [dreg:$0x1]  }
0x3: {  	s0 =	rddreg [dreg:$0x2]  }
0x4: {  	s4 =	srdreg.scid;
	s1 =	stileid.u32;
	s3 =	simm.s32 $0x0  }
0x5: {  	s16 =	simm.s32 $0x1C00;
	s17 =	simm.s32 $0x64;
	s18 =	simm.s32 $0x3800  }
0x6: {  	s19 =	simm.s32 $0x3;
	s20 =	simm.s32 $0x1;
	s21 =	simm.s32 $0x6C00  }
0x7: {  	s22 =	simm.s32 $0x2;
	s23 =	simm.s32 $0x1880;
	s24 =	simm.s32 $0x3400  }
0x8: {  	s25 =	simm.s32 $0x3480;
	s6 =	sand.u32 $0x1, s4;
	s7 =	smul.u32 $0x14000, s1  }
0x9: {  	[smem:$0x7FF] =	sst s3;
	s4 =	sadd.s32 $0x24000, s5;
	s9 =	smul.u32 $0x50000, s1  }
0xa: {  	s10 =	sadd.s32 $0x16000, s5;
	s11 =	sadd.s32 $0x3000, s5;
	s8 =	smul.u32 $0x140000, s6  }
0xb: {  	_ =	strace $0x8000004D;
	s12 =	sshll.u32 s6, $0x4;
	s26 =	ssub.s32 $0x2, s6  }
0xc: {  	s6 =	sshll.u32 s1, $0x6;
	s28 =	sor.u32 s1, s12;
	s29 =	sshrl.u32 s26, $0x1  }
0xd: {  	s9 =	sshrl.u32 s9, $0x2;
	s30 =	sshrl.u32 s7, $0x3;
	s8 =	sadd.s32 s7, s8  }
0xe: {  	s12 =	smul.u32 $0x3800, s28;
	s14 =	ssub.s32 s26, s29;
	s15 =	sadd.s32 s9, s2  }
0xf: {  	s7 =	sor.u32 $0x1C03, s6;
	s26 =	simm.s32 $0x0;
	s8 =	sshrl.u32 s8, $0x3  }
0x10: {  	s13 =	sadd.s32 s8, s5;
	s5 =	sadd.s32 s4, s30;
	s31 =	sshrl.u32 s12, $0x3  }
0x11: {  	s8 =	sadd.s32 s10, s31;
	s12 =	sadd.s32 $0x380, s31;
	s9 =	sadd.s32 s11, s31  }
0x12: {  	s10 =	sadd.s32 s10, s12;
	s11 =	sadd.s32 s11, s12;
	s12 =	sadd.s32 $0x4C000, s13  }
0x13: {  	s13 =	smax.u32 s14, $0x1;
	s14 =	sshrl.u32 s15, $0x3;
	s15 =	simm.s32 $0x4  }
.LBB2_1:
0x14: {  	[spmem:s14], [sflag:s7] =	dma.local [hbm:s5], $0x2800  }
0x15: {  	[tilespmem:s3], [sflag:$0x4] =	stream.linear.gather [hbm4b:s8+s3], $0x1900, $0x38;
	[tilespmem:$0x1E000] =	vst v63  }
0x16: {  	_ =	swait.ge [sflag:s15], $0x1900  }
0x17: {  	[sflag:s15] =	ssyncset.done $0x0  }
0x18: {  	[sflag:s15] =	ssyncadd.s32 $0xFFFFE700  }
0x19: {  	[tilespmem:s16], [sflag:$0x4] =	stream.linear.gather [hbm4b:s9+s3], $0x1900, $0x38;
	[tilespmem:$0x1E000] =	vst v63  }
0x1a: {  	_ =	swait.ge [sflag:s15], $0x1900  }
0x1b: {  	[sflag:s15] =	ssyncset.done $0x0  }
0x1c: {  	[sflag:s15] =	ssyncadd.s32 $0xFFFFE700  }
0x1d: {  	[tilespmem:s18], [sflag:$0x1] =	stream.indirect.gather [hbm4b:s4+s17], $0x80, s3, s17, $0xb8;
	[tilespmem:$0x1E000] =	vst v63  }
0x1e: {  	_ =	swait.ge [sflag:s19], $0x2800  }
0x1f: {  	[sflag:s19] =	ssyncset.done $0x0  }
0x20: {  	[sflag:s19] =	ssyncadd.s32 $0xFFFFD800  }
0x21: {  	[bflag:$0x0] =	sbarrier.arrive $0xFFFF  }
0x22: {  	_ =	swait.ge [sflag:s20], $0x3200  }
0x23: {  	[sflag:s20] =	ssyncset.done $0x0  }
0x24: {  	s28 =	simm.s32 $0x80;
	[sflag:s20] =	ssyncadd.s32 $0xFFFFCE00  }
0x25: {  	[tilespmem:s21], [sflag:$0x2] =	stream.indirect.gather [hbm4b:s4+s17], $0x80, s28, s17, $0xb8;
	[tilespmem:$0x1E000] =	vst v63  }
0x26: {  	s28 =	simm.s32 $0x1C00  }
0x27: {  	[spmem:s2] =	stream.indirect.scatter.add.f32 [tilespmem:s18], [sflag:$0x4], $0x80, s28, s17, $0xb8;
	[tilespmem:$0x1E000] =	vst v63  }
0x28: {  	_ =	swait.ge [sflag:s15], $0x3200  }
0x29: {  	[sflag:s15] =	ssyncset.done $0x0  }
0x2a: {  	s28 =	simm.s32 $0x100;
	[sflag:s15] =	ssyncadd.s32 $0xFFFFCE00  }
0x2b: {  	[tilespmem:s18], [sflag:$0x1] =	stream.indirect.gather [hbm4b:s4+s17], $0x80, s28, s17, $0xb8;
	[tilespmem:$0x1E000] =	vst v63  }
0x2c: {  	_ =	swait.ge [sflag:s22], $0x3200  }
0x2d: {  	[sflag:s22] =	ssyncset.done $0x0  }
0x2e: {  	s28 =	simm.s32 $0x1C80;
	[sflag:s22] =	ssyncadd.s32 $0xFFFFCE00  }
0x2f: {  	[spmem:s2] =	stream.indirect.scatter.add.f32 [tilespmem:s21], [sflag:$0x4], $0x80, s28, s17, $0xb8;
	[tilespmem:$0x1E000] =	vst v63  }
0x30: {  	_ =	swait.ge [sflag:s15], $0x3200  }
0x31: {  	s28 =	simm.s32 $0x400;
	[sflag:s15] =	ssyncset.done $0x0  }
.LBB2_2:
0x32: {  	p0 =	sne.s32 s28, $0x5C00  }
0x33: {  	[sflag:s15] =	ssyncadd.s32 $0xFFFFCE00;
	s29 =	smov.u32 s28;
	s28 =	sadd.s32 $0x400, s28  }
0x34: {  	_ =	swait.ge [sflag:s20], $0x3200  }
0x35: {  	s29 =	sshra.s32 s29, $0x2;
	[sflag:s20] =	ssyncset.done $0x0  }
0x36: {  	s30 =	sadd.s32 $0x80, s29;
	[sflag:s20] =	ssyncadd.s32 $0xFFFFCE00  }
0x37: {  	[tilespmem:s21], [sflag:$0x2] =	stream.indirect.gather [hbm4b:s4+s17], $0x80, s30, s17, $0xb8;
	[tilespmem:$0x1E000] =	vst v63  }
0x38: {  	s30 =	sadd.s32 $0x1C00, s29  }
0x39: {  	[spmem:s2] =	stream.indirect.scatter.add.f32 [tilespmem:s18], [sflag:$0x4], $0x80, s30, s17, $0xb8;
	[tilespmem:$0x1E000] =	vst v63  }
0x3a: {  	_ =	swait.ge [sflag:s15], $0x3200  }
0x3b: {  	[sflag:s15] =	ssyncset.done $0x0  }
0x3c: {  	s30 =	sadd.s32 $0x100, s29;
	[sflag:s15] =	ssyncadd.s32 $0xFFFFCE00  }
0x3d: {  	[tilespmem:s18], [sflag:$0x1] =	stream.indirect.gather [hbm4b:s4+s17], $0x80, s30, s17, $0xb8;
	[tilespmem:$0x1E000] =	vst v63  }
0x3e: {  	_ =	swait.ge [sflag:s22], $0x3200  }
.Ltmp0:
0x3f: {  	[sflag:s22] =	ssyncset.done $0x0;
	(pc) =	sbr.rel @p0 .LBB2_2-.Ltmp0, $4  }
0x40: {  	s29 =	sadd.s32 $0x1C80, s29;
	[sflag:s22] =	ssyncadd.s32 $0xFFFFCE00  }
0x41: {  	[spmem:s2] =	stream.indirect.scatter.add.f32 [tilespmem:s21], [sflag:$0x4], $0x80, s29, s17, $0xb8;
	[tilespmem:$0x1E000] =	vst v63  }
0x42: {  	_ =	swait.ge [sflag:s15], $0x3200  }
0x43: {  	[sflag:s15] =	ssyncset.done $0x0  }
0x44: {  	[sflag:s15] =	ssyncadd.s32 $0xFFFFCE00  }
0x45: {  	_ =	swait.ge [sflag:s20], $0x3200  }
0x46: {  	[sflag:s20] =	ssyncset.done $0x0  }
0x47: {  	[sflag:s20] =	ssyncadd.s32 $0xFFFFCE00  }
0x48: {  	[tilespmem:s21], [sflag:$0x2] =	stream.indirect.gather [hbm4b:s4+s17], $0x80, s23, s17, $0xb8;
	[tilespmem:$0x1E000] =	vst v63  }
0x49: {  	_ = 	snop  }
0x4a: {  	[spmem:s2] =	stream.indirect.scatter.add.f32 [tilespmem:s18], [sflag:$0x4], $0x80, s24, s17, $0xb8;
	[tilespmem:$0x1E000] =	vst v63  }
0x4b: {  	_ =	swait.ge [sflag:s15], $0x3200  }
0x4c: {  	[sflag:s15] =	ssyncset.done $0x0  }
0x4d: {  	[sflag:s15] =	ssyncadd.s32 $0xFFFFCE00  }
0x4e: {  	_ =	swait.ge [sflag:s22], $0x3200  }
0x4f: {  	[sflag:s22] =	ssyncset.done $0x0  }
0x50: {  	[sflag:s22] =	ssyncadd.s32 $0xFFFFCE00  }
0x51: {  	[spmem:s2] =	stream.indirect.scatter.add.f32 [tilespmem:s21], [sflag:$0x4], $0x80, s25, s17, $0xb8;
	[tilespmem:$0x1E000] =	vst v63  }
0x52: {  	_ =	swait.ge [sflag:s15], $0x3200  }
0x53: {  	[sflag:s15] =	ssyncset.done $0x0  }
0x54: {  	s28 =	simm.s32 $0x0;
	[sflag:s15] =	ssyncadd.s32 $0xFFFFCE00  }
0x55: {  	[tilespmem:s28], [sflag:$0x4] =	stream.linear.gather [hbm4b:s10+s28], $0x1900, $0x38;
	[tilespmem:$0x1E000] =	vst v63  }
0x56: {  	_ =	swait.ge [sflag:s15], $0x1900  }
0x57: {  	[sflag:s15] =	ssyncset.done $0x0  }
0x58: {  	[sflag:s15] =	ssyncadd.s32 $0xFFFFE700  }
0x59: {  	[tilespmem:s16], [sflag:$0x4] =	stream.linear.gather [hbm4b:s11+s28], $0x1900, $0x38;
	[tilespmem:$0x1E000] =	vst v63  }
0x5a: {  	_ =	swait.ge [sflag:s15], $0x1900  }
0x5b: {  	[sflag:s15] =	ssyncset.done $0x0  }
0x5c: {  	[sflag:s15] =	ssyncadd.s32 $0xFFFFE700  }
0x5d: {  	[tilespmem:s18], [sflag:$0x1] =	stream.indirect.gather [hbm4b:s4+s17], $0x80, s28, s17, $0xb8;
	[tilespmem:$0x1E000] =	vst v63  }
0x5e: {  	_ =	swait.ge [sflag:s20], $0x3200  }
0x5f: {  	[sflag:s20] =	ssyncset.done $0x0  }
0x60: {  	s28 =	simm.s32 $0x80;
	[sflag:s20] =	ssyncadd.s32 $0xFFFFCE00  }
0x61: {  	[tilespmem:s21], [sflag:$0x2] =	stream.indirect.gather [hbm4b:s4+s17], $0x80, s28, s17, $0xb8;
	[tilespmem:$0x1E000] =	vst v63  }
0x62: {  	s28 =	simm.s32 $0x1C00  }
0x63: {  	[spmem:s2] =	stream.indirect.scatter.add.f32 [tilespmem:s18], [sflag:$0x4], $0x80, s28, s17, $0xb8;
	[tilespmem:$0x1E000] =	vst v63  }
0x64: {  	_ =	swait.ge [sflag:s15], $0x3200  }
0x65: {  	[sflag:s15] =	ssyncset.done $0x0  }
0x66: {  	s28 =	simm.s32 $0x100;
	[sflag:s15] =	ssyncadd.s32 $0xFFFFCE00  }
0x67: {  	[tilespmem:s18], [sflag:$0x1] =	stream.indirect.gather [hbm4b:s4+s17], $0x80, s28, s17, $0xb8;
	[tilespmem:$0x1E000] =	vst v63  }
0x68: {  	_ =	swait.ge [sflag:s22], $0x3200  }
0x69: {  	[sflag:s22] =	ssyncset.done $0x0  }
0x6a: {  	s28 =	simm.s32 $0x1C80;
	[sflag:s22] =	ssyncadd.s32 $0xFFFFCE00  }
0x6b: {  	[spmem:s2] =	stream.indirect.scatter.add.f32 [tilespmem:s21], [sflag:$0x4], $0x80, s28, s17, $0xb8;
	[tilespmem:$0x1E000] =	vst v63  }
0x6c: {  	_ =	swait.ge [sflag:s15], $0x3200  }
0x6d: {  	s28 =	simm.s32 $0x400;
	[sflag:s15] =	ssyncset.done $0x0  }
.LBB2_4:
0x6e: {  	p0 =	sne.s32 s28, $0x5C00  }
0x6f: {  	[sflag:s15] =	ssyncadd.s32 $0xFFFFCE00;
	s29 =	smov.u32 s28;
	s28 =	sadd.s32 $0x400, s28  }
0x70: {  	_ =	swait.ge [sflag:s20], $0x3200  }
0x71: {  	s29 =	sshra.s32 s29, $0x2;
	[sflag:s20] =	ssyncset.done $0x0  }
0x72: {  	s30 =	sadd.s32 $0x80, s29;
	[sflag:s20] =	ssyncadd.s32 $0xFFFFCE00  }
0x73: {  	[tilespmem:s21], [sflag:$0x2] =	stream.indirect.gather [hbm4b:s4+s17], $0x80, s30, s17, $0xb8;
	[tilespmem:$0x1E000] =	vst v63  }
0x74: {  	s30 =	sadd.s32 $0x1C00, s29  }
0x75: {  	[spmem:s2] =	stream.indirect.scatter.add.f32 [tilespmem:s18], [sflag:$0x4], $0x80, s30, s17, $0xb8;
	[tilespmem:$0x1E000] =	vst v63  }
0x76: {  	_ =	swait.ge [sflag:s15], $0x3200  }
0x77: {  	[sflag:s15] =	ssyncset.done $0x0  }
0x78: {  	s30 =	sadd.s32 $0x100, s29;
	[sflag:s15] =	ssyncadd.s32 $0xFFFFCE00  }
0x79: {  	[tilespmem:s18], [sflag:$0x1] =	stream.indirect.gather [hbm4b:s4+s17], $0x80, s30, s17, $0xb8;
	[tilespmem:$0x1E000] =	vst v63  }
0x7a: {  	_ =	swait.ge [sflag:s22], $0x3200  }
.Ltmp1:
0x7b: {  	[sflag:s22] =	ssyncset.done $0x0;
	(pc) =	sbr.rel @p0 .LBB2_4-.Ltmp1, $4  }
0x7c: {  	s29 =	sadd.s32 $0x1C80, s29;
	[sflag:s22] =	ssyncadd.s32 $0xFFFFCE00  }
0x7d: {  	[spmem:s2] =	stream.indirect.scatter.add.f32 [tilespmem:s21], [sflag:$0x4], $0x80, s29, s17, $0xb8;
	[tilespmem:$0x1E000] =	vst v63  }
0x7e: {  	_ =	swait.ge [sflag:s15], $0x3200  }
0x7f: {  	[sflag:s15] =	ssyncset.done $0x0  }
0x80: {  	[sflag:s15] =	ssyncadd.s32 $0xFFFFCE00  }
0x81: {  	_ =	swait.ge [sflag:s20], $0x3200  }
0x82: {  	[sflag:s20] =	ssyncset.done $0x0  }
0x83: {  	[sflag:s20] =	ssyncadd.s32 $0xFFFFCE00  }
0x84: {  	[tilespmem:s21], [sflag:$0x2] =	stream.indirect.gather [hbm4b:s4+s17], $0x80, s23, s17, $0xb8;
	[tilespmem:$0x1E000] =	vst v63  }
0x85: {  	_ = 	snop  }
0x86: {  	[spmem:s2] =	stream.indirect.scatter.add.f32 [tilespmem:s18], [sflag:$0x4], $0x80, s24, s17, $0xb8;
	[tilespmem:$0x1E000] =	vst v63  }
0x87: {  	_ =	swait.ge [sflag:s15], $0x3200  }
0x88: {  	[sflag:s15] =	ssyncset.done $0x0  }
0x89: {  	[sflag:s15] =	ssyncadd.s32 $0xFFFFCE00  }
0x8a: {  	_ =	swait.ge [sflag:s22], $0x3200  }
0x8b: {  	[sflag:s22] =	ssyncset.done $0x0  }
0x8c: {  	[sflag:s22] =	ssyncadd.s32 $0xFFFFCE00  }
0x8d: {  	[spmem:s2] =	stream.indirect.scatter.add.f32 [tilespmem:s21], [sflag:$0x4], $0x80, s25, s17, $0xb8;
	[tilespmem:$0x1E000] =	vst v63  }
0x8e: {  	_ =	swait.ge [sflag:s15], $0x3200  }
0x8f: {  	s26 =	sadd.s32 $0x1, s26;
	[sflag:s15] =	ssyncset.done $0x0  }
0x90: {  	p0 =	sne.s32 s26, s13;
	[sflag:s15] =	ssyncadd.s32 $0xFFFFCE00  }
.Ltmp2:
0x91: {  	s28 =	sor.u32 $0x1C04, s6;
	[bflag:$0x0] =	sbarrier.arrive $0xFFFF;
	(pc) =	sbr.rel @p0 .LBB2_1-.Ltmp2, $4  }
0x92: {  	[hbm:s12], [sflag:s28] =	dma.local [spmem:s14], $0x2800  }
0x93: {  	_ =	swait.ge [sflag:s15], $0x2800  }
0x94: {  	[sflag:s15] =	ssyncset.done $0x0  }
0x95: {  	[sflag:s15] =	ssyncadd.s32 $0xFFFFD800  }
0x96: {  	_ =	sfence.sel $0x180000  }
0x97: {  	[bflag:$0x0] =	sbarrier.arrive $0xFFFF  }
0x98: {  	p0 =	sne.s32 s1, $0x0;
	_ =	strace $0x9000004D  }
0x99: {  	s0 =	sadd.s32 @!p0 $0x100000, s0;
	[bflag:$0x2] =	sbarrier.arrive $0xFFFF  }
0x9a: {  	[sflag:s0] =	ssyncadd.tile.s32 @!p0 $0x1;
	_ =	shalt  }
.Lfunc_end2:
_tile_overlayer_lowered:
.L_overlay_start_2:
0x9b: {  	(tag) =	ssettag $0x2  }
0x9c: {  	s0 =	rddreg [dreg:$0x0];
	s2 =	stileid.u32  }
0x9d: {  	s1 =	rddreg [dreg:$0x1];
	p0 =	sne.s32 s2, $0x0  }
0x9e: {  	s3 =	rddreg [dreg:$0x2];
	[bflag:$0x3] =	sbarrier.arrive $0xFFFF;
	s2 =	simm.s32 @!p0 $0x1C04  }
0x9f: {  	[timem:s3], [sflag:s2] =	dma.local @!p0 [hbm:s0], s1  }
0xa0: {  	s0 =	simm.s32 @!p0 $0x4  }
0xa1: {  	_ =	swait.ge @!p0 [sflag:s0], s1  }
0xa2: {  	s1 =	ssub.s32 @!p0 $0x0, s1;
	[sflag:s0] =	ssyncset.done @!p0 $0x0  }
0xa3: {  	[sflag:s0] =	ssyncadd.s32 @!p0 s1  }
0xa4: {  	[bflag:$0x3] =	sbarrier.arrive $0xFFFF  }
0xa5: {  	_ =	shalt  }

// kernel: kernel.8.cloned.1.call-start
scs
__scs_entry_jumppad:
0x0: {  	(pc) =	sbr.rel $0x88, $3  }
0x1: {  	(tag) =	ssettag $0x0;
	lr =	simm.s32 $0x1  }
0x2: {  	[smem:$0x3F95] =	sst lr;
	_ =	strace $0xD0000000  }
0x3: {  	_ = 	snop  }
0x4: {  	_ = 	snop  }
0x5: {  	_ = 	snop  }
0x6: {  	_ = 	snop  }
0x7: {  	_ = 	snop  }
__scs_overlays_trampoline_lowered:
0x8: {  	[smem:$0x3FA4] =	sst s0  }
0x9: {  	[smem:$0x3FA5] =	sst s1  }
0xa: {  	[smem:$0x3FA6] =	sst s2  }
0xb: {  	[smem:$0x3FA7] =	sst s3  }
0xc: {  	[smem:$0x3FA8] =	sst s4  }
0xd: {  	[smem:$0x3FA9] =	sst s5  }
0xe: {  	[smem:$0x3FAA] =	sst s6  }
0xf: {  	[smem:$0x3FAB] =	sst s7  }
0x10: {  	[smem:$0x3FAC] =	sst s8  }
0x11: {  	[smem:$0x3FAD] =	sst s9;
	s0 =	simm.s32 @!p0 $0x0  }
0x12: {  	s1 =	sld [smem:$0x3F93];
	s0 =	simm.s32 @p0 $0x1  }
0x13: {  	[smem:$0x3FAE] =	sst s0;
	s0 =	simm.s32 @!p1 $0x0  }
0x14: {  	s2 =	sld [smem:$0x3F92];
	s0 =	simm.s32 @p1 $0x1  }
0x15: {  	[smem:$0x3FAF] =	sst s0;
	s0 =	simm.s32 @!p2 $0x0  }
0x16: {  	s3 =	sld [smem:$0x3FDB];
	s0 =	simm.s32 @p2 $0x1  }
0x17: {  	s4 =	simm.s32 $0x1BF5;
	[smem:$0x3FB1] =	sst s0  }
0x18: {  	s0 =	sld [smem:$0x3F94];
	_ =	swait.ge [sflag:s4], $0x0  }
0x19: {  	s7 =	sld [smem:$0x3F95]  }
0x1a: {  	s8 =	sadd.s32 $0xFFFFE003, lr  }
0x1b: {  	s9 =	sadd.s32 $0xFFFFFEF7, lr;
	s5 =	simm.s32 $0xFFFFFFFF;
	p2 =	slt.u32 s8, $0xFFFFF086  }
0x1c: {  	p1 =	slt.u32 s9, $0xF7A;
	s5 =	simm.s32 @!p2 $0x0  }
0x1d: {  	s5 =	simm.s32 @p1 $0x1;
	p0 =	seq.s32 s7, s2  }
0x1e: {  	s7 =	smul.u32 @!p0 $0xF7A, s2;
	p2 =	seq.s32 @!p0 s5, $0x0  }
0x1f: {  	s9 =	smul.u32 $0xF7A, s1;
	s8 =	simm.s32 @!p0 $0x1BF5;
	p2 =	por !p2, p0  }
0x20: {  	[sflag:s8] =	ssyncset.s32 @!p0 $0xFFFFF086;
	s6 =	sadd.s32 @!p0 s3, s7;
	s7 =	simm.s32 @!p0 $0x108  }
0x21: {  	s3 =	sadd.s32 s3, s9;
	s6 =	sadd.s32 @!p0 $0x88, s6;
	s7 =	simm.s32 @p2 $0x1082  }
0x22: {  	[simem:s7], [sflag:s8] =	dma.local @!p0 [hbm:s6], $0xF7A  }
0x23: {  	s9 =	sor.u32 $0xD0000000, s2;
	s6 =	simm.s32 $0x108;
	_ =	swait.ge @!p0 [sflag:s8], $0x0  }
0x24: {  	s3 =	sadd.s32 $0x88, s3;
	s6 =	simm.s32 @!p1 $0x1082;
	[sflag:s4] =	ssyncset.s32 $0xFFFFF086  }
0x25: {  	[simem:s6], [sflag:s4] =	dma.local [hbm:s3], $0xF7A  }
0x26: {  	[smem:$0x3F95] =	sst s1;
	(tag) =	ssettag s2;
	_ =	strace s9  }
0x27: {  	s1 =	sld [smem:$0x3FA5]  }
0x28: {  	s2 =	sld [smem:$0x3FA6]  }
0x29: {  	s4 =	sld [smem:$0x3FA8]  }
0x2a: {  	p0 =	seq.s32 s5, $0x0;
	s5 =	sld [smem:$0x3FA9]  }
0x2b: {  	s6 =	sld [smem:$0x3FAA]  }
0x2c: {  	s7 =	sld [smem:$0x3FAB]  }
0x2d: {  	s3 =	simm.s32 $0x108;
	s8 =	sld [smem:$0x3FAC]  }
0x2e: {  	s3 =	simm.s32 @!p0 $0x1082;
	s9 =	sld [smem:$0x3FAD]  }
0x2f: {  	lr =	sadd.s32 s0, s3;
	s0 =	sld [smem:$0x3FA4]  }
0x30: {  	s3 =	sld [smem:$0x3FA7]  }
0x31: {  	[smem:$0x3FB0] =	sst s10  }
0x32: {  	s10 =	sld [smem:$0x3FAE];
	_ =	sdelay $0x3  }
0x33: {  	p0 =	seq.s32 s10, $0x1;
	s10 =	sld [smem:$0x3FB0];
	_ =	sdelay $0x3  }
0x34: {  	[smem:$0x3FB0] =	sst s10  }
0x35: {  	s10 =	sld [smem:$0x3FAF];
	_ =	sdelay $0x3  }
0x36: {  	p1 =	seq.s32 s10, $0x1;
	s10 =	sld [smem:$0x3FB0];
	_ =	sdelay $0x3  }
0x37: {  	[smem:$0x3FB0] =	sst s10  }
0x38: {  	s10 =	sld [smem:$0x3FB1]  }
0x39: {  	_ = 	snop;
	(pc) =	sbr.ind lr, $3  }
0x3a: {  	_ = 	snop  }
0x3b: {  	_ = 	snop  }
0x3c: {  	p2 =	seq.s32 s10, $0x1;
	s10 =	sld [smem:$0x3FB0]  }
0x3d: {  	_ =	shalt  }
0x3e: {  	_ =	shalt  }
0x3f: {  	_ =	shalt  }
0x40: {  	_ =	shalt  }
0x41: {  	_ =	shalt  }
0x42: {  	_ =	shalt  }
0x43: {  	_ =	shalt  }
0x44: {  	_ =	shalt  }
0x45: {  	_ =	shalt  }
0x46: {  	_ =	shalt  }
0x47: {  	_ =	shalt  }
0x48: {  	_ =	shalt  }
0x49: {  	_ =	shalt  }
0x4a: {  	_ =	shalt  }
0x4b: {  	_ =	shalt  }
0x4c: {  	_ =	shalt  }
0x4d: {  	_ =	shalt  }
0x4e: {  	_ =	shalt  }
0x4f: {  	_ =	shalt  }
0x50: {  	_ =	shalt  }
0x51: {  	_ =	shalt  }
0x52: {  	_ =	shalt  }
0x53: {  	_ =	shalt  }
0x54: {  	_ =	shalt  }
0x55: {  	_ =	shalt  }
0x56: {  	_ =	shalt  }
0x57: {  	_ =	shalt  }
0x58: {  	_ =	shalt  }
0x59: {  	_ =	shalt  }
0x5a: {  	_ =	shalt  }
0x5b: {  	_ =	shalt  }
0x5c: {  	_ =	shalt  }
0x5d: {  	_ =	shalt  }
0x5e: {  	_ =	shalt  }
0x5f: {  	_ =	shalt  }
0x60: {  	_ =	shalt  }
0x61: {  	_ =	shalt  }
0x62: {  	_ =	shalt  }
0x63: {  	_ =	shalt  }
0x64: {  	_ =	shalt  }
0x65: {  	_ =	shalt  }
0x66: {  	_ =	shalt  }
0x67: {  	_ =	shalt  }
0x68: {  	_ =	shalt  }
0x69: {  	_ =	shalt  }
0x6a: {  	_ =	shalt  }
0x6b: {  	_ =	shalt  }
0x6c: {  	_ =	shalt  }
0x6d: {  	_ =	shalt  }
0x6e: {  	_ =	shalt  }
0x6f: {  	_ =	shalt  }
0x70: {  	_ =	shalt  }
0x71: {  	_ =	shalt  }
0x72: {  	_ =	shalt  }
0x73: {  	_ =	shalt  }
0x74: {  	_ =	shalt  }
0x75: {  	_ =	shalt  }
0x76: {  	_ =	shalt  }
0x77: {  	_ =	shalt  }
0x78: {  	_ =	shalt  }
0x79: {  	_ =	shalt  }
0x7a: {  	_ =	shalt  }
0x7b: {  	_ =	shalt  }
0x7c: {  	_ =	shalt  }
0x7d: {  	_ =	shalt  }
0x7e: {  	_ =	shalt  }
0x7f: {  	_ =	shalt  }
0x80: {  	_ =	shalt  }
0x81: {  	_ =	shalt  }
0x82: {  	_ =	shalt  }
0x83: {  	_ =	shalt  }
0x84: {  	_ =	shalt  }
0x85: {  	_ =	shalt  }
0x86: {  	_ =	shalt  }
0x87: {  	_ =	shalt  }
.Lfunc_end0:
.L_simem_size_0:
called_computation_lowered:
.L_overlay_start_0:
0x88: {  	s2 =	sld [smem:$0x3FD9]  }
0x89: {  	s3 =	sld [smem:$0x3FFE];
	_ =	sdelay $0x1  }
0x8a: {  	s1 =	srdreg.scid  }
0x8b: {  	s0 =	sand.u32 $0x1, s1  }
0x8c: {  	s16 =	sshll.u32 s0, $0xA;
	s2 =	sadd.s32 s3, s2  }
0x8d: {  	s2 =	sadd.s32 s2, s16  }
0x8e: {  	[smem:$0x3FBC] =	sst s2  }
0x8f: {  	_ = 	snop  }
0x90: {  	(tm) =	ssettm $0x1  }
0x91: {  	s17 =	sld [smem:$0x3FFB];
	_ =	sdelay $0x3  }
0x92: {  	_ =	strace s17  }
0x93: {  	s2 =	sld [smem:$0x3FFC];
	_ =	sdelay $0x3  }
0x94: {  	_ =	strace s2  }
0x95: {  	s2 =	sld [smem:$0x3FFD];
	_ =	sdelay $0x3  }
0x96: {  	_ =	strace s2  }
0x97: {  	_ =	strace $0x8FFFFFFF  }
0x98: {  	s18 =	sld [smem:$0x3FDB];
	_ =	sdelay $0x1  }
0x99: {  	s19 =	simm.s32 $_scs_section_size  }
0x9a: {  	s4 =	simm.s32 $_size__tile_overlayer_lowered;
	s5 =	simm.s32 $_tile_overlayer_lowered  }
0x9b: {  	s22 =	simm.s32 $0x1BFF;
	s21 =	sshll.u32 s5, $0x1;
	s2 =	sadd.s32 s19, s18  }
0x9c: {  	s6 =	simm.s32 $0x0;
	s20 =	sshll.u32 s4, $0x1;
	s4 =	sadd.s32 s21, s2  }
0x9d: {  	[timem:s6], [sflag:s22] =	dma.local [hbm:s4], s20  }
0x9e: {  	_ =	swait.ge [sflag:s22], s20  }
0x9f: {  	s3 =	ssub.s32 $0x0, s20;
	[sflag:s22] =	ssyncset.done $0x0  }
0xa0: {  	[sflag:s22] =	ssyncadd.s32 s3;
	_ =	sdelay $0x1  }
0xa1: {  	s23 =	simm.s32 $0x1B8B  }
0xa2: {  	_ =	swait.ge [sflag:s23], $0x1  }
0xa3: {  	[sflag:s23] =	ssyncset.done $0x0  }
0xa4: {  	s25 =	simm.s32 $0x1B8E;
	s24 =	sld [smem:$0x3FFE];
	[sflag:s23] =	ssyncadd.s32 $0xFFFFFFFF  }
0xa5: {  	s26 =	simm.s32 $execute0_lowered;
	[smem:$0x3FD2] =	sst s25  }
0xa6: {  	s4 =	sshll.u32 s26, $0x1;
	_ =	strace $0x80000046;
	[dreg:$0x1] =	wrdreg $0xFFFFFFFF  }
0xa7: {  	s28 =	simm.s32 $_size_execute0_lowered;
	s2 =	sadd.s32 s2, s4;
	[dreg:$0x0] =	wrdreg $0x0  }
0xa8: {  	s4 =	sshll.u32 s28, $0x1;
	[dreg:$0x2] =	wrdreg s2  }
0xa9: {  	[dreg:$0x3] =	wrdreg s4  }
0xaa: {  	[dreg:$0x4] =	wrdreg $0xC0  }
0xab: {  	_ =	task [dreg:s6], $0x5FFFF  }
0xac: {  	[dreg:$0x1] =	wrdreg $0xFFFFFFFF  }
0xad: {  	[dreg:$0x0] =	wrdreg $0x60  }
0xae: {  	[dreg:$0x2] =	wrdreg s24  }
0xaf: {  	[dreg:$0x3] =	wrdreg $0x5C800  }
0xb0: {  	[dreg:$0x4] =	wrdreg $0x9  }
0xb1: {  	_ =	task.clear_ibuf [dreg:s6], $0x5FFFF;
	_ =	strace $0x90000046  }
0xb2: {  	s29 =	simm.s32 $0x9;
	_ =	strace $0x80000048  }
0xb3: {  	_ =	swait.ge [sflag:s29], $0x1  }
0xb4: {  	[sflag:s29] =	ssyncadd.s32 $0xFFFFFFFF  }
0xb5: {  	_ =	strace $0x90000048  }
0xb6: {  	_ =	sfence  }
0xb7: {  	s30 =	sld [smem:$0x0];
	_ =	sdelay $0x2  }
0xb8: {  	s31 =	sshll.u32 s1, $0xD;
	s1 =	sshrl.u32 s1, $0x2  }
0xb9: {  	s3 =	sand.u32 $0x4000, s31;
	s1 =	sadd.s32 s1, s30  }
0xba: {  	s0 =	sor.u32 s3, s0;
	s1 =	sshll.u32 s1, $0x11  }
0xbb: {  	s0 =	sor.u32 s1, s0  }
0xbc: {  	s0 =	sadd.s32 $0x8F2B, s0  }
0xbd: {  	[sflag:s0] =	ssyncadd.remote.s32 $0x1  }
0xbe: {  	_ =	sfence.sel $0xFFFF  }
0xbf: {  	[dreg:$0x0] =	wrdreg $0xFFFFFFFF;
	(pc) =	sbr.abs _section_cstart, $3  }
0xc0: {  	[dreg:$0x1] =	wrdreg $0xFFFFFFFF  }
0xc1: {  	_ =	task.clear_ibuf [dreg:s6], $0x2FFFF;
	_ =	strace $0x9FFFFFFF  }
0xc2: {  	(tm) =	ssettm $0x7FFFFFFF  }
0xc3: {  	_ =	shalt  }
tec
execute0_lowered:
.L_overlay_start_1:
0x0: {  	(tag) =	ssettag $0x1  }
0x1: {  	s0 =	srdreg.scid  }
0x2: {  	s4 =	rddreg [dreg:$0x0];
	s7 =	stileid.u32  }
0x3: {  	s1 =	rddreg [dreg:$0x1];
	s2 =	simm.s32 $0x0;
	s3 =	sand.u32 $0x1, s0  }
0x4: {  	s9 =	simm.s32 $0x1900;
	s10 =	simm.s32 $0x64;
	s0 =	sshll.u32 s3, $0x4  }
0x5: {  	s11 =	simm.s32 $0x3400;
	s6 =	smul.u32 $0x2800, s3;
	s5 =	sor.u32 s7, s0  }
0x6: {  	[smem:$0x7FF] =	sst s2;
	p0 =	sne.s32 s7, $0x0;
	s5 =	smul.u32 $0x3800, s5  }
0x7: {  	s3 =	ssub.s32 $0x2, s3;
	s12 =	sshrl.u32 @!p0 s1, $0x3;
	s0 =	rddreg [dreg:$0x2]  }
0x8: {  	_ =	strace $0x80000047;
	s31 =	sshrl.u32 s3, $0x1;
	s5 =	sshrl.u32 s5, $0x3  }
0x9: {  	s7 =	simm.s32 $0x3480;
	s6 =	sadd.s32 s6, s4;
	s5 =	sadd.s32 s5, s4  }
0xa: {  	s8 =	ssub.s32 s3, s31;
	s3 =	sadd.s32 $0x3000, s5;
	s4 =	sadd.s32 $0x3380, s5  }
0xb: {  	v0 =	vimm.f32 $1.000000000e+00;
	v1 =	vimm.f32 $0.0e+00;
	s5 =	sadd.s32 $0x11000, s6;
	s6 =	smax.u32 s8, $0x1;
	s8 =	simm.s32 $0x1  }
.LBB2_1:
0xc: {  	[tilespmem:$0x3400] =	vst v0  }
0xd: {  	[tilespmem:$0x3410] =	vst v0  }
0xe: {  	[tilespmem:$0x3420] =	vst v0  }
.Ltmp0:
0xf: {  	[tilespmem:$0x3430] =	vst v0;
	(pc) =	sbr.rel @p0 .LBB2_5-.Ltmp0, $4  }
0x10: {  	[tilespmem:$0x3440] =	vst v0  }
0x11: {  	[tilespmem:$0x3450] =	vst v0  }
0x12: {  	[tilespmem:$0x3460] =	vst v0  }
0x13: {  	[tilespmem:$0x3470] =	vst v0  }
0x14: {  	s13 =	simm.s32 $0x40;
	s14 =	simm.s32 $0x0  }
.LBB2_3:
0x15: {  	p1 =	sne.s32 s13, $0x9FC0;
	[tilespmem:s14+$0x3480] =	vst v1;
	s14 =	smov.u32 s13;
	s13 =	sadd.s32 $0x40, s13  }
.Ltmp1:
0x16: {  	(pc) =	sbr.rel @p1 .LBB2_3-.Ltmp1, $2  }
0x17: {  	_ =	sdelay $0x2  }
0x18: {  	s14 =	sshra.s32 s14, $0x2  }
0x19: {  	[tilespmem:s14+$0x3480] =	vst v1  }
0x1a: {  	[spmem:s1] =	stream.linear.scatter [tilespmem:s7], [sflag:$0x1], $0x2800, $0x38;
	[tilespmem:$0x5F00] =	vst v63  }
0x1b: {  	_ =	swait.ge [sflag:s8], $0x2800  }
0x1c: {  	[sflag:s8] =	ssyncset.done $0x0  }
0x1d: {  	[sflag:s8] =	ssyncadd.s32 $0xFFFFD800  }
.LBB2_5:
0x1e: {  	s13 =	simm.s32 $0x0  }
0x1f: {  	[tilespmem:s13], [sflag:$0x1] =	stream.linear.gather [hbm4b:s3+s13], $0x1900, $0x38;
	[tilespmem:$0x5F00] =	vst v63  }
0x20: {  	_ =	swait.ge [sflag:s8], $0x1900  }
0x21: {  	[sflag:s8] =	ssyncset.done $0x0  }
0x22: {  	[sflag:s8] =	ssyncadd.s32 $0xFFFFE700  }
0x23: {  	[tilespmem:s9], [sflag:$0x1] =	stream.linear.gather [hbm4b:s4+s13], $0x1900, $0x38;
	[tilespmem:$0x5F00] =	vst v63  }
0x24: {  	_ =	swait.ge [sflag:s8], $0x1900  }
0x25: {  	[sflag:s8] =	ssyncset.done $0x0  }
0x26: {  	[sflag:s8] =	ssyncadd.s32 $0xFFFFE700  }
0x27: {  	s31 =	simm.s32 $0x0;
	[bflag:$0x0] =	sbarrier.arrive $0xFFFF  }
0x28: {  	[spmem:s1] =	stream.indirect.scatter.add.f32 [tilespmem:s11], [sflag:$0x1], $0x1, s31, s10, $0xb8;
	[tilespmem:$0x5F00] =	vst v63  }
0x29: {  	_ =	swait.ge [sflag:s8], $0x64  }
0x2a: {  	s13 =	simm.s32 $0x200;
	[sflag:s8] =	ssyncset.done $0x0  }
.LBB2_6:
0x2b: {  	s14 =	sshra.s32 s13, $0x2;
	[sflag:s8] =	ssyncadd.s32 $0xFFFFFF9C;
	p1 =	sne.s32 s13, $0xC600  }
0x2c: {  	[spmem:s1] =	stream.indirect.scatter.add.f32 [tilespmem:s11], [sflag:$0x1], $0x1, s14, s10, $0xb8;
	[tilespmem:$0x5F00] =	vst v63  }
.Ltmp2:
0x2d: {  	_ = 	snop;
	(pc) =	sbr.rel @p1 .LBB2_6-.Ltmp2, $4  }
0x2e: {  	_ = 	snop  }
0x2f: {  	s13 =	sadd.s32 $0x200, s13  }
0x30: {  	_ =	swait.ge [sflag:s8], $0x64  }
0x31: {  	[sflag:s8] =	ssyncset.done $0x0  }
0x32: {  	[sflag:s8] =	ssyncadd.s32 $0xFFFFFF9C;
	s13 =	simm.s32 @!p0 $0x1;
	s2 =	sadd.s32 $0x1, s2  }
0x33: {  	s14 =	simm.s32 @!p0 $0x80;
	s15 =	simm.s32 @!p0 $0x10;
	p1 =	sne.s32 s2, s6  }
.Ltmp3:
0x34: {  	s16 =	simm.s32 @!p0 $0x1C01;
	[bflag:$0x0] =	sbarrier.arrive $0xFFFF;
	(pc) =	sbr.rel @p1 .LBB2_1-.Ltmp3, $4  }
0x35: {  	[hbm:s5@s14], [sflag:s16] =	dma.strided @!p0 [spmem:s12@s15], $0x500, s13, $0x10   }
0x36: {  	_ =	swait.ge @!p0 [sflag:s13], $0x500  }
0x37: {  	[sflag:s13] =	ssyncset.done @!p0 $0x0  }
0x38: {  	[sflag:s13] =	ssyncadd.s32 @!p0 $0xFFFFFB00  }
0x39: {  	_ =	sfence.sel $0x180000  }
0x3a: {  	[bflag:$0x0] =	sbarrier.arrive $0xFFFF  }
0x3b: {  	_ =	strace $0x90000047  }
0x3c: {  	s0 =	sadd.s32 @!p0 $0x100000, s0;
	[bflag:$0x2] =	sbarrier.arrive $0xFFFF  }
0x3d: {  	[sflag:s0] =	ssyncadd.tile.s32 @!p0 $0x1;
	_ =	shalt  }
.Lfunc_end2:
_tile_overlayer_lowered:
.L_overlay_start_2:
0x3e: {  	(tag) =	ssettag $0x2  }
0x3f: {  	s0 =	rddreg [dreg:$0x0];
	s2 =	stileid.u32  }
0x40: {  	s1 =	rddreg [dreg:$0x1];
	p0 =	sne.s32 s2, $0x0  }
0x41: {  	s3 =	rddreg [dreg:$0x2];
	[bflag:$0x3] =	sbarrier.arrive $0xFFFF;
	s2 =	simm.s32 @!p0 $0x1C01  }
0x42: {  	[timem:s3], [sflag:s2] =	dma.local @!p0 [hbm:s0], s1  }
0x43: {  	s0 =	simm.s32 @!p0 $0x1  }
0x44: {  	_ =	swait.ge @!p0 [sflag:s0], s1  }
0x45: {  	s1 =	ssub.s32 @!p0 $0x0, s1;
	[sflag:s0] =	ssyncset.done @!p0 $0x0  }
0x46: {  	[sflag:s0] =	ssyncadd.s32 @!p0 s1  }
0x47: {  	[bflag:$0x3] =	sbarrier.arrive $0xFFFF  }
0x48: {  	_ =	shalt  }

</sc_bundles>
